<compile_context>
chip_gen: v7x
topology: tpu7x:2x2x1
jax: 0.10.2.dev20260603
libtpu: 0.0.44.dev20260713+nightly
codegen_flags: <defaults>
</compile_context>

<pallas_src>
import functools

import jax
import jax.numpy as jnp
from jax import lax
from jax.experimental import pallas as pl
from jax.experimental.pallas import tpu as pltpu
from jax.experimental.pallas import tpu_sc as plsc

VOCAB = 100000
D = 64
DP = 128
S = 200
B = 1024
NW = 32
SEQ_PER_W = B // NW
LANES = 16
NB = 4
SPLIT = 128


def _make_kernel():
    mesh = plsc.VectorSubcoreMesh(core_axis_name="c", subcore_axis_name="s")

    @functools.partial(
        pl.kernel,
        mesh=mesh,
        out_type=jax.ShapeDtypeStruct((B * S, DP), jnp.float32),
        scratch_types=[
            pltpu.VMEM((SEQ_PER_W * S,), jnp.int32),
            pltpu.VMEM((NB, S, D), jnp.float32),
            pltpu.VMEM((S * D,), jnp.float32),
            pltpu.SemaphoreType.DMA((NB,)),
            pltpu.SemaphoreType.DMA((NB,)),
        ],
        compiler_params=pltpu.CompilerParams(use_tc_tiling_on_sc=False),
    )
    def k(seq_hbm, tok_hbm, pos_hbm, out_hbm, idx_v, rows_v, pos_v, gsem, osem):
        wid = lax.axis_index("s") * 2 + lax.axis_index("c")
        base_row = wid * (SEQ_PER_W * S)

        pltpu.sync_copy(seq_hbm.at[pl.ds(base_row, SEQ_PER_W * S)], idx_v)
        pltpu.sync_copy(pos_hbm, pos_v)

        def gather_descs(s, b):
            off = s * S
            c1 = pltpu.make_async_copy(
                tok_hbm.at[idx_v.at[pl.ds(off, SPLIT)]],
                rows_v.at[b, pl.ds(0, SPLIT)], gsem.at[b])
            c2 = pltpu.make_async_copy(
                tok_hbm.at[idx_v.at[pl.ds(off + SPLIT, S - SPLIT)]],
                rows_v.at[b, pl.ds(SPLIT, S - SPLIT)], gsem.at[b])
            return c1, c2

        def out_desc(s, b):
            return pltpu.make_async_copy(
                rows_v.at[b],
                out_hbm.at[pl.ds(base_row + s * S, S), pl.ds(0, D)],
                osem.at[b])

        def add_slot(b):
            def add_body(i, c):
                r = i * 4
                for j in range(4):
                    for q in range(D // LANES):
                        plsc.addupdate(
                            rows_v.at[b, r + j, pl.ds(q * LANES, LANES)],
                            pos_v[pl.ds((r + j) * D + q * LANES, LANES)],
                        )
                return c
            lax.fori_loop(0, S // 4, add_body, 0)

        for s0 in range(NB - 1):
            c1, c2 = gather_descs(s0, s0)
            c1.start()
            c2.start()

        def body(i, carry):
            s_base = i * NB
            for b in range(NB):
                s = s_base + b
                c1, c2 = gather_descs(s, b)
                c1.wait()
                c2.wait()
                add_slot(b)
                out_desc(s, b).start()
                t = s + NB - 1
                bt = (b + NB - 1) % NB

                @pl.when(t < SEQ_PER_W)
                def _prefetch():
                    @pl.when(s >= 1)
                    def _drain_prev():
                        out_desc(s - 1, bt).wait()
                    g1, g2 = gather_descs(t, bt)
                    g1.start()
                    g2.start()
            return carry

        lax.fori_loop(0, SEQ_PER_W // NB, body, 0)

        for b in range(NB):
            out_desc(SEQ_PER_W - NB + b, b).wait()

    return k


_kernel_call = _make_kernel()


def kernel(sequence, token_table, pos_table):
    seq_flat = sequence.reshape(-1).astype(jnp.int32)
    pos_flat = pos_table.reshape(-1)
    out = _kernel_call(seq_flat, token_table, pos_flat)
    return out[:, :D].reshape(B, S, D)

# --- scband reference (transcript-rebuilt; emitter-appended) ---
"""Pipeline reference for scband-bertembedding-4054449127625 (READ-ONLY COPY).

The authoritative reference and input builder live on the scoring server;
editing this copy changes nothing except your own understanding.
"""

import jax, jax.numpy as jnp
import numpy as np

VOCAB_SIZE = 100000
EMBED_SIZE = 64
SEQ_LEN = 200
BATCH = 1024


def setup_inputs(seed: int = 0) -> dict:
    key = jax.random.key(seed)
    k1, k2, k3 = jax.random.split(key, 3)
    sequence = jax.random.randint(k1, (BATCH, SEQ_LEN), 0, VOCAB_SIZE, dtype=jnp.int64 if jax.config.jax_enable_x64 else jnp.int32)
    token_table = jax.random.normal(k2, (VOCAB_SIZE, EMBED_SIZE), dtype=jnp.float32)
    # padding_idx=0 -> row 0 initialized to zeros, as in torch nn.Embedding(padding_idx=0)
    token_table = token_table.at[0].set(0.0)
    pos_table = jax.random.normal(k3, (SEQ_LEN, EMBED_SIZE), dtype=jnp.float32)
    return {"sequence": sequence, "token_table": token_table, "pos_table": pos_table}


def reference(sequence, token_table, pos_table):
    # TokenEmbedding: gather rows of token table
    token_embed = jnp.take(token_table, sequence, axis=0)  # [B, S, D]
    # PositionalEmbedding: positions = arange(seq_len) expanded over batch
    seq_len = sequence.shape[1]
    positions = jnp.arange(seq_len)
    pos_embed = jnp.take(pos_table, positions, axis=0)[None, :, :]  # [1, S, D] broadcasts over batch
    x = token_embed + pos_embed
    # dropout in eval mode is identity
    return x

if __name__ == "__main__":
    import jax
    _d = setup_inputs()
    print(jax.jit(kernel)(*tuple(_d.values())))

</pallas_src>

<mosaic_0001>
#map = affine_map<(d0, d1) -> (0)>
#map1 = affine_map<(d0, d1) -> (0, 0)>
module attributes {stable_mosaic.version = 14 : i64} {
  func.func @k(%arg0: i32, %arg1: i32, %arg2: memref<204800xi32, #tpu.memory_space<hbm>>, %arg3: memref<100000x64xf32, #tpu.memory_space<hbm>>, %arg4: memref<12800xf32, #tpu.memory_space<hbm>>, %arg5: memref<204800x128xf32, #tpu.memory_space<hbm>>, %arg6: memref<6400xi32, #tpu.memory_space<vmem>>, %arg7: memref<4x200x64xf32, #tpu.memory_space<vmem>>, %arg8: memref<12800xf32, #tpu.memory_space<vmem>>, %arg9: memref<4x!tpu.dma_semaphore, #tpu.memory_space<semaphore_mem>>, %arg10: memref<4x!tpu.dma_semaphore, #tpu.memory_space<semaphore_mem>>) attributes {dimension_semantics = [#tpu.dimension_semantics<core_parallel>, #tpu.dimension_semantics<subcore_parallel>], iteration_bounds = array<i64: 2, 16>, scalar_prefetch = 0 : i64, scratch_operands = 5 : i64, tpu.core_type = #tpu.core_type<sc_vector_subcore>, window_params = [{transform_indices = #map}, {transform_indices = #map1}, {transform_indices = #map}, {transform_indices = #map1}]} {
    %mul3A = arith.constant 2 : i32
    %mul3A_0 = arith.muli %arg1, %mul3A : i32
    %add3A = arith.addi %mul3A_0, %arg0 : i32
    %mul3A_1 = arith.constant 6400 : i32
    %mul3A_2 = arith.muli %add3A, %mul3A_1 : i32
    "tpu.region"() ({
      %run_scoped3A = tpu.sem_alloc : memref<!tpu.dma_semaphore, #tpu.memory_space<semaphore_mem>>
      %dma_start3A_156 = tpu.memref_slice %arg2[%mul3A_2] : memref<204800xi32, #tpu.memory_space<hbm>> -> memref<6400xi32, #tpu.memory_space<hbm>>
      %dma_start3A_157 = tpu.memref_slice %arg2[%mul3A_2] : memref<204800xi32, #tpu.memory_space<hbm>> -> memref<6400xi32, #tpu.memory_space<hbm>>
      tpu.enqueue_dma source(%dma_start3A_157 : memref<6400xi32, #tpu.memory_space<hbm>>) target(%arg6 : memref<6400xi32, #tpu.memory_space<vmem>>) target_semaphore(%run_scoped3A : memref<!tpu.dma_semaphore, #tpu.memory_space<semaphore_mem>>)
      %dma_wait3A_158 = tpu.memref_slice %arg2[%mul3A_2] : memref<204800xi32, #tpu.memory_space<hbm>> -> memref<6400xi32, #tpu.memory_space<hbm>>
      %dma_wait3A_159 = tpu.memref_slice %arg2[%mul3A_2] : memref<204800xi32, #tpu.memory_space<hbm>> -> memref<6400xi32, #tpu.memory_space<hbm>>
      tpu.wait_dma2 semaphore(%run_scoped3A : memref<!tpu.dma_semaphore, #tpu.memory_space<semaphore_mem>>) src(%dma_wait3A_159 : memref<6400xi32, #tpu.memory_space<hbm>>) dst(%arg6 : memref<6400xi32, #tpu.memory_space<vmem>>)
      tpu.yield
    }) : () -> ()
    "tpu.region"() ({
      %run_scoped3A = tpu.sem_alloc : memref<!tpu.dma_semaphore, #tpu.memory_space<semaphore_mem>>
      tpu.enqueue_dma source(%arg4 : memref<12800xf32, #tpu.memory_space<hbm>>) target(%arg8 : memref<12800xf32, #tpu.memory_space<vmem>>) target_semaphore(%run_scoped3A : memref<!tpu.dma_semaphore, #tpu.memory_space<semaphore_mem>>)
      tpu.wait_dma2 semaphore(%run_scoped3A : memref<!tpu.dma_semaphore, #tpu.memory_space<semaphore_mem>>) src(%arg4 : memref<12800xf32, #tpu.memory_space<hbm>>) dst(%arg8 : memref<12800xf32, #tpu.memory_space<vmem>>)
      tpu.yield
    }) : () -> ()
    %dma_start3A = arith.constant 0 : i32
    %dma_start3A_3 = arith.constant 0 : i32
    %dma_start3A_4 = arith.constant 0 : i32
    %dma_start3A_5 = arith.constant 0 : i32
    %dma_start3A_6 = tpu.memref_slice %arg7[%dma_start3A, %dma_start3A_4, %dma_start3A_5] : memref<4x200x64xf32, #tpu.memory_space<vmem>> -> memref<1x128x64xf32, #tpu.memory_space<vmem>>
    %dma_start3A_7 = tpu.memref_squeeze %dma_start3A_6 : memref<1x128x64xf32, #tpu.memory_space<vmem>> -> memref<128x64xf32, #tpu.memory_space<vmem>>
    %dma_start3A_8 = arith.constant 0 : i32
    %dma_start3A_9 = tpu.memref_slice %arg6[%dma_start3A_8] : memref<6400xi32, #tpu.memory_space<vmem>> -> memref<128xi32, #tpu.memory_space<vmem>>
    %dma_start3A_10 = arith.constant 0 : i32
    %dma_start3A_11 = arith.constant 0 : i32
    %dma_start3A_12 = tpu.memref_slice %arg3[%dma_start3A_10, %dma_start3A_11] : memref<100000x64xf32, #tpu.memory_space<hbm>> -> memref<100000x64xf32, #tpu.memory_space<hbm>>
    %dma_start3A_13 = tpu.memref_slice %arg9[%dma_start3A_3] : memref<4x!tpu.dma_semaphore, #tpu.memory_space<semaphore_mem>> -> memref<1x!tpu.dma_semaphore, #tpu.memory_space<semaphore_mem>>
    %dma_start3A_14 = tpu.memref_squeeze %dma_start3A_13 : memref<1x!tpu.dma_semaphore, #tpu.memory_space<semaphore_mem>> -> memref<!tpu.dma_semaphore, #tpu.memory_space<semaphore_mem>>
    tpu.enqueue_indirect_dma source(%dma_start3A_12 : memref<100000x64xf32, #tpu.memory_space<hbm>>) target(%dma_start3A_7 : memref<128x64xf32, #tpu.memory_space<vmem>>) offsets(%dma_start3A_9 : memref<128xi32, #tpu.memory_space<vmem>>) semaphore(%dma_start3A_14 : memref<!tpu.dma_semaphore, #tpu.memory_space<semaphore_mem>>)
    %dma_start3A_15 = arith.constant 0 : i32
    %dma_start3A_16 = arith.constant 0 : i32
    %dma_start3A_17 = arith.constant 128 : i32
    %dma_start3A_18 = arith.constant 0 : i32
    %dma_start3A_19 = tpu.memref_slice %arg7[%dma_start3A_15, %dma_start3A_17, %dma_start3A_18] : memref<4x200x64xf32, #tpu.memory_space<vmem>> -> memref<1x72x64xf32, #tpu.memory_space<vmem>>
    %dma_start3A_20 = tpu.memref_squeeze %dma_start3A_19 : memref<1x72x64xf32, #tpu.memory_space<vmem>> -> memref<72x64xf32, #tpu.memory_space<vmem>>
    %dma_start3A_21 = arith.constant 128 : i32
    %dma_start3A_22 = tpu.memref_slice %arg6[%dma_start3A_21] : memref<6400xi32, #tpu.memory_space<vmem>> -> memref<72xi32, #tpu.memory_space<vmem>>
    %dma_start3A_23 = arith.constant 0 : i32
    %dma_start3A_24 = arith.constant 0 : i32
    %dma_start3A_25 = tpu.memref_slice %arg3[%dma_start3A_23, %dma_start3A_24] : memref<100000x64xf32, #tpu.memory_space<hbm>> -> memref<100000x64xf32, #tpu.memory_space<hbm>>
    %dma_start3A_26 = tpu.memref_slice %arg9[%dma_start3A_16] : memref<4x!tpu.dma_semaphore, #tpu.memory_space<semaphore_mem>> -> memref<1x!tpu.dma_semaphore, #tpu.memory_space<semaphore_mem>>
    %dma_start3A_27 = tpu.memref_squeeze %dma_start3A_26 : memref<1x!tpu.dma_semaphore, #tpu.memory_space<semaphore_mem>> -> memref<!tpu.dma_semaphore, #tpu.memory_space<semaphore_mem>>
    tpu.enqueue_indirect_dma source(%dma_start3A_25 : memref<100000x64xf32, #tpu.memory_space<hbm>>) target(%dma_start3A_20 : memref<72x64xf32, #tpu.memory_space<vmem>>) offsets(%dma_start3A_22 : memref<72xi32, #tpu.memory_space<vmem>>) semaphore(%dma_start3A_27 : memref<!tpu.dma_semaphore, #tpu.memory_space<semaphore_mem>>)
    %dma_start3A_28 = arith.constant 1 : i32
    %dma_start3A_29 = arith.constant 1 : i32
    %dma_start3A_30 = arith.constant 0 : i32
    %dma_start3A_31 = arith.constant 0 : i32
    %dma_start3A_32 = tpu.memref_slice %arg7[%dma_start3A_28, %dma_start3A_30, %dma_start3A_31] : memref<4x200x64xf32, #tpu.memory_space<vmem>> -> memref<1x128x64xf32, #tpu.memory_space<vmem>>
    %dma_start3A_33 = tpu.memref_squeeze %dma_start3A_32 : memref<1x128x64xf32, #tpu.memory_space<vmem>> -> memref<128x64xf32, #tpu.memory_space<vmem>>
    %dma_start3A_34 = arith.constant 200 : i32
    %dma_start3A_35 = tpu.memref_slice %arg6[%dma_start3A_34] : memref<6400xi32, #tpu.memory_space<vmem>> -> memref<128xi32, #tpu.memory_space<vmem>>
    %dma_start3A_36 = arith.constant 0 : i32
    %dma_start3A_37 = arith.constant 0 : i32
    %dma_start3A_38 = tpu.memref_slice %arg3[%dma_start3A_36, %dma_start3A_37] : memref<100000x64xf32, #tpu.memory_space<hbm>> -> memref<100000x64xf32, #tpu.memory_space<hbm>>
    %dma_start3A_39 = tpu.memref_slice %arg9[%dma_start3A_29] : memref<4x!tpu.dma_semaphore, #tpu.memory_space<semaphore_mem>> -> memref<1x!tpu.dma_semaphore, #tpu.memory_space<semaphore_mem>>
    %dma_start3A_40 = tpu.memref_squeeze %dma_start3A_39 : memref<1x!tpu.dma_semaphore, #tpu.memory_space<semaphore_mem>> -> memref<!tpu.dma_semaphore, #tpu.memory_space<semaphore_mem>>
    tpu.enqueue_indirect_dma source(%dma_start3A_38 : memref<100000x64xf32, #tpu.memory_space<hbm>>) target(%dma_start3A_33 : memref<128x64xf32, #tpu.memory_space<vmem>>) offsets(%dma_start3A_35 : memref<128xi32, #tpu.memory_space<vmem>>) semaphore(%dma_start3A_40 : memref<!tpu.dma_semaphore, #tpu.memory_space<semaphore_mem>>)
    %dma_start3A_41 = arith.constant 1 : i32
    %dma_start3A_42 = arith.constant 1 : i32
    %dma_start3A_43 = arith.constant 128 : i32
    %dma_start3A_44 = arith.constant 0 : i32
    %dma_start3A_45 = tpu.memref_slice %arg7[%dma_start3A_41, %dma_start3A_43, %dma_start3A_44] : memref<4x200x64xf32, #tpu.memory_space<vmem>> -> memref<1x72x64xf32, #tpu.memory_space<vmem>>
    %dma_start3A_46 = tpu.memref_squeeze %dma_start3A_45 : memref<1x72x64xf32, #tpu.memory_space<vmem>> -> memref<72x64xf32, #tpu.memory_space<vmem>>
    %dma_start3A_47 = arith.constant 328 : i32
    %dma_start3A_48 = tpu.memref_slice %arg6[%dma_start3A_47] : memref<6400xi32, #tpu.memory_space<vmem>> -> memref<72xi32, #tpu.memory_space<vmem>>
    %dma_start3A_49 = arith.constant 0 : i32
    %dma_start3A_50 = arith.constant 0 : i32
    %dma_start3A_51 = tpu.memref_slice %arg3[%dma_start3A_49, %dma_start3A_50] : memref<100000x64xf32, #tpu.memory_space<hbm>> -> memref<100000x64xf32, #tpu.memory_space<hbm>>
    %dma_start3A_52 = tpu.memref_slice %arg9[%dma_start3A_42] : memref<4x!tpu.dma_semaphore, #tpu.memory_space<semaphore_mem>> -> memref<1x!tpu.dma_semaphore, #tpu.memory_space<semaphore_mem>>
    %dma_start3A_53 = tpu.memref_squeeze %dma_start3A_52 : memref<1x!tpu.dma_semaphore, #tpu.memory_space<semaphore_mem>> -> memref<!tpu.dma_semaphore, #tpu.memory_space<semaphore_mem>>
    tpu.enqueue_indirect_dma source(%dma_start3A_51 : memref<100000x64xf32, #tpu.memory_space<hbm>>) target(%dma_start3A_46 : memref<72x64xf32, #tpu.memory_space<vmem>>) offsets(%dma_start3A_48 : memref<72xi32, #tpu.memory_space<vmem>>) semaphore(%dma_start3A_53 : memref<!tpu.dma_semaphore, #tpu.memory_space<semaphore_mem>>)
    %dma_start3A_54 = arith.constant 2 : i32
    %dma_start3A_55 = arith.constant 2 : i32
    %dma_start3A_56 = arith.constant 0 : i32
    %dma_start3A_57 = arith.constant 0 : i32
    %dma_start3A_58 = tpu.memref_slice %arg7[%dma_start3A_54, %dma_start3A_56, %dma_start3A_57] : memref<4x200x64xf32, #tpu.memory_space<vmem>> -> memref<1x128x64xf32, #tpu.memory_space<vmem>>
    %dma_start3A_59 = tpu.memref_squeeze %dma_start3A_58 : memref<1x128x64xf32, #tpu.memory_space<vmem>> -> memref<128x64xf32, #tpu.memory_space<vmem>>
    %dma_start3A_60 = arith.constant 400 : i32
    %dma_start3A_61 = tpu.memref_slice %arg6[%dma_start3A_60] : memref<6400xi32, #tpu.memory_space<vmem>> -> memref<128xi32, #tpu.memory_space<vmem>>
    %dma_start3A_62 = arith.constant 0 : i32
    %dma_start3A_63 = arith.constant 0 : i32
    %dma_start3A_64 = tpu.memref_slice %arg3[%dma_start3A_62, %dma_start3A_63] : memref<100000x64xf32, #tpu.memory_space<hbm>> -> memref<100000x64xf32, #tpu.memory_space<hbm>>
    %dma_start3A_65 = tpu.memref_slice %arg9[%dma_start3A_55] : memref<4x!tpu.dma_semaphore, #tpu.memory_space<semaphore_mem>> -> memref<1x!tpu.dma_semaphore, #tpu.memory_space<semaphore_mem>>
    %dma_start3A_66 = tpu.memref_squeeze %dma_start3A_65 : memref<1x!tpu.dma_semaphore, #tpu.memory_space<semaphore_mem>> -> memref<!tpu.dma_semaphore, #tpu.memory_space<semaphore_mem>>
    tpu.enqueue_indirect_dma source(%dma_start3A_64 : memref<100000x64xf32, #tpu.memory_space<hbm>>) target(%dma_start3A_59 : memref<128x64xf32, #tpu.memory_space<vmem>>) offsets(%dma_start3A_61 : memref<128xi32, #tpu.memory_space<vmem>>) semaphore(%dma_start3A_66 : memref<!tpu.dma_semaphore, #tpu.memory_space<semaphore_mem>>)
    %dma_start3A_67 = arith.constant 2 : i32
    %dma_start3A_68 = arith.constant 2 : i32
    %dma_start3A_69 = arith.constant 128 : i32
    %dma_start3A_70 = arith.constant 0 : i32
    %dma_start3A_71 = tpu.memref_slice %arg7[%dma_start3A_67, %dma_start3A_69, %dma_start3A_70] : memref<4x200x64xf32, #tpu.memory_space<vmem>> -> memref<1x72x64xf32, #tpu.memory_space<vmem>>
    %dma_start3A_72 = tpu.memref_squeeze %dma_start3A_71 : memref<1x72x64xf32, #tpu.memory_space<vmem>> -> memref<72x64xf32, #tpu.memory_space<vmem>>
    %dma_start3A_73 = arith.constant 528 : i32
    %dma_start3A_74 = tpu.memref_slice %arg6[%dma_start3A_73] : memref<6400xi32, #tpu.memory_space<vmem>> -> memref<72xi32, #tpu.memory_space<vmem>>
    %dma_start3A_75 = arith.constant 0 : i32
    %dma_start3A_76 = arith.constant 0 : i32
    %dma_start3A_77 = tpu.memref_slice %arg3[%dma_start3A_75, %dma_start3A_76] : memref<100000x64xf32, #tpu.memory_space<hbm>> -> memref<100000x64xf32, #tpu.memory_space<hbm>>
    %dma_start3A_78 = tpu.memref_slice %arg9[%dma_start3A_68] : memref<4x!tpu.dma_semaphore, #tpu.memory_space<semaphore_mem>> -> memref<1x!tpu.dma_semaphore, #tpu.memory_space<semaphore_mem>>
    %dma_start3A_79 = tpu.memref_squeeze %dma_start3A_78 : memref<1x!tpu.dma_semaphore, #tpu.memory_space<semaphore_mem>> -> memref<!tpu.dma_semaphore, #tpu.memory_space<semaphore_mem>>
    tpu.enqueue_indirect_dma source(%dma_start3A_77 : memref<100000x64xf32, #tpu.memory_space<hbm>>) target(%dma_start3A_72 : memref<72x64xf32, #tpu.memory_space<vmem>>) offsets(%dma_start3A_74 : memref<72xi32, #tpu.memory_space<vmem>>) semaphore(%dma_start3A_79 : memref<!tpu.dma_semaphore, #tpu.memory_space<semaphore_mem>>)
    %scan3A = arith.constant 0 : i32
    %scan3A_80 = arith.constant 0 : i32
    %scan3A_81 = arith.constant 8 : i32
    %scan3A_82 = arith.addi %scan3A_80, %scan3A_81 : i32
    %scan3A_83 = arith.constant 1 : i32
    scf.for %scan3A_156 = %scan3A_80 to %scan3A_82 step %scan3A_83  : i32 {
      %mul3A_157 = arith.constant 4 : i32
      %mul3A_158 = arith.muli %scan3A_156, %mul3A_157 : i32
      %add3A_159 = arith.constant 0 : i32
      %add3A_160 = arith.addi %mul3A_158, %add3A_159 : i32
      %mul3A_161 = arith.constant 200 : i32
      %mul3A_162 = arith.muli %add3A_160, %mul3A_161 : i32
      %add3A_163 = arith.constant 128 : i32
      %add3A_164 = arith.addi %mul3A_162, %add3A_163 : i32
      %dma_wait3A_165 = arith.constant 0 : i32
      %dma_wait3A_166 = arith.constant 0 : i32
      %dma_wait3A_167 = arith.constant 0 : i32
      %dma_wait3A_168 = arith.constant 0 : i32
      %dma_wait3A_169 = tpu.memref_slice %arg7[%dma_wait3A_165, %dma_wait3A_167, %dma_wait3A_168] : memref<4x200x64xf32, #tpu.memory_space<vmem>> -> memref<1x128x64xf32, #tpu.memory_space<vmem>>
      %dma_wait3A_170 = tpu.memref_squeeze %dma_wait3A_169 : memref<1x128x64xf32, #tpu.memory_space<vmem>> -> memref<128x64xf32, #tpu.memory_space<vmem>>
      %dma_wait3A_171 = tpu.memref_slice %arg6[%mul3A_162] : memref<6400xi32, #tpu.memory_space<vmem>> -> memref<128xi32, #tpu.memory_space<vmem>>
      %dma_wait3A_172 = arith.constant 0 : i32
      %dma_wait3A_173 = arith.constant 0 : i32
      %dma_wait3A_174 = tpu.memref_slice %arg3[%dma_wait3A_172, %dma_wait3A_173] : memref<100000x64xf32, #tpu.memory_space<hbm>> -> memref<100000x64xf32, #tpu.memory_space<hbm>>
      %dma_wait3A_175 = tpu.memref_slice %arg9[%dma_wait3A_166] : memref<4x!tpu.dma_semaphore, #tpu.memory_space<semaphore_mem>> -> memref<1x!tpu.dma_semaphore, #tpu.memory_space<semaphore_mem>>
      %dma_wait3A_176 = tpu.memref_squeeze %dma_wait3A_175 : memref<1x!tpu.dma_semaphore, #tpu.memory_space<semaphore_mem>> -> memref<!tpu.dma_semaphore, #tpu.memory_space<semaphore_mem>>
      tpu.wait_indirect_dma semaphore(%dma_wait3A_176 : memref<!tpu.dma_semaphore, #tpu.memory_space<semaphore_mem>>) src(%dma_wait3A_174 : memref<100000x64xf32, #tpu.memory_space<hbm>>) dst(%dma_wait3A_170 : memref<128x64xf32, #tpu.memory_space<vmem>>)
      %dma_wait3A_177 = arith.constant 0 : i32
      %dma_wait3A_178 = arith.constant 0 : i32
      %dma_wait3A_179 = arith.constant 128 : i32
      %dma_wait3A_180 = arith.constant 0 : i32
      %dma_wait3A_181 = tpu.memref_slice %arg7[%dma_wait3A_177, %dma_wait3A_179, %dma_wait3A_180] : memref<4x200x64xf32, #tpu.memory_space<vmem>> -> memref<1x72x64xf32, #tpu.memory_space<vmem>>
      %dma_wait3A_182 = tpu.memref_squeeze %dma_wait3A_181 : memref<1x72x64xf32, #tpu.memory_space<vmem>> -> memref<72x64xf32, #tpu.memory_space<vmem>>
      %dma_wait3A_183 = tpu.memref_slice %arg6[%add3A_164] : memref<6400xi32, #tpu.memory_space<vmem>> -> memref<72xi32, #tpu.memory_space<vmem>>
      %dma_wait3A_184 = arith.constant 0 : i32
      %dma_wait3A_185 = arith.constant 0 : i32
      %dma_wait3A_186 = tpu.memref_slice %arg3[%dma_wait3A_184, %dma_wait3A_185] : memref<100000x64xf32, #tpu.memory_space<hbm>> -> memref<100000x64xf32, #tpu.memory_space<hbm>>
      %dma_wait3A_187 = tpu.memref_slice %arg9[%dma_wait3A_178] : memref<4x!tpu.dma_semaphore, #tpu.memory_space<semaphore_mem>> -> memref<1x!tpu.dma_semaphore, #tpu.memory_space<semaphore_mem>>
      %dma_wait3A_188 = tpu.memref_squeeze %dma_wait3A_187 : memref<1x!tpu.dma_semaphore, #tpu.memory_space<semaphore_mem>> -> memref<!tpu.dma_semaphore, #tpu.memory_space<semaphore_mem>>
      tpu.wait_indirect_dma semaphore(%dma_wait3A_188 : memref<!tpu.dma_semaphore, #tpu.memory_space<semaphore_mem>>) src(%dma_wait3A_186 : memref<100000x64xf32, #tpu.memory_space<hbm>>) dst(%dma_wait3A_182 : memref<72x64xf32, #tpu.memory_space<vmem>>)
      %scan3A_189 = arith.constant 0 : i32
      %scan3A_190 = arith.constant 0 : i32
      %scan3A_191 = arith.constant 50 : i32
      %scan3A_192 = arith.addi %scan3A_190, %scan3A_191 : i32
      %scan3A_193 = arith.constant 1 : i32
      scf.for %scan3A_411 = %scan3A_190 to %scan3A_192 step %scan3A_193  : i32 {
        %mul3A_412 = arith.constant 4 : i32
        %mul3A_413 = arith.muli %scan3A_411, %mul3A_412 : i32
        %add3A_414 = arith.constant 0 : i32
        %add3A_415 = arith.addi %mul3A_413, %add3A_414 : i32
        %add3A_416 = arith.constant 0 : i32
        %add3A_417 = arith.addi %mul3A_413, %add3A_416 : i32
        %mul3A_418 = arith.constant 64 : i32
        %mul3A_419 = arith.muli %add3A_417, %mul3A_418 : i32
        %add3A_420 = arith.constant 0 : i32
        %add3A_421 = arith.addi %mul3A_419, %add3A_420 : i32
        %get3A = arith.index_cast %add3A_421 : i32 to index
        %get3A_422 = tpu.vector_load %arg8[%get3A] {strides = array<i32>} : memref<12800xf32, #tpu.memory_space<vmem>>, vector<16xf32>,
        %get3A_423 = vector.shape_cast %get3A_422 : vector<16xf32> to vector<16xf32>
        %swap3A = arith.constant 0 : i32
        %swap3A_424 = arith.index_cast %swap3A : i32 to index
        %swap3A_425 = arith.index_cast %add3A_415 : i32 to index
        %swap3A_426 = arith.constant 0 : index
        %swap3A_427 = tpu.vector_load %arg7[%swap3A_424, %swap3A_425, %swap3A_426] {strides = array<i32>} : memref<4x200x64xf32, #tpu.memory_space<vmem>>, vector<1x1x16xf32>,
        %swap3A_428 = vector.shape_cast %swap3A_427 : vector<1x1x16xf32> to vector<16xf32>
        %swap3A_429 = vector.shape_cast %get3A_423 : vector<16xf32> to vector<1x1x16xf32>
        tpu.vector_store %arg7[%swap3A_424, %swap3A_425, %swap3A_426], %swap3A_429 {add = true, strides = array<i32>} : memref<4x200x64xf32, #tpu.memory_space<vmem>>, vector<1x1x16xf32>,
        %add3A_430 = arith.constant 0 : i32
        %add3A_431 = arith.addi %mul3A_413, %add3A_430 : i32
        %add3A_432 = arith.constant 0 : i32
        %add3A_433 = arith.addi %mul3A_413, %add3A_432 : i32
        %mul3A_434 = arith.constant 64 : i32
        %mul3A_435 = arith.muli %add3A_433, %mul3A_434 : i32
        %add3A_436 = arith.constant 16 : i32
        %add3A_437 = arith.addi %mul3A_435, %add3A_436 : i32
        %get3A_438 = arith.index_cast %add3A_437 : i32 to index
        %get3A_439 = tpu.vector_load %arg8[%get3A_438] {strides = array<i32>} : memref<12800xf32, #tpu.memory_space<vmem>>, vector<16xf32>,
        %get3A_440 = vector.shape_cast %get3A_439 : vector<16xf32> to vector<16xf32>
        %swap3A_441 = arith.constant 0 : i32
        %swap3A_442 = arith.index_cast %swap3A_441 : i32 to index
        %swap3A_443 = arith.index_cast %add3A_431 : i32 to index
        %swap3A_444 = arith.constant 16 : index
        %swap3A_445 = tpu.vector_load %arg7[%swap3A_442, %swap3A_443, %swap3A_444] {strides = array<i32>} : memref<4x200x64xf32, #tpu.memory_space<vmem>>, vector<1x1x16xf32>,
        %swap3A_446 = vector.shape_cast %swap3A_445 : vector<1x1x16xf32> to vector<16xf32>
        %swap3A_447 = vector.shape_cast %get3A_440 : vector<16xf32> to vector<1x1x16xf32>
        tpu.vector_store %arg7[%swap3A_442, %swap3A_443, %swap3A_444], %swap3A_447 {add = true, strides = array<i32>} : memref<4x200x64xf32, #tpu.memory_space<vmem>>, vector<1x1x16xf32>,
        %add3A_448 = arith.constant 0 : i32
        %add3A_449 = arith.addi %mul3A_413, %add3A_448 : i32
        %add3A_450 = arith.constant 0 : i32
        %add3A_451 = arith.addi %mul3A_413, %add3A_450 : i32
        %mul3A_452 = arith.constant 64 : i32
        %mul3A_453 = arith.muli %add3A_451, %mul3A_452 : i32
        %add3A_454 = arith.constant 32 : i32
        %add3A_455 = arith.addi %mul3A_453, %add3A_454 : i32
        %get3A_456 = arith.index_cast %add3A_455 : i32 to index
        %get3A_457 = tpu.vector_load %arg8[%get3A_456] {strides = array<i32>} : memref<12800xf32, #tpu.memory_space<vmem>>, vector<16xf32>,
        %get3A_458 = vector.shape_cast %get3A_457 : vector<16xf32> to vector<16xf32>
        %swap3A_459 = arith.constant 0 : i32
        %swap3A_460 = arith.index_cast %swap3A_459 : i32 to index
        %swap3A_461 = arith.index_cast %add3A_449 : i32 to index
        %swap3A_462 = arith.constant 32 : index
        %swap3A_463 = tpu.vector_load %arg7[%swap3A_460, %swap3A_461, %swap3A_462] {strides = array<i32>} : memref<4x200x64xf32, #tpu.memory_space<vmem>>, vector<1x1x16xf32>,
        %swap3A_464 = vector.shape_cast %swap3A_463 : vector<1x1x16xf32> to vector<16xf32>
        %swap3A_465 = vector.shape_cast %get3A_458 : vector<16xf32> to vector<1x1x16xf32>
        tpu.vector_store %arg7[%swap3A_460, %swap3A_461, %swap3A_462], %swap3A_465 {add = true, strides = array<i32>} : memref<4x200x64xf32, #tpu.memory_space<vmem>>, vector<1x1x16xf32>,
        %add3A_466 = arith.constant 0 : i32
        %add3A_467 = arith.addi %mul3A_413, %add3A_466 : i32
        %add3A_468 = arith.constant 0 : i32
        %add3A_469 = arith.addi %mul3A_413, %add3A_468 : i32
        %mul3A_470 = arith.constant 64 : i32
        %mul3A_471 = arith.muli %add3A_469, %mul3A_470 : i32
        %add3A_472 = arith.constant 48 : i32
        %add3A_473 = arith.addi %mul3A_471, %add3A_472 : i32
        %get3A_474 = arith.index_cast %add3A_473 : i32 to index
        %get3A_475 = tpu.vector_load %arg8[%get3A_474] {strides = array<i32>} : memref<12800xf32, #tpu.memory_space<vmem>>, vector<16xf32>,
        %get3A_476 = vector.shape_cast %get3A_475 : vector<16xf32> to vector<16xf32>
        %swap3A_477 = arith.constant 0 : i32
        %swap3A_478 = arith.index_cast %swap3A_477 : i32 to index
        %swap3A_479 = arith.index_cast %add3A_467 : i32 to index
        %swap3A_480 = arith.constant 48 : index
        %swap3A_481 = tpu.vector_load %arg7[%swap3A_478, %swap3A_479, %swap3A_480] {strides = array<i32>} : memref<4x200x64xf32, #tpu.memory_space<vmem>>, vector<1x1x16xf32>,
        %swap3A_482 = vector.shape_cast %swap3A_481 : vector<1x1x16xf32> to vector<16xf32>
        %swap3A_483 = vector.shape_cast %get3A_476 : vector<16xf32> to vector<1x1x16xf32>
        tpu.vector_store %arg7[%swap3A_478, %swap3A_479, %swap3A_480], %swap3A_483 {add = true, strides = array<i32>} : memref<4x200x64xf32, #tpu.memory_space<vmem>>, vector<1x1x16xf32>,
        %add3A_484 = arith.constant 1 : i32
        %add3A_485 = arith.addi %mul3A_413, %add3A_484 : i32
        %add3A_486 = arith.constant 1 : i32
        %add3A_487 = arith.addi %mul3A_413, %add3A_486 : i32
        %mul3A_488 = arith.constant 64 : i32
        %mul3A_489 = arith.muli %add3A_487, %mul3A_488 : i32
        %add3A_490 = arith.constant 0 : i32
        %add3A_491 = arith.addi %mul3A_489, %add3A_490 : i32
        %get3A_492 = arith.index_cast %add3A_491 : i32 to index
        %get3A_493 = tpu.vector_load %arg8[%get3A_492] {strides = array<i32>} : memref<12800xf32, #tpu.memory_space<vmem>>, vector<16xf32>,
        %get3A_494 = vector.shape_cast %get3A_493 : vector<16xf32> to vector<16xf32>
        %swap3A_495 = arith.constant 0 : i32
        %swap3A_496 = arith.index_cast %swap3A_495 : i32 to index
        %swap3A_497 = arith.index_cast %add3A_485 : i32 to index
        %swap3A_498 = arith.constant 0 : index
        %swap3A_499 = tpu.vector_load %arg7[%swap3A_496, %swap3A_497, %swap3A_498] {strides = array<i32>} : memref<4x200x64xf32, #tpu.memory_space<vmem>>, vector<1x1x16xf32>,
        %swap3A_500 = vector.shape_cast %swap3A_499 : vector<1x1x16xf32> to vector<16xf32>
        %swap3A_501 = vector.shape_cast %get3A_494 : vector<16xf32> to vector<1x1x16xf32>
        tpu.vector_store %arg7[%swap3A_496, %swap3A_497, %swap3A_498], %swap3A_501 {add = true, strides = array<i32>} : memref<4x200x64xf32, #tpu.memory_space<vmem>>, vector<1x1x16xf32>,
        %add3A_502 = arith.constant 1 : i32
        %add3A_503 = arith.addi %mul3A_413, %add3A_502 : i32
        %add3A_504 = arith.constant 1 : i32
        %add3A_505 = arith.addi %mul3A_413, %add3A_504 : i32
        %mul3A_506 = arith.constant 64 : i32
        %mul3A_507 = arith.muli %add3A_505, %mul3A_506 : i32
        %add3A_508 = arith.constant 16 : i32
        %add3A_509 = arith.addi %mul3A_507, %add3A_508 : i32
        %get3A_510 = arith.index_cast %add3A_509 : i32 to index
        %get3A_511 = tpu.vector_load %arg8[%get3A_510] {strides = array<i32>} : memref<12800xf32, #tpu.memory_space<vmem>>, vector<16xf32>,
        %get3A_512 = vector.shape_cast %get3A_511 : vector<16xf32> to vector<16xf32>
        %swap3A_513 = arith.constant 0 : i32
        %swap3A_514 = arith.index_cast %swap3A_513 : i32 to index
        %swap3A_515 = arith.index_cast %add3A_503 : i32 to index
        %swap3A_516 = arith.constant 16 : index
        %swap3A_517 = tpu.vector_load %arg7[%swap3A_514, %swap3A_515, %swap3A_516] {strides = array<i32>} : memref<4x200x64xf32, #tpu.memory_space<vmem>>, vector<1x1x16xf32>,
        %swap3A_518 = vector.shape_cast %swap3A_517 : vector<1x1x16xf32> to vector<16xf32>
        %swap3A_519 = vector.shape_cast %get3A_512 : vector<16xf32> to vector<1x1x16xf32>
        tpu.vector_store %arg7[%swap3A_514, %swap3A_515, %swap3A_516], %swap3A_519 {add = true, strides = array<i32>} : memref<4x200x64xf32, #tpu.memory_space<vmem>>, vector<1x1x16xf32>,
        %add3A_520 = arith.constant 1 : i32
        %add3A_521 = arith.addi %mul3A_413, %add3A_520 : i32
        %add3A_522 = arith.constant 1 : i32
        %add3A_523 = arith.addi %mul3A_413, %add3A_522 : i32
        %mul3A_524 = arith.constant 64 : i32
        %mul3A_525 = arith.muli %add3A_523, %mul3A_524 : i32
        %add3A_526 = arith.constant 32 : i32
        %add3A_527 = arith.addi %mul3A_525, %add3A_526 : i32
        %get3A_528 = arith.index_cast %add3A_527 : i32 to index
        %get3A_529 = tpu.vector_load %arg8[%get3A_528] {strides = array<i32>} : memref<12800xf32, #tpu.memory_space<vmem>>, vector<16xf32>,
        %get3A_530 = vector.shape_cast %get3A_529 : vector<16xf32> to vector<16xf32>
        %swap3A_531 = arith.constant 0 : i32
        %swap3A_532 = arith.index_cast %swap3A_531 : i32 to index
        %swap3A_533 = arith.index_cast %add3A_521 : i32 to index
        %swap3A_534 = arith.constant 32 : index
        %swap3A_535 = tpu.vector_load %arg7[%swap3A_532, %swap3A_533, %swap3A_534] {strides = array<i32>} : memref<4x200x64xf32, #tpu.memory_space<vmem>>, vector<1x1x16xf32>,
        %swap3A_536 = vector.shape_cast %swap3A_535 : vector<1x1x16xf32> to vector<16xf32>
        %swap3A_537 = vector.shape_cast %get3A_530 : vector<16xf32> to vector<1x1x16xf32>
        tpu.vector_store %arg7[%swap3A_532, %swap3A_533, %swap3A_534], %swap3A_537 {add = true, strides = array<i32>} : memref<4x200x64xf32, #tpu.memory_space<vmem>>, vector<1x1x16xf32>,
        %add3A_538 = arith.constant 1 : i32
        %add3A_539 = arith.addi %mul3A_413, %add3A_538 : i32
        %add3A_540 = arith.constant 1 : i32
        %add3A_541 = arith.addi %mul3A_413, %add3A_540 : i32
        %mul3A_542 = arith.constant 64 : i32
        %mul3A_543 = arith.muli %add3A_541, %mul3A_542 : i32
        %add3A_544 = arith.constant 48 : i32
        %add3A_545 = arith.addi %mul3A_543, %add3A_544 : i32
        %get3A_546 = arith.index_cast %add3A_545 : i32 to index
        %get3A_547 = tpu.vector_load %arg8[%get3A_546] {strides = array<i32>} : memref<12800xf32, #tpu.memory_space<vmem>>, vector<16xf32>,
        %get3A_548 = vector.shape_cast %get3A_547 : vector<16xf32> to vector<16xf32>
        %swap3A_549 = arith.constant 0 : i32
        %swap3A_550 = arith.index_cast %swap3A_549 : i32 to index
        %swap3A_551 = arith.index_cast %add3A_539 : i32 to index
        %swap3A_552 = arith.constant 48 : index
        %swap3A_553 = tpu.vector_load %arg7[%swap3A_550, %swap3A_551, %swap3A_552] {strides = array<i32>} : memref<4x200x64xf32, #tpu.memory_space<vmem>>, vector<1x1x16xf32>,
        %swap3A_554 = vector.shape_cast %swap3A_553 : vector<1x1x16xf32> to vector<16xf32>
        %swap3A_555 = vector.shape_cast %get3A_548 : vector<16xf32> to vector<1x1x16xf32>
        tpu.vector_store %arg7[%swap3A_550, %swap3A_551, %swap3A_552], %swap3A_555 {add = true, strides = array<i32>} : memref<4x200x64xf32, #tpu.memory_space<vmem>>, vector<1x1x16xf32>,
        %add3A_556 = arith.constant 2 : i32
        %add3A_557 = arith.addi %mul3A_413, %add3A_556 : i32
        %add3A_558 = arith.constant 2 : i32
        %add3A_559 = arith.addi %mul3A_413, %add3A_558 : i32
        %mul3A_560 = arith.constant 64 : i32
        %mul3A_561 = arith.muli %add3A_559, %mul3A_560 : i32
        %add3A_562 = arith.constant 0 : i32
        %add3A_563 = arith.addi %mul3A_561, %add3A_562 : i32
        %get3A_564 = arith.index_cast %add3A_563 : i32 to index
        %get3A_565 = tpu.vector_load %arg8[%get3A_564] {strides = array<i32>} : memref<12800xf32, #tpu.memory_space<vmem>>, vector<16xf32>,
        %get3A_566 = vector.shape_cast %get3A_565 : vector<16xf32> to vector<16xf32>
        %swap3A_567 = arith.constant 0 : i32
        %swap3A_568 = arith.index_cast %swap3A_567 : i32 to index
        %swap3A_569 = arith.index_cast %add3A_557 : i32 to index
        %swap3A_570 = arith.constant 0 : index
        %swap3A_571 = tpu.vector_load %arg7[%swap3A_568, %swap3A_569, %swap3A_570] {strides = array<i32>} : memref<4x200x64xf32, #tpu.memory_space<vmem>>, vector<1x1x16xf32>,
        %swap3A_572 = vector.shape_cast %swap3A_571 : vector<1x1x16xf32> to vector<16xf32>
        %swap3A_573 = vector.shape_cast %get3A_566 : vector<16xf32> to vector<1x1x16xf32>
        tpu.vector_store %arg7[%swap3A_568, %swap3A_569, %swap3A_570], %swap3A_573 {add = true, strides = array<i32>} : memref<4x200x64xf32, #tpu.memory_space<vmem>>, vector<1x1x16xf32>,
        %add3A_574 = arith.constant 2 : i32
        %add3A_575 = arith.addi %mul3A_413, %add3A_574 : i32
        %add3A_576 = arith.constant 2 : i32
        %add3A_577 = arith.addi %mul3A_413, %add3A_576 : i32
        %mul3A_578 = arith.constant 64 : i32
        %mul3A_579 = arith.muli %add3A_577, %mul3A_578 : i32
        %add3A_580 = arith.constant 16 : i32
        %add3A_581 = arith.addi %mul3A_579, %add3A_580 : i32
        %get3A_582 = arith.index_cast %add3A_581 : i32 to index
        %get3A_583 = tpu.vector_load %arg8[%get3A_582] {strides = array<i32>} : memref<12800xf32, #tpu.memory_space<vmem>>, vector<16xf32>,
        %get3A_584 = vector.shape_cast %get3A_583 : vector<16xf32> to vector<16xf32>
        %swap3A_585 = arith.constant 0 : i32
        %swap3A_586 = arith.index_cast %swap3A_585 : i32 to index
        %swap3A_587 = arith.index_cast %add3A_575 : i32 to index
        %swap3A_588 = arith.constant 16 : index
        %swap3A_589 = tpu.vector_load %arg7[%swap3A_586, %swap3A_587, %swap3A_588] {strides = array<i32>} : memref<4x200x64xf32, #tpu.memory_space<vmem>>, vector<1x1x16xf32>,
        %swap3A_590 = vector.shape_cast %swap3A_589 : vector<1x1x16xf32> to vector<16xf32>
        %swap3A_591 = vector.shape_cast %get3A_584 : vector<16xf32> to vector<1x1x16xf32>
        tpu.vector_store %arg7[%swap3A_586, %swap3A_587, %swap3A_588], %swap3A_591 {add = true, strides = array<i32>} : memref<4x200x64xf32, #tpu.memory_space<vmem>>, vector<1x1x16xf32>,
        %add3A_592 = arith.constant 2 : i32
        %add3A_593 = arith.addi %mul3A_413, %add3A_592 : i32
        %add3A_594 = arith.constant 2 : i32
        %add3A_595 = arith.addi %mul3A_413, %add3A_594 : i32
        %mul3A_596 = arith.constant 64 : i32
        %mul3A_597 = arith.muli %add3A_595, %mul3A_596 : i32
        %add3A_598 = arith.constant 32 : i32
        %add3A_599 = arith.addi %mul3A_597, %add3A_598 : i32
        %get3A_600 = arith.index_cast %add3A_599 : i32 to index
        %get3A_601 = tpu.vector_load %arg8[%get3A_600] {strides = array<i32>} : memref<12800xf32, #tpu.memory_space<vmem>>, vector<16xf32>,
        %get3A_602 = vector.shape_cast %get3A_601 : vector<16xf32> to vector<16xf32>
        %swap3A_603 = arith.constant 0 : i32
        %swap3A_604 = arith.index_cast %swap3A_603 : i32 to index
        %swap3A_605 = arith.index_cast %add3A_593 : i32 to index
        %swap3A_606 = arith.constant 32 : index
        %swap3A_607 = tpu.vector_load %arg7[%swap3A_604, %swap3A_605, %swap3A_606] {strides = array<i32>} : memref<4x200x64xf32, #tpu.memory_space<vmem>>, vector<1x1x16xf32>,
        %swap3A_608 = vector.shape_cast %swap3A_607 : vector<1x1x16xf32> to vector<16xf32>
        %swap3A_609 = vector.shape_cast %get3A_602 : vector<16xf32> to vector<1x1x16xf32>
        tpu.vector_store %arg7[%swap3A_604, %swap3A_605, %swap3A_606], %swap3A_609 {add = true, strides = array<i32>} : memref<4x200x64xf32, #tpu.memory_space<vmem>>, vector<1x1x16xf32>,
        %add3A_610 = arith.constant 2 : i32
        %add3A_611 = arith.addi %mul3A_413, %add3A_610 : i32
        %add3A_612 = arith.constant 2 : i32
        %add3A_613 = arith.addi %mul3A_413, %add3A_612 : i32
        %mul3A_614 = arith.constant 64 : i32
        %mul3A_615 = arith.muli %add3A_613, %mul3A_614 : i32
        %add3A_616 = arith.constant 48 : i32
        %add3A_617 = arith.addi %mul3A_615, %add3A_616 : i32
        %get3A_618 = arith.index_cast %add3A_617 : i32 to index
        %get3A_619 = tpu.vector_load %arg8[%get3A_618] {strides = array<i32>} : memref<12800xf32, #tpu.memory_space<vmem>>, vector<16xf32>,
        %get3A_620 = vector.shape_cast %get3A_619 : vector<16xf32> to vector<16xf32>
        %swap3A_621 = arith.constant 0 : i32
        %swap3A_622 = arith.index_cast %swap3A_621 : i32 to index
        %swap3A_623 = arith.index_cast %add3A_611 : i32 to index
        %swap3A_624 = arith.constant 48 : index
        %swap3A_625 = tpu.vector_load %arg7[%swap3A_622, %swap3A_623, %swap3A_624] {strides = array<i32>} : memref<4x200x64xf32, #tpu.memory_space<vmem>>, vector<1x1x16xf32>,
        %swap3A_626 = vector.shape_cast %swap3A_625 : vector<1x1x16xf32> to vector<16xf32>
        %swap3A_627 = vector.shape_cast %get3A_620 : vector<16xf32> to vector<1x1x16xf32>
        tpu.vector_store %arg7[%swap3A_622, %swap3A_623, %swap3A_624], %swap3A_627 {add = true, strides = array<i32>} : memref<4x200x64xf32, #tpu.memory_space<vmem>>, vector<1x1x16xf32>,
        %add3A_628 = arith.constant 3 : i32
        %add3A_629 = arith.addi %mul3A_413, %add3A_628 : i32
        %add3A_630 = arith.constant 3 : i32
        %add3A_631 = arith.addi %mul3A_413, %add3A_630 : i32
        %mul3A_632 = arith.constant 64 : i32
        %mul3A_633 = arith.muli %add3A_631, %mul3A_632 : i32
        %add3A_634 = arith.constant 0 : i32
        %add3A_635 = arith.addi %mul3A_633, %add3A_634 : i32
        %get3A_636 = arith.index_cast %add3A_635 : i32 to index
        %get3A_637 = tpu.vector_load %arg8[%get3A_636] {strides = array<i32>} : memref<12800xf32, #tpu.memory_space<vmem>>, vector<16xf32>,
        %get3A_638 = vector.shape_cast %get3A_637 : vector<16xf32> to vector<16xf32>
        %swap3A_639 = arith.constant 0 : i32
        %swap3A_640 = arith.index_cast %swap3A_639 : i32 to index
        %swap3A_641 = arith.index_cast %add3A_629 : i32 to index
        %swap3A_642 = arith.constant 0 : index
        %swap3A_643 = tpu.vector_load %arg7[%swap3A_640, %swap3A_641, %swap3A_642] {strides = array<i32>} : memref<4x200x64xf32, #tpu.memory_space<vmem>>, vector<1x1x16xf32>,
        %swap3A_644 = vector.shape_cast %swap3A_643 : vector<1x1x16xf32> to vector<16xf32>
        %swap3A_645 = vector.shape_cast %get3A_638 : vector<16xf32> to vector<1x1x16xf32>
        tpu.vector_store %arg7[%swap3A_640, %swap3A_641, %swap3A_642], %swap3A_645 {add = true, strides = array<i32>} : memref<4x200x64xf32, #tpu.memory_space<vmem>>, vector<1x1x16xf32>,
        %add3A_646 = arith.constant 3 : i32
        %add3A_647 = arith.addi %mul3A_413, %add3A_646 : i32
        %add3A_648 = arith.constant 3 : i32
        %add3A_649 = arith.addi %mul3A_413, %add3A_648 : i32
        %mul3A_650 = arith.constant 64 : i32
        %mul3A_651 = arith.muli %add3A_649, %mul3A_650 : i32
        %add3A_652 = arith.constant 16 : i32
        %add3A_653 = arith.addi %mul3A_651, %add3A_652 : i32
        %get3A_654 = arith.index_cast %add3A_653 : i32 to index
        %get3A_655 = tpu.vector_load %arg8[%get3A_654] {strides = array<i32>} : memref<12800xf32, #tpu.memory_space<vmem>>, vector<16xf32>,
        %get3A_656 = vector.shape_cast %get3A_655 : vector<16xf32> to vector<16xf32>
        %swap3A_657 = arith.constant 0 : i32
        %swap3A_658 = arith.index_cast %swap3A_657 : i32 to index
        %swap3A_659 = arith.index_cast %add3A_647 : i32 to index
        %swap3A_660 = arith.constant 16 : index
        %swap3A_661 = tpu.vector_load %arg7[%swap3A_658, %swap3A_659, %swap3A_660] {strides = array<i32>} : memref<4x200x64xf32, #tpu.memory_space<vmem>>, vector<1x1x16xf32>,
        %swap3A_662 = vector.shape_cast %swap3A_661 : vector<1x1x16xf32> to vector<16xf32>
        %swap3A_663 = vector.shape_cast %get3A_656 : vector<16xf32> to vector<1x1x16xf32>
        tpu.vector_store %arg7[%swap3A_658, %swap3A_659, %swap3A_660], %swap3A_663 {add = true, strides = array<i32>} : memref<4x200x64xf32, #tpu.memory_space<vmem>>, vector<1x1x16xf32>,
        %add3A_664 = arith.constant 3 : i32
        %add3A_665 = arith.addi %mul3A_413, %add3A_664 : i32
        %add3A_666 = arith.constant 3 : i32
        %add3A_667 = arith.addi %mul3A_413, %add3A_666 : i32
        %mul3A_668 = arith.constant 64 : i32
        %mul3A_669 = arith.muli %add3A_667, %mul3A_668 : i32
        %add3A_670 = arith.constant 32 : i32
        %add3A_671 = arith.addi %mul3A_669, %add3A_670 : i32
        %get3A_672 = arith.index_cast %add3A_671 : i32 to index
        %get3A_673 = tpu.vector_load %arg8[%get3A_672] {strides = array<i32>} : memref<12800xf32, #tpu.memory_space<vmem>>, vector<16xf32>,
        %get3A_674 = vector.shape_cast %get3A_673 : vector<16xf32> to vector<16xf32>
        %swap3A_675 = arith.constant 0 : i32
        %swap3A_676 = arith.index_cast %swap3A_675 : i32 to index
        %swap3A_677 = arith.index_cast %add3A_665 : i32 to index
        %swap3A_678 = arith.constant 32 : index
        %swap3A_679 = tpu.vector_load %arg7[%swap3A_676, %swap3A_677, %swap3A_678] {strides = array<i32>} : memref<4x200x64xf32, #tpu.memory_space<vmem>>, vector<1x1x16xf32>,
        %swap3A_680 = vector.shape_cast %swap3A_679 : vector<1x1x16xf32> to vector<16xf32>
        %swap3A_681 = vector.shape_cast %get3A_674 : vector<16xf32> to vector<1x1x16xf32>
        tpu.vector_store %arg7[%swap3A_676, %swap3A_677, %swap3A_678], %swap3A_681 {add = true, strides = array<i32>} : memref<4x200x64xf32, #tpu.memory_space<vmem>>, vector<1x1x16xf32>,
        %add3A_682 = arith.constant 3 : i32
        %add3A_683 = arith.addi %mul3A_413, %add3A_682 : i32
        %add3A_684 = arith.constant 3 : i32
        %add3A_685 = arith.addi %mul3A_413, %add3A_684 : i32
        %mul3A_686 = arith.constant 64 : i32
        %mul3A_687 = arith.muli %add3A_685, %mul3A_686 : i32
        %add3A_688 = arith.constant 48 : i32
        %add3A_689 = arith.addi %mul3A_687, %add3A_688 : i32
        %get3A_690 = arith.index_cast %add3A_689 : i32 to index
        %get3A_691 = tpu.vector_load %arg8[%get3A_690] {strides = array<i32>} : memref<12800xf32, #tpu.memory_space<vmem>>, vector<16xf32>,
        %get3A_692 = vector.shape_cast %get3A_691 : vector<16xf32> to vector<16xf32>
        %swap3A_693 = arith.constant 0 : i32
        %swap3A_694 = arith.index_cast %swap3A_693 : i32 to index
        %swap3A_695 = arith.index_cast %add3A_683 : i32 to index
        %swap3A_696 = arith.constant 48 : index
        %swap3A_697 = tpu.vector_load %arg7[%swap3A_694, %swap3A_695, %swap3A_696] {strides = array<i32>} : memref<4x200x64xf32, #tpu.memory_space<vmem>>, vector<1x1x16xf32>,
        %swap3A_698 = vector.shape_cast %swap3A_697 : vector<1x1x16xf32> to vector<16xf32>
        %swap3A_699 = vector.shape_cast %get3A_692 : vector<16xf32> to vector<1x1x16xf32>
        tpu.vector_store %arg7[%swap3A_694, %swap3A_695, %swap3A_696], %swap3A_699 {add = true, strides = array<i32>} : memref<4x200x64xf32, #tpu.memory_space<vmem>>, vector<1x1x16xf32>,
      }
      %scan3A_194 = arith.constant 50 : i32
      %mul3A_195 = arith.constant 200 : i32
      %mul3A_196 = arith.muli %add3A_160, %mul3A_195 : i32
      %add3A_197 = arith.addi %mul3A_2, %mul3A_196 : i32
      %dma_start3A_198 = arith.constant 0 : i32
      %dma_start3A_199 = arith.constant 0 : i32
      %dma_start3A_200 = arith.constant 0 : i32
      %dma_start3A_201 = arith.constant 0 : i32
      %dma_start3A_202 = tpu.memref_slice %arg7[%dma_start3A_198, %dma_start3A_200, %dma_start3A_201] : memref<4x200x64xf32, #tpu.memory_space<vmem>> -> memref<1x200x64xf32, #tpu.memory_space<vmem>>
      %dma_start3A_203 = tpu.memref_squeeze %dma_start3A_202 : memref<1x200x64xf32, #tpu.memory_space<vmem>> -> memref<200x64xf32, #tpu.memory_space<vmem>>
      %dma_start3A_204 = arith.constant 0 : i32
      %dma_start3A_205 = tpu.memref_slice %arg5[%add3A_197, %dma_start3A_204] : memref<204800x128xf32, #tpu.memory_space<hbm>> -> memref<200x64xf32, #tpu.memory_space<hbm>>
      %dma_start3A_206 = tpu.memref_slice %arg10[%dma_start3A_199] : memref<4x!tpu.dma_semaphore, #tpu.memory_space<semaphore_mem>> -> memref<1x!tpu.dma_semaphore, #tpu.memory_space<semaphore_mem>>
      %dma_start3A_207 = tpu.memref_squeeze %dma_start3A_206 : memref<1x!tpu.dma_semaphore, #tpu.memory_space<semaphore_mem>> -> memref<!tpu.dma_semaphore, #tpu.memory_space<semaphore_mem>>
      %dma_start3A_208 = arith.constant 0 : i32
      %dma_start3A_209 = tpu.memref_slice %arg5[%add3A_197, %dma_start3A_208] : memref<204800x128xf32, #tpu.memory_space<hbm>> -> memref<200x64xf32, #tpu.memory_space<hbm>>
      %dma_start3A_210 = arith.constant 0 : i32
      %dma_start3A_211 = arith.constant 0 : i32
      %dma_start3A_212 = tpu.memref_slice %arg7[%dma_start3A_198, %dma_start3A_210, %dma_start3A_211] : memref<4x200x64xf32, #tpu.memory_space<vmem>> -> memref<1x200x64xf32, #tpu.memory_space<vmem>>
      %dma_start3A_213 = tpu.memref_squeeze %dma_start3A_212 : memref<1x200x64xf32, #tpu.memory_space<vmem>> -> memref<200x64xf32, #tpu.memory_space<vmem>>
      tpu.enqueue_dma source(%dma_start3A_213 : memref<200x64xf32, #tpu.memory_space<vmem>>) target(%dma_start3A_209 : memref<200x64xf32, #tpu.memory_space<hbm>>) target_semaphore(%dma_start3A_207 : memref<!tpu.dma_semaphore, #tpu.memory_space<semaphore_mem>>)
      %add3A_214 = arith.constant 4 : i32
      %add3A_215 = arith.addi %add3A_160, %add3A_214 : i32
      %sub3A = arith.constant 1 : i32
      %sub3A_216 = arith.subi %add3A_215, %sub3A : i32
      %lt3A = arith.constant 32 : i32
      %lt3A_217 = arith.cmpi slt, %sub3A_216, %lt3A : i32
      %convert_element_type3A = arith.extui %lt3A_217 : i1 to i32
      %cond3A = arith.constant 0 : i32
      %cond3A_218 = arith.cmpi ne, %convert_element_type3A, %cond3A : i32
      scf.if %cond3A_218 {
        %ge3A = arith.constant 1 : i32
        %ge3A_411 = arith.cmpi sge, %add3A_160, %ge3A : i32
        %convert_element_type3A_412 = arith.extui %ge3A_411 : i1 to i32
        %cond3A_413 = arith.constant 0 : i32
        %cond3A_414 = arith.cmpi ne, %convert_element_type3A_412, %cond3A_413 : i32
        scf.if %cond3A_414 {
          %sub3A_443 = arith.constant 1 : i32
          %sub3A_444 = arith.subi %add3A_160, %sub3A_443 : i32
          %mul3A_445 = arith.constant 200 : i32
          %mul3A_446 = arith.muli %sub3A_444, %mul3A_445 : i32
          %add3A_447 = arith.addi %mul3A_2, %mul3A_446 : i32
          %dma_wait3A_448 = arith.constant 3 : i32
          %dma_wait3A_449 = arith.constant 3 : i32
          %dma_wait3A_450 = arith.constant 0 : i32
          %dma_wait3A_451 = arith.constant 0 : i32
          %dma_wait3A_452 = tpu.memref_slice %arg7[%dma_wait3A_448, %dma_wait3A_450, %dma_wait3A_451] : memref<4x200x64xf32, #tpu.memory_space<vmem>> -> memref<1x200x64xf32, #tpu.memory_space<vmem>>
          %dma_wait3A_453 = tpu.memref_squeeze %dma_wait3A_452 : memref<1x200x64xf32, #tpu.memory_space<vmem>> -> memref<200x64xf32, #tpu.memory_space<vmem>>
          %dma_wait3A_454 = arith.constant 0 : i32
          %dma_wait3A_455 = tpu.memref_slice %arg5[%add3A_447, %dma_wait3A_454] : memref<204800x128xf32, #tpu.memory_space<hbm>> -> memref<200x64xf32, #tpu.memory_space<hbm>>
          %dma_wait3A_456 = tpu.memref_slice %arg10[%dma_wait3A_449] : memref<4x!tpu.dma_semaphore, #tpu.memory_space<semaphore_mem>> -> memref<1x!tpu.dma_semaphore, #tpu.memory_space<semaphore_mem>>
          %dma_wait3A_457 = tpu.memref_squeeze %dma_wait3A_456 : memref<1x!tpu.dma_semaphore, #tpu.memory_space<semaphore_mem>> -> memref<!tpu.dma_semaphore, #tpu.memory_space<semaphore_mem>>
          %dma_wait3A_458 = arith.constant 0 : i32
          %dma_wait3A_459 = tpu.memref_slice %arg5[%add3A_447, %dma_wait3A_458] : memref<204800x128xf32, #tpu.memory_space<hbm>> -> memref<200x64xf32, #tpu.memory_space<hbm>>
          %dma_wait3A_460 = arith.constant 0 : i32
          %dma_wait3A_461 = arith.constant 0 : i32
          %dma_wait3A_462 = tpu.memref_slice %arg7[%dma_wait3A_448, %dma_wait3A_460, %dma_wait3A_461] : memref<4x200x64xf32, #tpu.memory_space<vmem>> -> memref<1x200x64xf32, #tpu.memory_space<vmem>>
          %dma_wait3A_463 = tpu.memref_squeeze %dma_wait3A_462 : memref<1x200x64xf32, #tpu.memory_space<vmem>> -> memref<200x64xf32, #tpu.memory_space<vmem>>
          tpu.wait_dma2 semaphore(%dma_wait3A_457 : memref<!tpu.dma_semaphore, #tpu.memory_space<semaphore_mem>>) src(%dma_wait3A_463 : memref<200x64xf32, #tpu.memory_space<vmem>>) dst(%dma_wait3A_459 : memref<200x64xf32, #tpu.memory_space<hbm>>)
        } else {
        }
        %mul3A_415 = arith.constant 200 : i32
        %mul3A_416 = arith.muli %sub3A_216, %mul3A_415 : i32
        %add3A_417 = arith.constant 128 : i32
        %add3A_418 = arith.addi %mul3A_416, %add3A_417 : i32
        %dma_start3A_419 = arith.constant 3 : i32
        %dma_start3A_420 = arith.constant 3 : i32
        %dma_start3A_421 = arith.constant 0 : i32
        %dma_start3A_422 = arith.constant 0 : i32
        %dma_start3A_423 = tpu.memref_slice %arg7[%dma_start3A_419, %dma_start3A_421, %dma_start3A_422] : memref<4x200x64xf32, #tpu.memory_space<vmem>> -> memref<1x128x64xf32, #tpu.memory_space<vmem>>
        %dma_start3A_424 = tpu.memref_squeeze %dma_start3A_423 : memref<1x128x64xf32, #tpu.memory_space<vmem>> -> memref<128x64xf32, #tpu.memory_space<vmem>>
        %dma_start3A_425 = tpu.memref_slice %arg6[%mul3A_416] : memref<6400xi32, #tpu.memory_space<vmem>> -> memref<128xi32, #tpu.memory_space<vmem>>
        %dma_start3A_426 = arith.constant 0 : i32
        %dma_start3A_427 = arith.constant 0 : i32
        %dma_start3A_428 = tpu.memref_slice %arg3[%dma_start3A_426, %dma_start3A_427] : memref<100000x64xf32, #tpu.memory_space<hbm>> -> memref<100000x64xf32, #tpu.memory_space<hbm>>
        %dma_start3A_429 = tpu.memref_slice %arg9[%dma_start3A_420] : memref<4x!tpu.dma_semaphore, #tpu.memory_space<semaphore_mem>> -> memref<1x!tpu.dma_semaphore, #tpu.memory_space<semaphore_mem>>
        %dma_start3A_430 = tpu.memref_squeeze %dma_start3A_429 : memref<1x!tpu.dma_semaphore, #tpu.memory_space<semaphore_mem>> -> memref<!tpu.dma_semaphore, #tpu.memory_space<semaphore_mem>>
        tpu.enqueue_indirect_dma source(%dma_start3A_428 : memref<100000x64xf32, #tpu.memory_space<hbm>>) target(%dma_start3A_424 : memref<128x64xf32, #tpu.memory_space<vmem>>) offsets(%dma_start3A_425 : memref<128xi32, #tpu.memory_space<vmem>>) semaphore(%dma_start3A_430 : memref<!tpu.dma_semaphore, #tpu.memory_space<semaphore_mem>>)
        %dma_start3A_431 = arith.constant 3 : i32
        %dma_start3A_432 = arith.constant 3 : i32
        %dma_start3A_433 = arith.constant 128 : i32
        %dma_start3A_434 = arith.constant 0 : i32
        %dma_start3A_435 = tpu.memref_slice %arg7[%dma_start3A_431, %dma_start3A_433, %dma_start3A_434] : memref<4x200x64xf32, #tpu.memory_space<vmem>> -> memref<1x72x64xf32, #tpu.memory_space<vmem>>
        %dma_start3A_436 = tpu.memref_squeeze %dma_start3A_435 : memref<1x72x64xf32, #tpu.memory_space<vmem>> -> memref<72x64xf32, #tpu.memory_space<vmem>>
        %dma_start3A_437 = tpu.memref_slice %arg6[%add3A_418] : memref<6400xi32, #tpu.memory_space<vmem>> -> memref<72xi32, #tpu.memory_space<vmem>>
        %dma_start3A_438 = arith.constant 0 : i32
        %dma_start3A_439 = arith.constant 0 : i32
        %dma_start3A_440 = tpu.memref_slice %arg3[%dma_start3A_438, %dma_start3A_439] : memref<100000x64xf32, #tpu.memory_space<hbm>> -> memref<100000x64xf32, #tpu.memory_space<hbm>>
        %dma_start3A_441 = tpu.memref_slice %arg9[%dma_start3A_432] : memref<4x!tpu.dma_semaphore, #tpu.memory_space<semaphore_mem>> -> memref<1x!tpu.dma_semaphore, #tpu.memory_space<semaphore_mem>>
        %dma_start3A_442 = tpu.memref_squeeze %dma_start3A_441 : memref<1x!tpu.dma_semaphore, #tpu.memory_space<semaphore_mem>> -> memref<!tpu.dma_semaphore, #tpu.memory_space<semaphore_mem>>
        tpu.enqueue_indirect_dma source(%dma_start3A_440 : memref<100000x64xf32, #tpu.memory_space<hbm>>) target(%dma_start3A_436 : memref<72x64xf32, #tpu.memory_space<vmem>>) offsets(%dma_start3A_437 : memref<72xi32, #tpu.memory_space<vmem>>) semaphore(%dma_start3A_442 : memref<!tpu.dma_semaphore, #tpu.memory_space<semaphore_mem>>)
      } else {
      }
      %add3A_219 = arith.constant 1 : i32
      %add3A_220 = arith.addi %mul3A_158, %add3A_219 : i32
      %mul3A_221 = arith.constant 200 : i32
      %mul3A_222 = arith.muli %add3A_220, %mul3A_221 : i32
      %add3A_223 = arith.constant 128 : i32
      %add3A_224 = arith.addi %mul3A_222, %add3A_223 : i32
      %dma_wait3A_225 = arith.constant 1 : i32
      %dma_wait3A_226 = arith.constant 1 : i32
      %dma_wait3A_227 = arith.constant 0 : i32
      %dma_wait3A_228 = arith.constant 0 : i32
      %dma_wait3A_229 = tpu.memref_slice %arg7[%dma_wait3A_225, %dma_wait3A_227, %dma_wait3A_228] : memref<4x200x64xf32, #tpu.memory_space<vmem>> -> memref<1x128x64xf32, #tpu.memory_space<vmem>>
      %dma_wait3A_230 = tpu.memref_squeeze %dma_wait3A_229 : memref<1x128x64xf32, #tpu.memory_space<vmem>> -> memref<128x64xf32, #tpu.memory_space<vmem>>
      %dma_wait3A_231 = tpu.memref_slice %arg6[%mul3A_222] : memref<6400xi32, #tpu.memory_space<vmem>> -> memref<128xi32, #tpu.memory_space<vmem>>
      %dma_wait3A_232 = arith.constant 0 : i32
      %dma_wait3A_233 = arith.constant 0 : i32
      %dma_wait3A_234 = tpu.memref_slice %arg3[%dma_wait3A_232, %dma_wait3A_233] : memref<100000x64xf32, #tpu.memory_space<hbm>> -> memref<100000x64xf32, #tpu.memory_space<hbm>>
      %dma_wait3A_235 = tpu.memref_slice %arg9[%dma_wait3A_226] : memref<4x!tpu.dma_semaphore, #tpu.memory_space<semaphore_mem>> -> memref<1x!tpu.dma_semaphore, #tpu.memory_space<semaphore_mem>>
      %dma_wait3A_236 = tpu.memref_squeeze %dma_wait3A_235 : memref<1x!tpu.dma_semaphore, #tpu.memory_space<semaphore_mem>> -> memref<!tpu.dma_semaphore, #tpu.memory_space<semaphore_mem>>
      tpu.wait_indirect_dma semaphore(%dma_wait3A_236 : memref<!tpu.dma_semaphore, #tpu.memory_space<semaphore_mem>>) src(%dma_wait3A_234 : memref<100000x64xf32, #tpu.memory_space<hbm>>) dst(%dma_wait3A_230 : memref<128x64xf32, #tpu.memory_space<vmem>>)
      %dma_wait3A_237 = arith.constant 1 : i32
      %dma_wait3A_238 = arith.constant 1 : i32
      %dma_wait3A_239 = arith.constant 128 : i32
      %dma_wait3A_240 = arith.constant 0 : i32
      %dma_wait3A_241 = tpu.memref_slice %arg7[%dma_wait3A_237, %dma_wait3A_239, %dma_wait3A_240] : memref<4x200x64xf32, #tpu.memory_space<vmem>> -> memref<1x72x64xf32, #tpu.memory_space<vmem>>
      %dma_wait3A_242 = tpu.memref_squeeze %dma_wait3A_241 : memref<1x72x64xf32, #tpu.memory_space<vmem>> -> memref<72x64xf32, #tpu.memory_space<vmem>>
      %dma_wait3A_243 = tpu.memref_slice %arg6[%add3A_224] : memref<6400xi32, #tpu.memory_space<vmem>> -> memref<72xi32, #tpu.memory_space<vmem>>
      %dma_wait3A_244 = arith.constant 0 : i32
      %dma_wait3A_245 = arith.constant 0 : i32
      %dma_wait3A_246 = tpu.memref_slice %arg3[%dma_wait3A_244, %dma_wait3A_245] : memref<100000x64xf32, #tpu.memory_space<hbm>> -> memref<100000x64xf32, #tpu.memory_space<hbm>>
      %dma_wait3A_247 = tpu.memref_slice %arg9[%dma_wait3A_238] : memref<4x!tpu.dma_semaphore, #tpu.memory_space<semaphore_mem>> -> memref<1x!tpu.dma_semaphore, #tpu.memory_space<semaphore_mem>>
      %dma_wait3A_248 = tpu.memref_squeeze %dma_wait3A_247 : memref<1x!tpu.dma_semaphore, #tpu.memory_space<semaphore_mem>> -> memref<!tpu.dma_semaphore, #tpu.memory_space<semaphore_mem>>
      tpu.wait_indirect_dma semaphore(%dma_wait3A_248 : memref<!tpu.dma_semaphore, #tpu.memory_space<semaphore_mem>>) src(%dma_wait3A_246 : memref<100000x64xf32, #tpu.memory_space<hbm>>) dst(%dma_wait3A_242 : memref<72x64xf32, #tpu.memory_space<vmem>>)
      %scan3A_249 = arith.constant 0 : i32
      %scan3A_250 = arith.constant 0 : i32
      %scan3A_251 = arith.constant 50 : i32
      %scan3A_252 = arith.addi %scan3A_250, %scan3A_251 : i32
      %scan3A_253 = arith.constant 1 : i32
      scf.for %scan3A_411 = %scan3A_250 to %scan3A_252 step %scan3A_253  : i32 {
        %mul3A_412 = arith.constant 4 : i32
        %mul3A_413 = arith.muli %scan3A_411, %mul3A_412 : i32
        %add3A_414 = arith.constant 0 : i32
        %add3A_415 = arith.addi %mul3A_413, %add3A_414 : i32
        %add3A_416 = arith.constant 0 : i32
        %add3A_417 = arith.addi %mul3A_413, %add3A_416 : i32
        %mul3A_418 = arith.constant 64 : i32
        %mul3A_419 = arith.muli %add3A_417, %mul3A_418 : i32
        %add3A_420 = arith.constant 0 : i32
        %add3A_421 = arith.addi %mul3A_419, %add3A_420 : i32
        %get3A = arith.index_cast %add3A_421 : i32 to index
        %get3A_422 = tpu.vector_load %arg8[%get3A] {strides = array<i32>} : memref<12800xf32, #tpu.memory_space<vmem>>, vector<16xf32>,
        %get3A_423 = vector.shape_cast %get3A_422 : vector<16xf32> to vector<16xf32>
        %swap3A = arith.constant 1 : i32
        %swap3A_424 = arith.index_cast %swap3A : i32 to index
        %swap3A_425 = arith.index_cast %add3A_415 : i32 to index
        %swap3A_426 = arith.constant 0 : index
        %swap3A_427 = tpu.vector_load %arg7[%swap3A_424, %swap3A_425, %swap3A_426] {strides = array<i32>} : memref<4x200x64xf32, #tpu.memory_space<vmem>>, vector<1x1x16xf32>,
        %swap3A_428 = vector.shape_cast %swap3A_427 : vector<1x1x16xf32> to vector<16xf32>
        %swap3A_429 = vector.shape_cast %get3A_423 : vector<16xf32> to vector<1x1x16xf32>
        tpu.vector_store %arg7[%swap3A_424, %swap3A_425, %swap3A_426], %swap3A_429 {add = true, strides = array<i32>} : memref<4x200x64xf32, #tpu.memory_space<vmem>>, vector<1x1x16xf32>,
        %add3A_430 = arith.constant 0 : i32
        %add3A_431 = arith.addi %mul3A_413, %add3A_430 : i32
        %add3A_432 = arith.constant 0 : i32
        %add3A_433 = arith.addi %mul3A_413, %add3A_432 : i32
        %mul3A_434 = arith.constant 64 : i32
        %mul3A_435 = arith.muli %add3A_433, %mul3A_434 : i32
        %add3A_436 = arith.constant 16 : i32
        %add3A_437 = arith.addi %mul3A_435, %add3A_436 : i32
        %get3A_438 = arith.index_cast %add3A_437 : i32 to index
        %get3A_439 = tpu.vector_load %arg8[%get3A_438] {strides = array<i32>} : memref<12800xf32, #tpu.memory_space<vmem>>, vector<16xf32>,
        %get3A_440 = vector.shape_cast %get3A_439 : vector<16xf32> to vector<16xf32>
        %swap3A_441 = arith.constant 1 : i32
        %swap3A_442 = arith.index_cast %swap3A_441 : i32 to index
        %swap3A_443 = arith.index_cast %add3A_431 : i32 to index
        %swap3A_444 = arith.constant 16 : index
        %swap3A_445 = tpu.vector_load %arg7[%swap3A_442, %swap3A_443, %swap3A_444] {strides = array<i32>} : memref<4x200x64xf32, #tpu.memory_space<vmem>>, vector<1x1x16xf32>,
        %swap3A_446 = vector.shape_cast %swap3A_445 : vector<1x1x16xf32> to vector<16xf32>
        %swap3A_447 = vector.shape_cast %get3A_440 : vector<16xf32> to vector<1x1x16xf32>
        tpu.vector_store %arg7[%swap3A_442, %swap3A_443, %swap3A_444], %swap3A_447 {add = true, strides = array<i32>} : memref<4x200x64xf32, #tpu.memory_space<vmem>>, vector<1x1x16xf32>,
        %add3A_448 = arith.constant 0 : i32
        %add3A_449 = arith.addi %mul3A_413, %add3A_448 : i32
        %add3A_450 = arith.constant 0 : i32
        %add3A_451 = arith.addi %mul3A_413, %add3A_450 : i32
        %mul3A_452 = arith.constant 64 : i32
        %mul3A_453 = arith.muli %add3A_451, %mul3A_452 : i32
        %add3A_454 = arith.constant 32 : i32
        %add3A_455 = arith.addi %mul3A_453, %add3A_454 : i32
        %get3A_456 = arith.index_cast %add3A_455 : i32 to index
        %get3A_457 = tpu.vector_load %arg8[%get3A_456] {strides = array<i32>} : memref<12800xf32, #tpu.memory_space<vmem>>, vector<16xf32>,
        %get3A_458 = vector.shape_cast %get3A_457 : vector<16xf32> to vector<16xf32>
        %swap3A_459 = arith.constant 1 : i32
        %swap3A_460 = arith.index_cast %swap3A_459 : i32 to index
        %swap3A_461 = arith.index_cast %add3A_449 : i32 to index
        %swap3A_462 = arith.constant 32 : index
        %swap3A_463 = tpu.vector_load %arg7[%swap3A_460, %swap3A_461, %swap3A_462] {strides = array<i32>} : memref<4x200x64xf32, #tpu.memory_space<vmem>>, vector<1x1x16xf32>,
        %swap3A_464 = vector.shape_cast %swap3A_463 : vector<1x1x16xf32> to vector<16xf32>
        %swap3A_465 = vector.shape_cast %get3A_458 : vector<16xf32> to vector<1x1x16xf32>
        tpu.vector_store %arg7[%swap3A_460, %swap3A_461, %swap3A_462], %swap3A_465 {add = true, strides = array<i32>} : memref<4x200x64xf32, #tpu.memory_space<vmem>>, vector<1x1x16xf32>,
        %add3A_466 = arith.constant 0 : i32
        %add3A_467 = arith.addi %mul3A_413, %add3A_466 : i32
        %add3A_468 = arith.constant 0 : i32
        %add3A_469 = arith.addi %mul3A_413, %add3A_468 : i32
        %mul3A_470 = arith.constant 64 : i32
        %mul3A_471 = arith.muli %add3A_469, %mul3A_470 : i32
        %add3A_472 = arith.constant 48 : i32
        %add3A_473 = arith.addi %mul3A_471, %add3A_472 : i32
        %get3A_474 = arith.index_cast %add3A_473 : i32 to index
        %get3A_475 = tpu.vector_load %arg8[%get3A_474] {strides = array<i32>} : memref<12800xf32, #tpu.memory_space<vmem>>, vector<16xf32>,
        %get3A_476 = vector.shape_cast %get3A_475 : vector<16xf32> to vector<16xf32>
        %swap3A_477 = arith.constant 1 : i32
        %swap3A_478 = arith.index_cast %swap3A_477 : i32 to index
        %swap3A_479 = arith.index_cast %add3A_467 : i32 to index
        %swap3A_480 = arith.constant 48 : index
        %swap3A_481 = tpu.vector_load %arg7[%swap3A_478, %swap3A_479, %swap3A_480] {strides = array<i32>} : memref<4x200x64xf32, #tpu.memory_space<vmem>>, vector<1x1x16xf32>,
        %swap3A_482 = vector.shape_cast %swap3A_481 : vector<1x1x16xf32> to vector<16xf32>
        %swap3A_483 = vector.shape_cast %get3A_476 : vector<16xf32> to vector<1x1x16xf32>
        tpu.vector_store %arg7[%swap3A_478, %swap3A_479, %swap3A_480], %swap3A_483 {add = true, strides = array<i32>} : memref<4x200x64xf32, #tpu.memory_space<vmem>>, vector<1x1x16xf32>,
        %add3A_484 = arith.constant 1 : i32
        %add3A_485 = arith.addi %mul3A_413, %add3A_484 : i32
        %add3A_486 = arith.constant 1 : i32
        %add3A_487 = arith.addi %mul3A_413, %add3A_486 : i32
        %mul3A_488 = arith.constant 64 : i32
        %mul3A_489 = arith.muli %add3A_487, %mul3A_488 : i32
        %add3A_490 = arith.constant 0 : i32
        %add3A_491 = arith.addi %mul3A_489, %add3A_490 : i32
        %get3A_492 = arith.index_cast %add3A_491 : i32 to index
        %get3A_493 = tpu.vector_load %arg8[%get3A_492] {strides = array<i32>} : memref<12800xf32, #tpu.memory_space<vmem>>, vector<16xf32>,
        %get3A_494 = vector.shape_cast %get3A_493 : vector<16xf32> to vector<16xf32>
        %swap3A_495 = arith.constant 1 : i32
        %swap3A_496 = arith.index_cast %swap3A_495 : i32 to index
        %swap3A_497 = arith.index_cast %add3A_485 : i32 to index
        %swap3A_498 = arith.constant 0 : index
        %swap3A_499 = tpu.vector_load %arg7[%swap3A_496, %swap3A_497, %swap3A_498] {strides = array<i32>} : memref<4x200x64xf32, #tpu.memory_space<vmem>>, vector<1x1x16xf32>,
        %swap3A_500 = vector.shape_cast %swap3A_499 : vector<1x1x16xf32> to vector<16xf32>
        %swap3A_501 = vector.shape_cast %get3A_494 : vector<16xf32> to vector<1x1x16xf32>
        tpu.vector_store %arg7[%swap3A_496, %swap3A_497, %swap3A_498], %swap3A_501 {add = true, strides = array<i32>} : memref<4x200x64xf32, #tpu.memory_space<vmem>>, vector<1x1x16xf32>,
        %add3A_502 = arith.constant 1 : i32
        %add3A_503 = arith.addi %mul3A_413, %add3A_502 : i32
        %add3A_504 = arith.constant 1 : i32
        %add3A_505 = arith.addi %mul3A_413, %add3A_504 : i32
        %mul3A_506 = arith.constant 64 : i32
        %mul3A_507 = arith.muli %add3A_505, %mul3A_506 : i32
        %add3A_508 = arith.constant 16 : i32
        %add3A_509 = arith.addi %mul3A_507, %add3A_508 : i32
        %get3A_510 = arith.index_cast %add3A_509 : i32 to index
        %get3A_511 = tpu.vector_load %arg8[%get3A_510] {strides = array<i32>} : memref<12800xf32, #tpu.memory_space<vmem>>, vector<16xf32>,
        %get3A_512 = vector.shape_cast %get3A_511 : vector<16xf32> to vector<16xf32>
        %swap3A_513 = arith.constant 1 : i32
        %swap3A_514 = arith.index_cast %swap3A_513 : i32 to index
        %swap3A_515 = arith.index_cast %add3A_503 : i32 to index
        %swap3A_516 = arith.constant 16 : index
        %swap3A_517 = tpu.vector_load %arg7[%swap3A_514, %swap3A_515, %swap3A_516] {strides = array<i32>} : memref<4x200x64xf32, #tpu.memory_space<vmem>>, vector<1x1x16xf32>,
        %swap3A_518 = vector.shape_cast %swap3A_517 : vector<1x1x16xf32> to vector<16xf32>
        %swap3A_519 = vector.shape_cast %get3A_512 : vector<16xf32> to vector<1x1x16xf32>
        tpu.vector_store %arg7[%swap3A_514, %swap3A_515, %swap3A_516], %swap3A_519 {add = true, strides = array<i32>} : memref<4x200x64xf32, #tpu.memory_space<vmem>>, vector<1x1x16xf32>,
        %add3A_520 = arith.constant 1 : i32
        %add3A_521 = arith.addi %mul3A_413, %add3A_520 : i32
        %add3A_522 = arith.constant 1 : i32
        %add3A_523 = arith.addi %mul3A_413, %add3A_522 : i32
        %mul3A_524 = arith.constant 64 : i32
        %mul3A_525 = arith.muli %add3A_523, %mul3A_524 : i32
        %add3A_526 = arith.constant 32 : i32
        %add3A_527 = arith.addi %mul3A_525, %add3A_526 : i32
        %get3A_528 = arith.index_cast %add3A_527 : i32 to index
        %get3A_529 = tpu.vector_load %arg8[%get3A_528] {strides = array<i32>} : memref<12800xf32, #tpu.memory_space<vmem>>, vector<16xf32>,
        %get3A_530 = vector.shape_cast %get3A_529 : vector<16xf32> to vector<16xf32>
        %swap3A_531 = arith.constant 1 : i32
        %swap3A_532 = arith.index_cast %swap3A_531 : i32 to index
        %swap3A_533 = arith.index_cast %add3A_521 : i32 to index
        %swap3A_534 = arith.constant 32 : index
        %swap3A_535 = tpu.vector_load %arg7[%swap3A_532, %swap3A_533, %swap3A_534] {strides = array<i32>} : memref<4x200x64xf32, #tpu.memory_space<vmem>>, vector<1x1x16xf32>,
        %swap3A_536 = vector.shape_cast %swap3A_535 : vector<1x1x16xf32> to vector<16xf32>
        %swap3A_537 = vector.shape_cast %get3A_530 : vector<16xf32> to vector<1x1x16xf32>
        tpu.vector_store %arg7[%swap3A_532, %swap3A_533, %swap3A_534], %swap3A_537 {add = true, strides = array<i32>} : memref<4x200x64xf32, #tpu.memory_space<vmem>>, vector<1x1x16xf32>,
        %add3A_538 = arith.constant 1 : i32
        %add3A_539 = arith.addi %mul3A_413, %add3A_538 : i32
        %add3A_540 = arith.constant 1 : i32
        %add3A_541 = arith.addi %mul3A_413, %add3A_540 : i32
        %mul3A_542 = arith.constant 64 : i32
        %mul3A_543 = arith.muli %add3A_541, %mul3A_542 : i32
        %add3A_544 = arith.constant 48 : i32
        %add3A_545 = arith.addi %mul3A_543, %add3A_544 : i32
        %get3A_546 = arith.index_cast %add3A_545 : i32 to index
        %get3A_547 = tpu.vector_load %arg8[%get3A_546] {strides = array<i32>} : memref<12800xf32, #tpu.memory_space<vmem>>, vector<16xf32>,
        %get3A_548 = vector.shape_cast %get3A_547 : vector<16xf32> to vector<16xf32>
        %swap3A_549 = arith.constant 1 : i32
        %swap3A_550 = arith.index_cast %swap3A_549 : i32 to index
        %swap3A_551 = arith.index_cast %add3A_539 : i32 to index
        %swap3A_552 = arith.constant 48 : index
        %swap3A_553 = tpu.vector_load %arg7[%swap3A_550, %swap3A_551, %swap3A_552] {strides = array<i32>} : memref<4x200x64xf32, #tpu.memory_space<vmem>>, vector<1x1x16xf32>,
        %swap3A_554 = vector.shape_cast %swap3A_553 : vector<1x1x16xf32> to vector<16xf32>
        %swap3A_555 = vector.shape_cast %get3A_548 : vector<16xf32> to vector<1x1x16xf32>
        tpu.vector_store %arg7[%swap3A_550, %swap3A_551, %swap3A_552], %swap3A_555 {add = true, strides = array<i32>} : memref<4x200x64xf32, #tpu.memory_space<vmem>>, vector<1x1x16xf32>,
        %add3A_556 = arith.constant 2 : i32
        %add3A_557 = arith.addi %mul3A_413, %add3A_556 : i32
        %add3A_558 = arith.constant 2 : i32
        %add3A_559 = arith.addi %mul3A_413, %add3A_558 : i32
        %mul3A_560 = arith.constant 64 : i32
        %mul3A_561 = arith.muli %add3A_559, %mul3A_560 : i32
        %add3A_562 = arith.constant 0 : i32
        %add3A_563 = arith.addi %mul3A_561, %add3A_562 : i32
        %get3A_564 = arith.index_cast %add3A_563 : i32 to index
        %get3A_565 = tpu.vector_load %arg8[%get3A_564] {strides = array<i32>} : memref<12800xf32, #tpu.memory_space<vmem>>, vector<16xf32>,
        %get3A_566 = vector.shape_cast %get3A_565 : vector<16xf32> to vector<16xf32>
        %swap3A_567 = arith.constant 1 : i32
        %swap3A_568 = arith.index_cast %swap3A_567 : i32 to index
        %swap3A_569 = arith.index_cast %add3A_557 : i32 to index
        %swap3A_570 = arith.constant 0 : index
        %swap3A_571 = tpu.vector_load %arg7[%swap3A_568, %swap3A_569, %swap3A_570] {strides = array<i32>} : memref<4x200x64xf32, #tpu.memory_space<vmem>>, vector<1x1x16xf32>,
        %swap3A_572 = vector.shape_cast %swap3A_571 : vector<1x1x16xf32> to vector<16xf32>
        %swap3A_573 = vector.shape_cast %get3A_566 : vector<16xf32> to vector<1x1x16xf32>
        tpu.vector_store %arg7[%swap3A_568, %swap3A_569, %swap3A_570], %swap3A_573 {add = true, strides = array<i32>} : memref<4x200x64xf32, #tpu.memory_space<vmem>>, vector<1x1x16xf32>,
        %add3A_574 = arith.constant 2 : i32
        %add3A_575 = arith.addi %mul3A_413, %add3A_574 : i32
        %add3A_576 = arith.constant 2 : i32
        %add3A_577 = arith.addi %mul3A_413, %add3A_576 : i32
        %mul3A_578 = arith.constant 64 : i32
        %mul3A_579 = arith.muli %add3A_577, %mul3A_578 : i32
        %add3A_580 = arith.constant 16 : i32
        %add3A_581 = arith.addi %mul3A_579, %add3A_580 : i32
        %get3A_582 = arith.index_cast %add3A_581 : i32 to index
        %get3A_583 = tpu.vector_load %arg8[%get3A_582] {strides = array<i32>} : memref<12800xf32, #tpu.memory_space<vmem>>, vector<16xf32>,
        %get3A_584 = vector.shape_cast %get3A_583 : vector<16xf32> to vector<16xf32>
        %swap3A_585 = arith.constant 1 : i32
        %swap3A_586 = arith.index_cast %swap3A_585 : i32 to index
        %swap3A_587 = arith.index_cast %add3A_575 : i32 to index
        %swap3A_588 = arith.constant 16 : index
        %swap3A_589 = tpu.vector_load %arg7[%swap3A_586, %swap3A_587, %swap3A_588] {strides = array<i32>} : memref<4x200x64xf32, #tpu.memory_space<vmem>>, vector<1x1x16xf32>,
        %swap3A_590 = vector.shape_cast %swap3A_589 : vector<1x1x16xf32> to vector<16xf32>
        %swap3A_591 = vector.shape_cast %get3A_584 : vector<16xf32> to vector<1x1x16xf32>
        tpu.vector_store %arg7[%swap3A_586, %swap3A_587, %swap3A_588], %swap3A_591 {add = true, strides = array<i32>} : memref<4x200x64xf32, #tpu.memory_space<vmem>>, vector<1x1x16xf32>,
        %add3A_592 = arith.constant 2 : i32
        %add3A_593 = arith.addi %mul3A_413, %add3A_592 : i32
        %add3A_594 = arith.constant 2 : i32
        %add3A_595 = arith.addi %mul3A_413, %add3A_594 : i32
        %mul3A_596 = arith.constant 64 : i32
        %mul3A_597 = arith.muli %add3A_595, %mul3A_596 : i32
        %add3A_598 = arith.constant 32 : i32
        %add3A_599 = arith.addi %mul3A_597, %add3A_598 : i32
        %get3A_600 = arith.index_cast %add3A_599 : i32 to index
        %get3A_601 = tpu.vector_load %arg8[%get3A_600] {strides = array<i32>} : memref<12800xf32, #tpu.memory_space<vmem>>, vector<16xf32>,
        %get3A_602 = vector.shape_cast %get3A_601 : vector<16xf32> to vector<16xf32>
        %swap3A_603 = arith.constant 1 : i32
        %swap3A_604 = arith.index_cast %swap3A_603 : i32 to index
        %swap3A_605 = arith.index_cast %add3A_593 : i32 to index
        %swap3A_606 = arith.constant 32 : index
        %swap3A_607 = tpu.vector_load %arg7[%swap3A_604, %swap3A_605, %swap3A_606] {strides = array<i32>} : memref<4x200x64xf32, #tpu.memory_space<vmem>>, vector<1x1x16xf32>,
        %swap3A_608 = vector.shape_cast %swap3A_607 : vector<1x1x16xf32> to vector<16xf32>
        %swap3A_609 = vector.shape_cast %get3A_602 : vector<16xf32> to vector<1x1x16xf32>
        tpu.vector_store %arg7[%swap3A_604, %swap3A_605, %swap3A_606], %swap3A_609 {add = true, strides = array<i32>} : memref<4x200x64xf32, #tpu.memory_space<vmem>>, vector<1x1x16xf32>,
        %add3A_610 = arith.constant 2 : i32
        %add3A_611 = arith.addi %mul3A_413, %add3A_610 : i32
        %add3A_612 = arith.constant 2 : i32
        %add3A_613 = arith.addi %mul3A_413, %add3A_612 : i32
        %mul3A_614 = arith.constant 64 : i32
        %mul3A_615 = arith.muli %add3A_613, %mul3A_614 : i32
        %add3A_616 = arith.constant 48 : i32
        %add3A_617 = arith.addi %mul3A_615, %add3A_616 : i32
        %get3A_618 = arith.index_cast %add3A_617 : i32 to index
        %get3A_619 = tpu.vector_load %arg8[%get3A_618] {strides = array<i32>} : memref<12800xf32, #tpu.memory_space<vmem>>, vector<16xf32>,
        %get3A_620 = vector.shape_cast %get3A_619 : vector<16xf32> to vector<16xf32>
        %swap3A_621 = arith.constant 1 : i32
        %swap3A_622 = arith.index_cast %swap3A_621 : i32 to index
        %swap3A_623 = arith.index_cast %add3A_611 : i32 to index
        %swap3A_624 = arith.constant 48 : index
        %swap3A_625 = tpu.vector_load %arg7[%swap3A_622, %swap3A_623, %swap3A_624] {strides = array<i32>} : memref<4x200x64xf32, #tpu.memory_space<vmem>>, vector<1x1x16xf32>,
        %swap3A_626 = vector.shape_cast %swap3A_625 : vector<1x1x16xf32> to vector<16xf32>
        %swap3A_627 = vector.shape_cast %get3A_620 : vector<16xf32> to vector<1x1x16xf32>
        tpu.vector_store %arg7[%swap3A_622, %swap3A_623, %swap3A_624], %swap3A_627 {add = true, strides = array<i32>} : memref<4x200x64xf32, #tpu.memory_space<vmem>>, vector<1x1x16xf32>,
        %add3A_628 = arith.constant 3 : i32
        %add3A_629 = arith.addi %mul3A_413, %add3A_628 : i32
        %add3A_630 = arith.constant 3 : i32
        %add3A_631 = arith.addi %mul3A_413, %add3A_630 : i32
        %mul3A_632 = arith.constant 64 : i32
        %mul3A_633 = arith.muli %add3A_631, %mul3A_632 : i32
        %add3A_634 = arith.constant 0 : i32
        %add3A_635 = arith.addi %mul3A_633, %add3A_634 : i32
        %get3A_636 = arith.index_cast %add3A_635 : i32 to index
        %get3A_637 = tpu.vector_load %arg8[%get3A_636] {strides = array<i32>} : memref<12800xf32, #tpu.memory_space<vmem>>, vector<16xf32>,
        %get3A_638 = vector.shape_cast %get3A_637 : vector<16xf32> to vector<16xf32>
        %swap3A_639 = arith.constant 1 : i32
        %swap3A_640 = arith.index_cast %swap3A_639 : i32 to index
        %swap3A_641 = arith.index_cast %add3A_629 : i32 to index
        %swap3A_642 = arith.constant 0 : index
        %swap3A_643 = tpu.vector_load %arg7[%swap3A_640, %swap3A_641, %swap3A_642] {strides = array<i32>} : memref<4x200x64xf32, #tpu.memory_space<vmem>>, vector<1x1x16xf32>,
        %swap3A_644 = vector.shape_cast %swap3A_643 : vector<1x1x16xf32> to vector<16xf32>
        %swap3A_645 = vector.shape_cast %get3A_638 : vector<16xf32> to vector<1x1x16xf32>
        tpu.vector_store %arg7[%swap3A_640, %swap3A_641, %swap3A_642], %swap3A_645 {add = true, strides = array<i32>} : memref<4x200x64xf32, #tpu.memory_space<vmem>>, vector<1x1x16xf32>,
        %add3A_646 = arith.constant 3 : i32
        %add3A_647 = arith.addi %mul3A_413, %add3A_646 : i32
        %add3A_648 = arith.constant 3 : i32
        %add3A_649 = arith.addi %mul3A_413, %add3A_648 : i32
        %mul3A_650 = arith.constant 64 : i32
        %mul3A_651 = arith.muli %add3A_649, %mul3A_650 : i32
        %add3A_652 = arith.constant 16 : i32
        %add3A_653 = arith.addi %mul3A_651, %add3A_652 : i32
        %get3A_654 = arith.index_cast %add3A_653 : i32 to index
        %get3A_655 = tpu.vector_load %arg8[%get3A_654] {strides = array<i32>} : memref<12800xf32, #tpu.memory_space<vmem>>, vector<16xf32>,
        %get3A_656 = vector.shape_cast %get3A_655 : vector<16xf32> to vector<16xf32>
        %swap3A_657 = arith.constant 1 : i32
        %swap3A_658 = arith.index_cast %swap3A_657 : i32 to index
        %swap3A_659 = arith.index_cast %add3A_647 : i32 to index
        %swap3A_660 = arith.constant 16 : index
        %swap3A_661 = tpu.vector_load %arg7[%swap3A_658, %swap3A_659, %swap3A_660] {strides = array<i32>} : memref<4x200x64xf32, #tpu.memory_space<vmem>>, vector<1x1x16xf32>,
        %swap3A_662 = vector.shape_cast %swap3A_661 : vector<1x1x16xf32> to vector<16xf32>
        %swap3A_663 = vector.shape_cast %get3A_656 : vector<16xf32> to vector<1x1x16xf32>
        tpu.vector_store %arg7[%swap3A_658, %swap3A_659, %swap3A_660], %swap3A_663 {add = true, strides = array<i32>} : memref<4x200x64xf32, #tpu.memory_space<vmem>>, vector<1x1x16xf32>,
        %add3A_664 = arith.constant 3 : i32
        %add3A_665 = arith.addi %mul3A_413, %add3A_664 : i32
        %add3A_666 = arith.constant 3 : i32
        %add3A_667 = arith.addi %mul3A_413, %add3A_666 : i32
        %mul3A_668 = arith.constant 64 : i32
        %mul3A_669 = arith.muli %add3A_667, %mul3A_668 : i32
        %add3A_670 = arith.constant 32 : i32
        %add3A_671 = arith.addi %mul3A_669, %add3A_670 : i32
        %get3A_672 = arith.index_cast %add3A_671 : i32 to index
        %get3A_673 = tpu.vector_load %arg8[%get3A_672] {strides = array<i32>} : memref<12800xf32, #tpu.memory_space<vmem>>, vector<16xf32>,
        %get3A_674 = vector.shape_cast %get3A_673 : vector<16xf32> to vector<16xf32>
        %swap3A_675 = arith.constant 1 : i32
        %swap3A_676 = arith.index_cast %swap3A_675 : i32 to index
        %swap3A_677 = arith.index_cast %add3A_665 : i32 to index
        %swap3A_678 = arith.constant 32 : index
        %swap3A_679 = tpu.vector_load %arg7[%swap3A_676, %swap3A_677, %swap3A_678] {strides = array<i32>} : memref<4x200x64xf32, #tpu.memory_space<vmem>>, vector<1x1x16xf32>,
        %swap3A_680 = vector.shape_cast %swap3A_679 : vector<1x1x16xf32> to vector<16xf32>
        %swap3A_681 = vector.shape_cast %get3A_674 : vector<16xf32> to vector<1x1x16xf32>
        tpu.vector_store %arg7[%swap3A_676, %swap3A_677, %swap3A_678], %swap3A_681 {add = true, strides = array<i32>} : memref<4x200x64xf32, #tpu.memory_space<vmem>>, vector<1x1x16xf32>,
        %add3A_682 = arith.constant 3 : i32
        %add3A_683 = arith.addi %mul3A_413, %add3A_682 : i32
        %add3A_684 = arith.constant 3 : i32
        %add3A_685 = arith.addi %mul3A_413, %add3A_684 : i32
        %mul3A_686 = arith.constant 64 : i32
        %mul3A_687 = arith.muli %add3A_685, %mul3A_686 : i32
        %add3A_688 = arith.constant 48 : i32
        %add3A_689 = arith.addi %mul3A_687, %add3A_688 : i32
        %get3A_690 = arith.index_cast %add3A_689 : i32 to index
        %get3A_691 = tpu.vector_load %arg8[%get3A_690] {strides = array<i32>} : memref<12800xf32, #tpu.memory_space<vmem>>, vector<16xf32>,
        %get3A_692 = vector.shape_cast %get3A_691 : vector<16xf32> to vector<16xf32>
        %swap3A_693 = arith.constant 1 : i32
        %swap3A_694 = arith.index_cast %swap3A_693 : i32 to index
        %swap3A_695 = arith.index_cast %add3A_683 : i32 to index
        %swap3A_696 = arith.constant 48 : index
        %swap3A_697 = tpu.vector_load %arg7[%swap3A_694, %swap3A_695, %swap3A_696] {strides = array<i32>} : memref<4x200x64xf32, #tpu.memory_space<vmem>>, vector<1x1x16xf32>,
        %swap3A_698 = vector.shape_cast %swap3A_697 : vector<1x1x16xf32> to vector<16xf32>
        %swap3A_699 = vector.shape_cast %get3A_692 : vector<16xf32> to vector<1x1x16xf32>
        tpu.vector_store %arg7[%swap3A_694, %swap3A_695, %swap3A_696], %swap3A_699 {add = true, strides = array<i32>} : memref<4x200x64xf32, #tpu.memory_space<vmem>>, vector<1x1x16xf32>,
      }
      %scan3A_254 = arith.constant 50 : i32
      %mul3A_255 = arith.constant 200 : i32
      %mul3A_256 = arith.muli %add3A_220, %mul3A_255 : i32
      %add3A_257 = arith.addi %mul3A_2, %mul3A_256 : i32
      %dma_start3A_258 = arith.constant 1 : i32
      %dma_start3A_259 = arith.constant 1 : i32
      %dma_start3A_260 = arith.constant 0 : i32
      %dma_start3A_261 = arith.constant 0 : i32
      %dma_start3A_262 = tpu.memref_slice %arg7[%dma_start3A_258, %dma_start3A_260, %dma_start3A_261] : memref<4x200x64xf32, #tpu.memory_space<vmem>> -> memref<1x200x64xf32, #tpu.memory_space<vmem>>
      %dma_start3A_263 = tpu.memref_squeeze %dma_start3A_262 : memref<1x200x64xf32, #tpu.memory_space<vmem>> -> memref<200x64xf32, #tpu.memory_space<vmem>>
      %dma_start3A_264 = arith.constant 0 : i32
      %dma_start3A_265 = tpu.memref_slice %arg5[%add3A_257, %dma_start3A_264] : memref<204800x128xf32, #tpu.memory_space<hbm>> -> memref<200x64xf32, #tpu.memory_space<hbm>>
      %dma_start3A_266 = tpu.memref_slice %arg10[%dma_start3A_259] : memref<4x!tpu.dma_semaphore, #tpu.memory_space<semaphore_mem>> -> memref<1x!tpu.dma_semaphore, #tpu.memory_space<semaphore_mem>>
      %dma_start3A_267 = tpu.memref_squeeze %dma_start3A_266 : memref<1x!tpu.dma_semaphore, #tpu.memory_space<semaphore_mem>> -> memref<!tpu.dma_semaphore, #tpu.memory_space<semaphore_mem>>
      %dma_start3A_268 = arith.constant 0 : i32
      %dma_start3A_269 = tpu.memref_slice %arg5[%add3A_257, %dma_start3A_268] : memref<204800x128xf32, #tpu.memory_space<hbm>> -> memref<200x64xf32, #tpu.memory_space<hbm>>
      %dma_start3A_270 = arith.constant 0 : i32
      %dma_start3A_271 = arith.constant 0 : i32
      %dma_start3A_272 = tpu.memref_slice %arg7[%dma_start3A_258, %dma_start3A_270, %dma_start3A_271] : memref<4x200x64xf32, #tpu.memory_space<vmem>> -> memref<1x200x64xf32, #tpu.memory_space<vmem>>
      %dma_start3A_273 = tpu.memref_squeeze %dma_start3A_272 : memref<1x200x64xf32, #tpu.memory_space<vmem>> -> memref<200x64xf32, #tpu.memory_space<vmem>>
      tpu.enqueue_dma source(%dma_start3A_273 : memref<200x64xf32, #tpu.memory_space<vmem>>) target(%dma_start3A_269 : memref<200x64xf32, #tpu.memory_space<hbm>>) target_semaphore(%dma_start3A_267 : memref<!tpu.dma_semaphore, #tpu.memory_space<semaphore_mem>>)
      %add3A_274 = arith.constant 4 : i32
      %add3A_275 = arith.addi %add3A_220, %add3A_274 : i32
      %sub3A_276 = arith.constant 1 : i32
      %sub3A_277 = arith.subi %add3A_275, %sub3A_276 : i32
      %lt3A_278 = arith.constant 32 : i32
      %lt3A_279 = arith.cmpi slt, %sub3A_277, %lt3A_278 : i32
      %convert_element_type3A_280 = arith.extui %lt3A_279 : i1 to i32
      %cond3A_281 = arith.constant 0 : i32
      %cond3A_282 = arith.cmpi ne, %convert_element_type3A_280, %cond3A_281 : i32
      scf.if %cond3A_282 {
        %ge3A = arith.constant 1 : i32
        %ge3A_411 = arith.cmpi sge, %add3A_220, %ge3A : i32
        %convert_element_type3A_412 = arith.extui %ge3A_411 : i1 to i32
        %cond3A_413 = arith.constant 0 : i32
        %cond3A_414 = arith.cmpi ne, %convert_element_type3A_412, %cond3A_413 : i32
        scf.if %cond3A_414 {
          %sub3A_443 = arith.constant 1 : i32
          %sub3A_444 = arith.subi %add3A_220, %sub3A_443 : i32
          %mul3A_445 = arith.constant 200 : i32
          %mul3A_446 = arith.muli %sub3A_444, %mul3A_445 : i32
          %add3A_447 = arith.addi %mul3A_2, %mul3A_446 : i32
          %dma_wait3A_448 = arith.constant 0 : i32
          %dma_wait3A_449 = arith.constant 0 : i32
          %dma_wait3A_450 = arith.constant 0 : i32
          %dma_wait3A_451 = arith.constant 0 : i32
          %dma_wait3A_452 = tpu.memref_slice %arg7[%dma_wait3A_448, %dma_wait3A_450, %dma_wait3A_451] : memref<4x200x64xf32, #tpu.memory_space<vmem>> -> memref<1x200x64xf32, #tpu.memory_space<vmem>>
          %dma_wait3A_453 = tpu.memref_squeeze %dma_wait3A_452 : memref<1x200x64xf32, #tpu.memory_space<vmem>> -> memref<200x64xf32, #tpu.memory_space<vmem>>
          %dma_wait3A_454 = arith.constant 0 : i32
          %dma_wait3A_455 = tpu.memref_slice %arg5[%add3A_447, %dma_wait3A_454] : memref<204800x128xf32, #tpu.memory_space<hbm>> -> memref<200x64xf32, #tpu.memory_space<hbm>>
          %dma_wait3A_456 = tpu.memref_slice %arg10[%dma_wait3A_449] : memref<4x!tpu.dma_semaphore, #tpu.memory_space<semaphore_mem>> -> memref<1x!tpu.dma_semaphore, #tpu.memory_space<semaphore_mem>>
          %dma_wait3A_457 = tpu.memref_squeeze %dma_wait3A_456 : memref<1x!tpu.dma_semaphore, #tpu.memory_space<semaphore_mem>> -> memref<!tpu.dma_semaphore, #tpu.memory_space<semaphore_mem>>
          %dma_wait3A_458 = arith.constant 0 : i32
          %dma_wait3A_459 = tpu.memref_slice %arg5[%add3A_447, %dma_wait3A_458] : memref<204800x128xf32, #tpu.memory_space<hbm>> -> memref<200x64xf32, #tpu.memory_space<hbm>>
          %dma_wait3A_460 = arith.constant 0 : i32
          %dma_wait3A_461 = arith.constant 0 : i32
          %dma_wait3A_462 = tpu.memref_slice %arg7[%dma_wait3A_448, %dma_wait3A_460, %dma_wait3A_461] : memref<4x200x64xf32, #tpu.memory_space<vmem>> -> memref<1x200x64xf32, #tpu.memory_space<vmem>>
          %dma_wait3A_463 = tpu.memref_squeeze %dma_wait3A_462 : memref<1x200x64xf32, #tpu.memory_space<vmem>> -> memref<200x64xf32, #tpu.memory_space<vmem>>
          tpu.wait_dma2 semaphore(%dma_wait3A_457 : memref<!tpu.dma_semaphore, #tpu.memory_space<semaphore_mem>>) src(%dma_wait3A_463 : memref<200x64xf32, #tpu.memory_space<vmem>>) dst(%dma_wait3A_459 : memref<200x64xf32, #tpu.memory_space<hbm>>)
        } else {
        }
        %mul3A_415 = arith.constant 200 : i32
        %mul3A_416 = arith.muli %sub3A_277, %mul3A_415 : i32
        %add3A_417 = arith.constant 128 : i32
        %add3A_418 = arith.addi %mul3A_416, %add3A_417 : i32
        %dma_start3A_419 = arith.constant 0 : i32
        %dma_start3A_420 = arith.constant 0 : i32
        %dma_start3A_421 = arith.constant 0 : i32
        %dma_start3A_422 = arith.constant 0 : i32
        %dma_start3A_423 = tpu.memref_slice %arg7[%dma_start3A_419, %dma_start3A_421, %dma_start3A_422] : memref<4x200x64xf32, #tpu.memory_space<vmem>> -> memref<1x128x64xf32, #tpu.memory_space<vmem>>
        %dma_start3A_424 = tpu.memref_squeeze %dma_start3A_423 : memref<1x128x64xf32, #tpu.memory_space<vmem>> -> memref<128x64xf32, #tpu.memory_space<vmem>>
        %dma_start3A_425 = tpu.memref_slice %arg6[%mul3A_416] : memref<6400xi32, #tpu.memory_space<vmem>> -> memref<128xi32, #tpu.memory_space<vmem>>
        %dma_start3A_426 = arith.constant 0 : i32
        %dma_start3A_427 = arith.constant 0 : i32
        %dma_start3A_428 = tpu.memref_slice %arg3[%dma_start3A_426, %dma_start3A_427] : memref<100000x64xf32, #tpu.memory_space<hbm>> -> memref<100000x64xf32, #tpu.memory_space<hbm>>
        %dma_start3A_429 = tpu.memref_slice %arg9[%dma_start3A_420] : memref<4x!tpu.dma_semaphore, #tpu.memory_space<semaphore_mem>> -> memref<1x!tpu.dma_semaphore, #tpu.memory_space<semaphore_mem>>
        %dma_start3A_430 = tpu.memref_squeeze %dma_start3A_429 : memref<1x!tpu.dma_semaphore, #tpu.memory_space<semaphore_mem>> -> memref<!tpu.dma_semaphore, #tpu.memory_space<semaphore_mem>>
        tpu.enqueue_indirect_dma source(%dma_start3A_428 : memref<100000x64xf32, #tpu.memory_space<hbm>>) target(%dma_start3A_424 : memref<128x64xf32, #tpu.memory_space<vmem>>) offsets(%dma_start3A_425 : memref<128xi32, #tpu.memory_space<vmem>>) semaphore(%dma_start3A_430 : memref<!tpu.dma_semaphore, #tpu.memory_space<semaphore_mem>>)
        %dma_start3A_431 = arith.constant 0 : i32
        %dma_start3A_432 = arith.constant 0 : i32
        %dma_start3A_433 = arith.constant 128 : i32
        %dma_start3A_434 = arith.constant 0 : i32
        %dma_start3A_435 = tpu.memref_slice %arg7[%dma_start3A_431, %dma_start3A_433, %dma_start3A_434] : memref<4x200x64xf32, #tpu.memory_space<vmem>> -> memref<1x72x64xf32, #tpu.memory_space<vmem>>
        %dma_start3A_436 = tpu.memref_squeeze %dma_start3A_435 : memref<1x72x64xf32, #tpu.memory_space<vmem>> -> memref<72x64xf32, #tpu.memory_space<vmem>>
        %dma_start3A_437 = tpu.memref_slice %arg6[%add3A_418] : memref<6400xi32, #tpu.memory_space<vmem>> -> memref<72xi32, #tpu.memory_space<vmem>>
        %dma_start3A_438 = arith.constant 0 : i32
        %dma_start3A_439 = arith.constant 0 : i32
        %dma_start3A_440 = tpu.memref_slice %arg3[%dma_start3A_438, %dma_start3A_439] : memref<100000x64xf32, #tpu.memory_space<hbm>> -> memref<100000x64xf32, #tpu.memory_space<hbm>>
        %dma_start3A_441 = tpu.memref_slice %arg9[%dma_start3A_432] : memref<4x!tpu.dma_semaphore, #tpu.memory_space<semaphore_mem>> -> memref<1x!tpu.dma_semaphore, #tpu.memory_space<semaphore_mem>>
        %dma_start3A_442 = tpu.memref_squeeze %dma_start3A_441 : memref<1x!tpu.dma_semaphore, #tpu.memory_space<semaphore_mem>> -> memref<!tpu.dma_semaphore, #tpu.memory_space<semaphore_mem>>
        tpu.enqueue_indirect_dma source(%dma_start3A_440 : memref<100000x64xf32, #tpu.memory_space<hbm>>) target(%dma_start3A_436 : memref<72x64xf32, #tpu.memory_space<vmem>>) offsets(%dma_start3A_437 : memref<72xi32, #tpu.memory_space<vmem>>) semaphore(%dma_start3A_442 : memref<!tpu.dma_semaphore, #tpu.memory_space<semaphore_mem>>)
      } else {
      }
      %add3A_283 = arith.constant 2 : i32
      %add3A_284 = arith.addi %mul3A_158, %add3A_283 : i32
      %mul3A_285 = arith.constant 200 : i32
      %mul3A_286 = arith.muli %add3A_284, %mul3A_285 : i32
      %add3A_287 = arith.constant 128 : i32
      %add3A_288 = arith.addi %mul3A_286, %add3A_287 : i32
      %dma_wait3A_289 = arith.constant 2 : i32
      %dma_wait3A_290 = arith.constant 2 : i32
      %dma_wait3A_291 = arith.constant 0 : i32
      %dma_wait3A_292 = arith.constant 0 : i32
      %dma_wait3A_293 = tpu.memref_slice %arg7[%dma_wait3A_289, %dma_wait3A_291, %dma_wait3A_292] : memref<4x200x64xf32, #tpu.memory_space<vmem>> -> memref<1x128x64xf32, #tpu.memory_space<vmem>>
      %dma_wait3A_294 = tpu.memref_squeeze %dma_wait3A_293 : memref<1x128x64xf32, #tpu.memory_space<vmem>> -> memref<128x64xf32, #tpu.memory_space<vmem>>
      %dma_wait3A_295 = tpu.memref_slice %arg6[%mul3A_286] : memref<6400xi32, #tpu.memory_space<vmem>> -> memref<128xi32, #tpu.memory_space<vmem>>
      %dma_wait3A_296 = arith.constant 0 : i32
      %dma_wait3A_297 = arith.constant 0 : i32
      %dma_wait3A_298 = tpu.memref_slice %arg3[%dma_wait3A_296, %dma_wait3A_297] : memref<100000x64xf32, #tpu.memory_space<hbm>> -> memref<100000x64xf32, #tpu.memory_space<hbm>>
      %dma_wait3A_299 = tpu.memref_slice %arg9[%dma_wait3A_290] : memref<4x!tpu.dma_semaphore, #tpu.memory_space<semaphore_mem>> -> memref<1x!tpu.dma_semaphore, #tpu.memory_space<semaphore_mem>>
      %dma_wait3A_300 = tpu.memref_squeeze %dma_wait3A_299 : memref<1x!tpu.dma_semaphore, #tpu.memory_space<semaphore_mem>> -> memref<!tpu.dma_semaphore, #tpu.memory_space<semaphore_mem>>
      tpu.wait_indirect_dma semaphore(%dma_wait3A_300 : memref<!tpu.dma_semaphore, #tpu.memory_space<semaphore_mem>>) src(%dma_wait3A_298 : memref<100000x64xf32, #tpu.memory_space<hbm>>) dst(%dma_wait3A_294 : memref<128x64xf32, #tpu.memory_space<vmem>>)
      %dma_wait3A_301 = arith.constant 2 : i32
      %dma_wait3A_302 = arith.constant 2 : i32
      %dma_wait3A_303 = arith.constant 128 : i32
      %dma_wait3A_304 = arith.constant 0 : i32
      %dma_wait3A_305 = tpu.memref_slice %arg7[%dma_wait3A_301, %dma_wait3A_303, %dma_wait3A_304] : memref<4x200x64xf32, #tpu.memory_space<vmem>> -> memref<1x72x64xf32, #tpu.memory_space<vmem>>
      %dma_wait3A_306 = tpu.memref_squeeze %dma_wait3A_305 : memref<1x72x64xf32, #tpu.memory_space<vmem>> -> memref<72x64xf32, #tpu.memory_space<vmem>>
      %dma_wait3A_307 = tpu.memref_slice %arg6[%add3A_288] : memref<6400xi32, #tpu.memory_space<vmem>> -> memref<72xi32, #tpu.memory_space<vmem>>
      %dma_wait3A_308 = arith.constant 0 : i32
      %dma_wait3A_309 = arith.constant 0 : i32
      %dma_wait3A_310 = tpu.memref_slice %arg3[%dma_wait3A_308, %dma_wait3A_309] : memref<100000x64xf32, #tpu.memory_space<hbm>> -> memref<100000x64xf32, #tpu.memory_space<hbm>>
      %dma_wait3A_311 = tpu.memref_slice %arg9[%dma_wait3A_302] : memref<4x!tpu.dma_semaphore, #tpu.memory_space<semaphore_mem>> -> memref<1x!tpu.dma_semaphore, #tpu.memory_space<semaphore_mem>>
      %dma_wait3A_312 = tpu.memref_squeeze %dma_wait3A_311 : memref<1x!tpu.dma_semaphore, #tpu.memory_space<semaphore_mem>> -> memref<!tpu.dma_semaphore, #tpu.memory_space<semaphore_mem>>
      tpu.wait_indirect_dma semaphore(%dma_wait3A_312 : memref<!tpu.dma_semaphore, #tpu.memory_space<semaphore_mem>>) src(%dma_wait3A_310 : memref<100000x64xf32, #tpu.memory_space<hbm>>) dst(%dma_wait3A_306 : memref<72x64xf32, #tpu.memory_space<vmem>>)
      %scan3A_313 = arith.constant 0 : i32
      %scan3A_314 = arith.constant 0 : i32
      %scan3A_315 = arith.constant 50 : i32
      %scan3A_316 = arith.addi %scan3A_314, %scan3A_315 : i32
      %scan3A_317 = arith.constant 1 : i32
      scf.for %scan3A_411 = %scan3A_314 to %scan3A_316 step %scan3A_317  : i32 {
        %mul3A_412 = arith.constant 4 : i32
        %mul3A_413 = arith.muli %scan3A_411, %mul3A_412 : i32
        %add3A_414 = arith.constant 0 : i32
        %add3A_415 = arith.addi %mul3A_413, %add3A_414 : i32
        %add3A_416 = arith.constant 0 : i32
        %add3A_417 = arith.addi %mul3A_413, %add3A_416 : i32
        %mul3A_418 = arith.constant 64 : i32
        %mul3A_419 = arith.muli %add3A_417, %mul3A_418 : i32
        %add3A_420 = arith.constant 0 : i32
        %add3A_421 = arith.addi %mul3A_419, %add3A_420 : i32
        %get3A = arith.index_cast %add3A_421 : i32 to index
        %get3A_422 = tpu.vector_load %arg8[%get3A] {strides = array<i32>} : memref<12800xf32, #tpu.memory_space<vmem>>, vector<16xf32>,
        %get3A_423 = vector.shape_cast %get3A_422 : vector<16xf32> to vector<16xf32>
        %swap3A = arith.constant 2 : i32
        %swap3A_424 = arith.index_cast %swap3A : i32 to index
        %swap3A_425 = arith.index_cast %add3A_415 : i32 to index
        %swap3A_426 = arith.constant 0 : index
        %swap3A_427 = tpu.vector_load %arg7[%swap3A_424, %swap3A_425, %swap3A_426] {strides = array<i32>} : memref<4x200x64xf32, #tpu.memory_space<vmem>>, vector<1x1x16xf32>,
        %swap3A_428 = vector.shape_cast %swap3A_427 : vector<1x1x16xf32> to vector<16xf32>
        %swap3A_429 = vector.shape_cast %get3A_423 : vector<16xf32> to vector<1x1x16xf32>
        tpu.vector_store %arg7[%swap3A_424, %swap3A_425, %swap3A_426], %swap3A_429 {add = true, strides = array<i32>} : memref<4x200x64xf32, #tpu.memory_space<vmem>>, vector<1x1x16xf32>,
        %add3A_430 = arith.constant 0 : i32
        %add3A_431 = arith.addi %mul3A_413, %add3A_430 : i32
        %add3A_432 = arith.constant 0 : i32
        %add3A_433 = arith.addi %mul3A_413, %add3A_432 : i32
        %mul3A_434 = arith.constant 64 : i32
        %mul3A_435 = arith.muli %add3A_433, %mul3A_434 : i32
        %add3A_436 = arith.constant 16 : i32
        %add3A_437 = arith.addi %mul3A_435, %add3A_436 : i32
        %get3A_438 = arith.index_cast %add3A_437 : i32 to index
        %get3A_439 = tpu.vector_load %arg8[%get3A_438] {strides = array<i32>} : memref<12800xf32, #tpu.memory_space<vmem>>, vector<16xf32>,
        %get3A_440 = vector.shape_cast %get3A_439 : vector<16xf32> to vector<16xf32>
        %swap3A_441 = arith.constant 2 : i32
        %swap3A_442 = arith.index_cast %swap3A_441 : i32 to index
        %swap3A_443 = arith.index_cast %add3A_431 : i32 to index
        %swap3A_444 = arith.constant 16 : index
        %swap3A_445 = tpu.vector_load %arg7[%swap3A_442, %swap3A_443, %swap3A_444] {strides = array<i32>} : memref<4x200x64xf32, #tpu.memory_space<vmem>>, vector<1x1x16xf32>,
        %swap3A_446 = vector.shape_cast %swap3A_445 : vector<1x1x16xf32> to vector<16xf32>
        %swap3A_447 = vector.shape_cast %get3A_440 : vector<16xf32> to vector<1x1x16xf32>
        tpu.vector_store %arg7[%swap3A_442, %swap3A_443, %swap3A_444], %swap3A_447 {add = true, strides = array<i32>} : memref<4x200x64xf32, #tpu.memory_space<vmem>>, vector<1x1x16xf32>,
        %add3A_448 = arith.constant 0 : i32
        %add3A_449 = arith.addi %mul3A_413, %add3A_448 : i32
        %add3A_450 = arith.constant 0 : i32
        %add3A_451 = arith.addi %mul3A_413, %add3A_450 : i32
        %mul3A_452 = arith.constant 64 : i32
        %mul3A_453 = arith.muli %add3A_451, %mul3A_452 : i32
        %add3A_454 = arith.constant 32 : i32
        %add3A_455 = arith.addi %mul3A_453, %add3A_454 : i32
        %get3A_456 = arith.index_cast %add3A_455 : i32 to index
        %get3A_457 = tpu.vector_load %arg8[%get3A_456] {strides = array<i32>} : memref<12800xf32, #tpu.memory_space<vmem>>, vector<16xf32>,
        %get3A_458 = vector.shape_cast %get3A_457 : vector<16xf32> to vector<16xf32>
        %swap3A_459 = arith.constant 2 : i32
        %swap3A_460 = arith.index_cast %swap3A_459 : i32 to index
        %swap3A_461 = arith.index_cast %add3A_449 : i32 to index
        %swap3A_462 = arith.constant 32 : index
        %swap3A_463 = tpu.vector_load %arg7[%swap3A_460, %swap3A_461, %swap3A_462] {strides = array<i32>} : memref<4x200x64xf32, #tpu.memory_space<vmem>>, vector<1x1x16xf32>,
        %swap3A_464 = vector.shape_cast %swap3A_463 : vector<1x1x16xf32> to vector<16xf32>
        %swap3A_465 = vector.shape_cast %get3A_458 : vector<16xf32> to vector<1x1x16xf32>
        tpu.vector_store %arg7[%swap3A_460, %swap3A_461, %swap3A_462], %swap3A_465 {add = true, strides = array<i32>} : memref<4x200x64xf32, #tpu.memory_space<vmem>>, vector<1x1x16xf32>,
        %add3A_466 = arith.constant 0 : i32
        %add3A_467 = arith.addi %mul3A_413, %add3A_466 : i32
        %add3A_468 = arith.constant 0 : i32
        %add3A_469 = arith.addi %mul3A_413, %add3A_468 : i32
        %mul3A_470 = arith.constant 64 : i32
        %mul3A_471 = arith.muli %add3A_469, %mul3A_470 : i32
        %add3A_472 = arith.constant 48 : i32
        %add3A_473 = arith.addi %mul3A_471, %add3A_472 : i32
        %get3A_474 = arith.index_cast %add3A_473 : i32 to index
        %get3A_475 = tpu.vector_load %arg8[%get3A_474] {strides = array<i32>} : memref<12800xf32, #tpu.memory_space<vmem>>, vector<16xf32>,
        %get3A_476 = vector.shape_cast %get3A_475 : vector<16xf32> to vector<16xf32>
        %swap3A_477 = arith.constant 2 : i32
        %swap3A_478 = arith.index_cast %swap3A_477 : i32 to index
        %swap3A_479 = arith.index_cast %add3A_467 : i32 to index
        %swap3A_480 = arith.constant 48 : index
        %swap3A_481 = tpu.vector_load %arg7[%swap3A_478, %swap3A_479, %swap3A_480] {strides = array<i32>} : memref<4x200x64xf32, #tpu.memory_space<vmem>>, vector<1x1x16xf32>,
        %swap3A_482 = vector.shape_cast %swap3A_481 : vector<1x1x16xf32> to vector<16xf32>
        %swap3A_483 = vector.shape_cast %get3A_476 : vector<16xf32> to vector<1x1x16xf32>
        tpu.vector_store %arg7[%swap3A_478, %swap3A_479, %swap3A_480], %swap3A_483 {add = true, strides = array<i32>} : memref<4x200x64xf32, #tpu.memory_space<vmem>>, vector<1x1x16xf32>,
        %add3A_484 = arith.constant 1 : i32
        %add3A_485 = arith.addi %mul3A_413, %add3A_484 : i32
        %add3A_486 = arith.constant 1 : i32
        %add3A_487 = arith.addi %mul3A_413, %add3A_486 : i32
        %mul3A_488 = arith.constant 64 : i32
        %mul3A_489 = arith.muli %add3A_487, %mul3A_488 : i32
        %add3A_490 = arith.constant 0 : i32
        %add3A_491 = arith.addi %mul3A_489, %add3A_490 : i32
        %get3A_492 = arith.index_cast %add3A_491 : i32 to index
        %get3A_493 = tpu.vector_load %arg8[%get3A_492] {strides = array<i32>} : memref<12800xf32, #tpu.memory_space<vmem>>, vector<16xf32>,
        %get3A_494 = vector.shape_cast %get3A_493 : vector<16xf32> to vector<16xf32>
        %swap3A_495 = arith.constant 2 : i32
        %swap3A_496 = arith.index_cast %swap3A_495 : i32 to index
        %swap3A_497 = arith.index_cast %add3A_485 : i32 to index
        %swap3A_498 = arith.constant 0 : index
        %swap3A_499 = tpu.vector_load %arg7[%swap3A_496, %swap3A_497, %swap3A_498] {strides = array<i32>} : memref<4x200x64xf32, #tpu.memory_space<vmem>>, vector<1x1x16xf32>,
        %swap3A_500 = vector.shape_cast %swap3A_499 : vector<1x1x16xf32> to vector<16xf32>
        %swap3A_501 = vector.shape_cast %get3A_494 : vector<16xf32> to vector<1x1x16xf32>
        tpu.vector_store %arg7[%swap3A_496, %swap3A_497, %swap3A_498], %swap3A_501 {add = true, strides = array<i32>} : memref<4x200x64xf32, #tpu.memory_space<vmem>>, vector<1x1x16xf32>,
        %add3A_502 = arith.constant 1 : i32
        %add3A_503 = arith.addi %mul3A_413, %add3A_502 : i32
        %add3A_504 = arith.constant 1 : i32
        %add3A_505 = arith.addi %mul3A_413, %add3A_504 : i32
        %mul3A_506 = arith.constant 64 : i32
        %mul3A_507 = arith.muli %add3A_505, %mul3A_506 : i32
        %add3A_508 = arith.constant 16 : i32
        %add3A_509 = arith.addi %mul3A_507, %add3A_508 : i32
        %get3A_510 = arith.index_cast %add3A_509 : i32 to index
        %get3A_511 = tpu.vector_load %arg8[%get3A_510] {strides = array<i32>} : memref<12800xf32, #tpu.memory_space<vmem>>, vector<16xf32>,
        %get3A_512 = vector.shape_cast %get3A_511 : vector<16xf32> to vector<16xf32>
        %swap3A_513 = arith.constant 2 : i32
        %swap3A_514 = arith.index_cast %swap3A_513 : i32 to index
        %swap3A_515 = arith.index_cast %add3A_503 : i32 to index
        %swap3A_516 = arith.constant 16 : index
        %swap3A_517 = tpu.vector_load %arg7[%swap3A_514, %swap3A_515, %swap3A_516] {strides = array<i32>} : memref<4x200x64xf32, #tpu.memory_space<vmem>>, vector<1x1x16xf32>,
        %swap3A_518 = vector.shape_cast %swap3A_517 : vector<1x1x16xf32> to vector<16xf32>
        %swap3A_519 = vector.shape_cast %get3A_512 : vector<16xf32> to vector<1x1x16xf32>
        tpu.vector_store %arg7[%swap3A_514, %swap3A_515, %swap3A_516], %swap3A_519 {add = true, strides = array<i32>} : memref<4x200x64xf32, #tpu.memory_space<vmem>>, vector<1x1x16xf32>,
        %add3A_520 = arith.constant 1 : i32
        %add3A_521 = arith.addi %mul3A_413, %add3A_520 : i32
        %add3A_522 = arith.constant 1 : i32
        %add3A_523 = arith.addi %mul3A_413, %add3A_522 : i32
        %mul3A_524 = arith.constant 64 : i32
        %mul3A_525 = arith.muli %add3A_523, %mul3A_524 : i32
        %add3A_526 = arith.constant 32 : i32
        %add3A_527 = arith.addi %mul3A_525, %add3A_526 : i32
        %get3A_528 = arith.index_cast %add3A_527 : i32 to index
        %get3A_529 = tpu.vector_load %arg8[%get3A_528] {strides = array<i32>} : memref<12800xf32, #tpu.memory_space<vmem>>, vector<16xf32>,
        %get3A_530 = vector.shape_cast %get3A_529 : vector<16xf32> to vector<16xf32>
        %swap3A_531 = arith.constant 2 : i32
        %swap3A_532 = arith.index_cast %swap3A_531 : i32 to index
        %swap3A_533 = arith.index_cast %add3A_521 : i32 to index
        %swap3A_534 = arith.constant 32 : index
        %swap3A_535 = tpu.vector_load %arg7[%swap3A_532, %swap3A_533, %swap3A_534] {strides = array<i32>} : memref<4x200x64xf32, #tpu.memory_space<vmem>>, vector<1x1x16xf32>,
        %swap3A_536 = vector.shape_cast %swap3A_535 : vector<1x1x16xf32> to vector<16xf32>
        %swap3A_537 = vector.shape_cast %get3A_530 : vector<16xf32> to vector<1x1x16xf32>
        tpu.vector_store %arg7[%swap3A_532, %swap3A_533, %swap3A_534], %swap3A_537 {add = true, strides = array<i32>} : memref<4x200x64xf32, #tpu.memory_space<vmem>>, vector<1x1x16xf32>,
        %add3A_538 = arith.constant 1 : i32
        %add3A_539 = arith.addi %mul3A_413, %add3A_538 : i32
        %add3A_540 = arith.constant 1 : i32
        %add3A_541 = arith.addi %mul3A_413, %add3A_540 : i32
        %mul3A_542 = arith.constant 64 : i32
        %mul3A_543 = arith.muli %add3A_541, %mul3A_542 : i32
        %add3A_544 = arith.constant 48 : i32
        %add3A_545 = arith.addi %mul3A_543, %add3A_544 : i32
        %get3A_546 = arith.index_cast %add3A_545 : i32 to index
        %get3A_547 = tpu.vector_load %arg8[%get3A_546] {strides = array<i32>} : memref<12800xf32, #tpu.memory_space<vmem>>, vector<16xf32>,
        %get3A_548 = vector.shape_cast %get3A_547 : vector<16xf32> to vector<16xf32>
        %swap3A_549 = arith.constant 2 : i32
        %swap3A_550 = arith.index_cast %swap3A_549 : i32 to index
        %swap3A_551 = arith.index_cast %add3A_539 : i32 to index
        %swap3A_552 = arith.constant 48 : index
        %swap3A_553 = tpu.vector_load %arg7[%swap3A_550, %swap3A_551, %swap3A_552] {strides = array<i32>} : memref<4x200x64xf32, #tpu.memory_space<vmem>>, vector<1x1x16xf32>,
        %swap3A_554 = vector.shape_cast %swap3A_553 : vector<1x1x16xf32> to vector<16xf32>
        %swap3A_555 = vector.shape_cast %get3A_548 : vector<16xf32> to vector<1x1x16xf32>
        tpu.vector_store %arg7[%swap3A_550, %swap3A_551, %swap3A_552], %swap3A_555 {add = true, strides = array<i32>} : memref<4x200x64xf32, #tpu.memory_space<vmem>>, vector<1x1x16xf32>,
        %add3A_556 = arith.constant 2 : i32
        %add3A_557 = arith.addi %mul3A_413, %add3A_556 : i32
        %add3A_558 = arith.constant 2 : i32
        %add3A_559 = arith.addi %mul3A_413, %add3A_558 : i32
        %mul3A_560 = arith.constant 64 : i32
        %mul3A_561 = arith.muli %add3A_559, %mul3A_560 : i32
        %add3A_562 = arith.constant 0 : i32
        %add3A_563 = arith.addi %mul3A_561, %add3A_562 : i32
        %get3A_564 = arith.index_cast %add3A_563 : i32 to index
        %get3A_565 = tpu.vector_load %arg8[%get3A_564] {strides = array<i32>} : memref<12800xf32, #tpu.memory_space<vmem>>, vector<16xf32>,
        %get3A_566 = vector.shape_cast %get3A_565 : vector<16xf32> to vector<16xf32>
        %swap3A_567 = arith.constant 2 : i32
        %swap3A_568 = arith.index_cast %swap3A_567 : i32 to index
        %swap3A_569 = arith.index_cast %add3A_557 : i32 to index
        %swap3A_570 = arith.constant 0 : index
        %swap3A_571 = tpu.vector_load %arg7[%swap3A_568, %swap3A_569, %swap3A_570] {strides = array<i32>} : memref<4x200x64xf32, #tpu.memory_space<vmem>>, vector<1x1x16xf32>,
        %swap3A_572 = vector.shape_cast %swap3A_571 : vector<1x1x16xf32> to vector<16xf32>
        %swap3A_573 = vector.shape_cast %get3A_566 : vector<16xf32> to vector<1x1x16xf32>
        tpu.vector_store %arg7[%swap3A_568, %swap3A_569, %swap3A_570], %swap3A_573 {add = true, strides = array<i32>} : memref<4x200x64xf32, #tpu.memory_space<vmem>>, vector<1x1x16xf32>,
        %add3A_574 = arith.constant 2 : i32
        %add3A_575 = arith.addi %mul3A_413, %add3A_574 : i32
        %add3A_576 = arith.constant 2 : i32
        %add3A_577 = arith.addi %mul3A_413, %add3A_576 : i32
        %mul3A_578 = arith.constant 64 : i32
        %mul3A_579 = arith.muli %add3A_577, %mul3A_578 : i32
        %add3A_580 = arith.constant 16 : i32
        %add3A_581 = arith.addi %mul3A_579, %add3A_580 : i32
        %get3A_582 = arith.index_cast %add3A_581 : i32 to index
        %get3A_583 = tpu.vector_load %arg8[%get3A_582] {strides = array<i32>} : memref<12800xf32, #tpu.memory_space<vmem>>, vector<16xf32>,
        %get3A_584 = vector.shape_cast %get3A_583 : vector<16xf32> to vector<16xf32>
        %swap3A_585 = arith.constant 2 : i32
        %swap3A_586 = arith.index_cast %swap3A_585 : i32 to index
        %swap3A_587 = arith.index_cast %add3A_575 : i32 to index
        %swap3A_588 = arith.constant 16 : index
        %swap3A_589 = tpu.vector_load %arg7[%swap3A_586, %swap3A_587, %swap3A_588] {strides = array<i32>} : memref<4x200x64xf32, #tpu.memory_space<vmem>>, vector<1x1x16xf32>,
        %swap3A_590 = vector.shape_cast %swap3A_589 : vector<1x1x16xf32> to vector<16xf32>
        %swap3A_591 = vector.shape_cast %get3A_584 : vector<16xf32> to vector<1x1x16xf32>
        tpu.vector_store %arg7[%swap3A_586, %swap3A_587, %swap3A_588], %swap3A_591 {add = true, strides = array<i32>} : memref<4x200x64xf32, #tpu.memory_space<vmem>>, vector<1x1x16xf32>,
        %add3A_592 = arith.constant 2 : i32
        %add3A_593 = arith.addi %mul3A_413, %add3A_592 : i32
        %add3A_594 = arith.constant 2 : i32
        %add3A_595 = arith.addi %mul3A_413, %add3A_594 : i32
        %mul3A_596 = arith.constant 64 : i32
        %mul3A_597 = arith.muli %add3A_595, %mul3A_596 : i32
        %add3A_598 = arith.constant 32 : i32
        %add3A_599 = arith.addi %mul3A_597, %add3A_598 : i32
        %get3A_600 = arith.index_cast %add3A_599 : i32 to index
        %get3A_601 = tpu.vector_load %arg8[%get3A_600] {strides = array<i32>} : memref<12800xf32, #tpu.memory_space<vmem>>, vector<16xf32>,
        %get3A_602 = vector.shape_cast %get3A_601 : vector<16xf32> to vector<16xf32>
        %swap3A_603 = arith.constant 2 : i32
        %swap3A_604 = arith.index_cast %swap3A_603 : i32 to index
        %swap3A_605 = arith.index_cast %add3A_593 : i32 to index
        %swap3A_606 = arith.constant 32 : index
        %swap3A_607 = tpu.vector_load %arg7[%swap3A_604, %swap3A_605, %swap3A_606] {strides = array<i32>} : memref<4x200x64xf32, #tpu.memory_space<vmem>>, vector<1x1x16xf32>,
        %swap3A_608 = vector.shape_cast %swap3A_607 : vector<1x1x16xf32> to vector<16xf32>
        %swap3A_609 = vector.shape_cast %get3A_602 : vector<16xf32> to vector<1x1x16xf32>
        tpu.vector_store %arg7[%swap3A_604, %swap3A_605, %swap3A_606], %swap3A_609 {add = true, strides = array<i32>} : memref<4x200x64xf32, #tpu.memory_space<vmem>>, vector<1x1x16xf32>,
        %add3A_610 = arith.constant 2 : i32
        %add3A_611 = arith.addi %mul3A_413, %add3A_610 : i32
        %add3A_612 = arith.constant 2 : i32
        %add3A_613 = arith.addi %mul3A_413, %add3A_612 : i32
        %mul3A_614 = arith.constant 64 : i32
        %mul3A_615 = arith.muli %add3A_613, %mul3A_614 : i32
        %add3A_616 = arith.constant 48 : i32
        %add3A_617 = arith.addi %mul3A_615, %add3A_616 : i32
        %get3A_618 = arith.index_cast %add3A_617 : i32 to index
        %get3A_619 = tpu.vector_load %arg8[%get3A_618] {strides = array<i32>} : memref<12800xf32, #tpu.memory_space<vmem>>, vector<16xf32>,
        %get3A_620 = vector.shape_cast %get3A_619 : vector<16xf32> to vector<16xf32>
        %swap3A_621 = arith.constant 2 : i32
        %swap3A_622 = arith.index_cast %swap3A_621 : i32 to index
        %swap3A_623 = arith.index_cast %add3A_611 : i32 to index
        %swap3A_624 = arith.constant 48 : index
        %swap3A_625 = tpu.vector_load %arg7[%swap3A_622, %swap3A_623, %swap3A_624] {strides = array<i32>} : memref<4x200x64xf32, #tpu.memory_space<vmem>>, vector<1x1x16xf32>,
        %swap3A_626 = vector.shape_cast %swap3A_625 : vector<1x1x16xf32> to vector<16xf32>
        %swap3A_627 = vector.shape_cast %get3A_620 : vector<16xf32> to vector<1x1x16xf32>
        tpu.vector_store %arg7[%swap3A_622, %swap3A_623, %swap3A_624], %swap3A_627 {add = true, strides = array<i32>} : memref<4x200x64xf32, #tpu.memory_space<vmem>>, vector<1x1x16xf32>,
        %add3A_628 = arith.constant 3 : i32
        %add3A_629 = arith.addi %mul3A_413, %add3A_628 : i32
        %add3A_630 = arith.constant 3 : i32
        %add3A_631 = arith.addi %mul3A_413, %add3A_630 : i32
        %mul3A_632 = arith.constant 64 : i32
        %mul3A_633 = arith.muli %add3A_631, %mul3A_632 : i32
        %add3A_634 = arith.constant 0 : i32
        %add3A_635 = arith.addi %mul3A_633, %add3A_634 : i32
        %get3A_636 = arith.index_cast %add3A_635 : i32 to index
        %get3A_637 = tpu.vector_load %arg8[%get3A_636] {strides = array<i32>} : memref<12800xf32, #tpu.memory_space<vmem>>, vector<16xf32>,
        %get3A_638 = vector.shape_cast %get3A_637 : vector<16xf32> to vector<16xf32>
        %swap3A_639 = arith.constant 2 : i32
        %swap3A_640 = arith.index_cast %swap3A_639 : i32 to index
        %swap3A_641 = arith.index_cast %add3A_629 : i32 to index
        %swap3A_642 = arith.constant 0 : index
        %swap3A_643 = tpu.vector_load %arg7[%swap3A_640, %swap3A_641, %swap3A_642] {strides = array<i32>} : memref<4x200x64xf32, #tpu.memory_space<vmem>>, vector<1x1x16xf32>,
        %swap3A_644 = vector.shape_cast %swap3A_643 : vector<1x1x16xf32> to vector<16xf32>
        %swap3A_645 = vector.shape_cast %get3A_638 : vector<16xf32> to vector<1x1x16xf32>
        tpu.vector_store %arg7[%swap3A_640, %swap3A_641, %swap3A_642], %swap3A_645 {add = true, strides = array<i32>} : memref<4x200x64xf32, #tpu.memory_space<vmem>>, vector<1x1x16xf32>,
        %add3A_646 = arith.constant 3 : i32
        %add3A_647 = arith.addi %mul3A_413, %add3A_646 : i32
        %add3A_648 = arith.constant 3 : i32
        %add3A_649 = arith.addi %mul3A_413, %add3A_648 : i32
        %mul3A_650 = arith.constant 64 : i32
        %mul3A_651 = arith.muli %add3A_649, %mul3A_650 : i32
        %add3A_652 = arith.constant 16 : i32
        %add3A_653 = arith.addi %mul3A_651, %add3A_652 : i32
        %get3A_654 = arith.index_cast %add3A_653 : i32 to index
        %get3A_655 = tpu.vector_load %arg8[%get3A_654] {strides = array<i32>} : memref<12800xf32, #tpu.memory_space<vmem>>, vector<16xf32>,
        %get3A_656 = vector.shape_cast %get3A_655 : vector<16xf32> to vector<16xf32>
        %swap3A_657 = arith.constant 2 : i32
        %swap3A_658 = arith.index_cast %swap3A_657 : i32 to index
        %swap3A_659 = arith.index_cast %add3A_647 : i32 to index
        %swap3A_660 = arith.constant 16 : index
        %swap3A_661 = tpu.vector_load %arg7[%swap3A_658, %swap3A_659, %swap3A_660] {strides = array<i32>} : memref<4x200x64xf32, #tpu.memory_space<vmem>>, vector<1x1x16xf32>,
        %swap3A_662 = vector.shape_cast %swap3A_661 : vector<1x1x16xf32> to vector<16xf32>
        %swap3A_663 = vector.shape_cast %get3A_656 : vector<16xf32> to vector<1x1x16xf32>
        tpu.vector_store %arg7[%swap3A_658, %swap3A_659, %swap3A_660], %swap3A_663 {add = true, strides = array<i32>} : memref<4x200x64xf32, #tpu.memory_space<vmem>>, vector<1x1x16xf32>,
        %add3A_664 = arith.constant 3 : i32
        %add3A_665 = arith.addi %mul3A_413, %add3A_664 : i32
        %add3A_666 = arith.constant 3 : i32
        %add3A_667 = arith.addi %mul3A_413, %add3A_666 : i32
        %mul3A_668 = arith.constant 64 : i32
        %mul3A_669 = arith.muli %add3A_667, %mul3A_668 : i32
        %add3A_670 = arith.constant 32 : i32
        %add3A_671 = arith.addi %mul3A_669, %add3A_670 : i32
        %get3A_672 = arith.index_cast %add3A_671 : i32 to index
        %get3A_673 = tpu.vector_load %arg8[%get3A_672] {strides = array<i32>} : memref<12800xf32, #tpu.memory_space<vmem>>, vector<16xf32>,
        %get3A_674 = vector.shape_cast %get3A_673 : vector<16xf32> to vector<16xf32>
        %swap3A_675 = arith.constant 2 : i32
        %swap3A_676 = arith.index_cast %swap3A_675 : i32 to index
        %swap3A_677 = arith.index_cast %add3A_665 : i32 to index
        %swap3A_678 = arith.constant 32 : index
        %swap3A_679 = tpu.vector_load %arg7[%swap3A_676, %swap3A_677, %swap3A_678] {strides = array<i32>} : memref<4x200x64xf32, #tpu.memory_space<vmem>>, vector<1x1x16xf32>,
        %swap3A_680 = vector.shape_cast %swap3A_679 : vector<1x1x16xf32> to vector<16xf32>
        %swap3A_681 = vector.shape_cast %get3A_674 : vector<16xf32> to vector<1x1x16xf32>
        tpu.vector_store %arg7[%swap3A_676, %swap3A_677, %swap3A_678], %swap3A_681 {add = true, strides = array<i32>} : memref<4x200x64xf32, #tpu.memory_space<vmem>>, vector<1x1x16xf32>,
        %add3A_682 = arith.constant 3 : i32
        %add3A_683 = arith.addi %mul3A_413, %add3A_682 : i32
        %add3A_684 = arith.constant 3 : i32
        %add3A_685 = arith.addi %mul3A_413, %add3A_684 : i32
        %mul3A_686 = arith.constant 64 : i32
        %mul3A_687 = arith.muli %add3A_685, %mul3A_686 : i32
        %add3A_688 = arith.constant 48 : i32
        %add3A_689 = arith.addi %mul3A_687, %add3A_688 : i32
        %get3A_690 = arith.index_cast %add3A_689 : i32 to index
        %get3A_691 = tpu.vector_load %arg8[%get3A_690] {strides = array<i32>} : memref<12800xf32, #tpu.memory_space<vmem>>, vector<16xf32>,
        %get3A_692 = vector.shape_cast %get3A_691 : vector<16xf32> to vector<16xf32>
        %swap3A_693 = arith.constant 2 : i32
        %swap3A_694 = arith.index_cast %swap3A_693 : i32 to index
        %swap3A_695 = arith.index_cast %add3A_683 : i32 to index
        %swap3A_696 = arith.constant 48 : index
        %swap3A_697 = tpu.vector_load %arg7[%swap3A_694, %swap3A_695, %swap3A_696] {strides = array<i32>} : memref<4x200x64xf32, #tpu.memory_space<vmem>>, vector<1x1x16xf32>,
        %swap3A_698 = vector.shape_cast %swap3A_697 : vector<1x1x16xf32> to vector<16xf32>
        %swap3A_699 = vector.shape_cast %get3A_692 : vector<16xf32> to vector<1x1x16xf32>
        tpu.vector_store %arg7[%swap3A_694, %swap3A_695, %swap3A_696], %swap3A_699 {add = true, strides = array<i32>} : memref<4x200x64xf32, #tpu.memory_space<vmem>>, vector<1x1x16xf32>,
      }
      %scan3A_318 = arith.constant 50 : i32
      %mul3A_319 = arith.constant 200 : i32
      %mul3A_320 = arith.muli %add3A_284, %mul3A_319 : i32
      %add3A_321 = arith.addi %mul3A_2, %mul3A_320 : i32
      %dma_start3A_322 = arith.constant 2 : i32
      %dma_start3A_323 = arith.constant 2 : i32
      %dma_start3A_324 = arith.constant 0 : i32
      %dma_start3A_325 = arith.constant 0 : i32
      %dma_start3A_326 = tpu.memref_slice %arg7[%dma_start3A_322, %dma_start3A_324, %dma_start3A_325] : memref<4x200x64xf32, #tpu.memory_space<vmem>> -> memref<1x200x64xf32, #tpu.memory_space<vmem>>
      %dma_start3A_327 = tpu.memref_squeeze %dma_start3A_326 : memref<1x200x64xf32, #tpu.memory_space<vmem>> -> memref<200x64xf32, #tpu.memory_space<vmem>>
      %dma_start3A_328 = arith.constant 0 : i32
      %dma_start3A_329 = tpu.memref_slice %arg5[%add3A_321, %dma_start3A_328] : memref<204800x128xf32, #tpu.memory_space<hbm>> -> memref<200x64xf32, #tpu.memory_space<hbm>>
      %dma_start3A_330 = tpu.memref_slice %arg10[%dma_start3A_323] : memref<4x!tpu.dma_semaphore, #tpu.memory_space<semaphore_mem>> -> memref<1x!tpu.dma_semaphore, #tpu.memory_space<semaphore_mem>>
      %dma_start3A_331 = tpu.memref_squeeze %dma_start3A_330 : memref<1x!tpu.dma_semaphore, #tpu.memory_space<semaphore_mem>> -> memref<!tpu.dma_semaphore, #tpu.memory_space<semaphore_mem>>
      %dma_start3A_332 = arith.constant 0 : i32
      %dma_start3A_333 = tpu.memref_slice %arg5[%add3A_321, %dma_start3A_332] : memref<204800x128xf32, #tpu.memory_space<hbm>> -> memref<200x64xf32, #tpu.memory_space<hbm>>
      %dma_start3A_334 = arith.constant 0 : i32
      %dma_start3A_335 = arith.constant 0 : i32
      %dma_start3A_336 = tpu.memref_slice %arg7[%dma_start3A_322, %dma_start3A_334, %dma_start3A_335] : memref<4x200x64xf32, #tpu.memory_space<vmem>> -> memref<1x200x64xf32, #tpu.memory_space<vmem>>
      %dma_start3A_337 = tpu.memref_squeeze %dma_start3A_336 : memref<1x200x64xf32, #tpu.memory_space<vmem>> -> memref<200x64xf32, #tpu.memory_space<vmem>>
      tpu.enqueue_dma source(%dma_start3A_337 : memref<200x64xf32, #tpu.memory_space<vmem>>) target(%dma_start3A_333 : memref<200x64xf32, #tpu.memory_space<hbm>>) target_semaphore(%dma_start3A_331 : memref<!tpu.dma_semaphore, #tpu.memory_space<semaphore_mem>>)
      %add3A_338 = arith.constant 4 : i32
      %add3A_339 = arith.addi %add3A_284, %add3A_338 : i32
      %sub3A_340 = arith.constant 1 : i32
      %sub3A_341 = arith.subi %add3A_339, %sub3A_340 : i32
      %lt3A_342 = arith.constant 32 : i32
      %lt3A_343 = arith.cmpi slt, %sub3A_341, %lt3A_342 : i32
      %convert_element_type3A_344 = arith.extui %lt3A_343 : i1 to i32
      %cond3A_345 = arith.constant 0 : i32
      %cond3A_346 = arith.cmpi ne, %convert_element_type3A_344, %cond3A_345 : i32
      scf.if %cond3A_346 {
        %ge3A = arith.constant 1 : i32
        %ge3A_411 = arith.cmpi sge, %add3A_284, %ge3A : i32
        %convert_element_type3A_412 = arith.extui %ge3A_411 : i1 to i32
        %cond3A_413 = arith.constant 0 : i32
        %cond3A_414 = arith.cmpi ne, %convert_element_type3A_412, %cond3A_413 : i32
        scf.if %cond3A_414 {
          %sub3A_443 = arith.constant 1 : i32
          %sub3A_444 = arith.subi %add3A_284, %sub3A_443 : i32
          %mul3A_445 = arith.constant 200 : i32
          %mul3A_446 = arith.muli %sub3A_444, %mul3A_445 : i32
          %add3A_447 = arith.addi %mul3A_2, %mul3A_446 : i32
          %dma_wait3A_448 = arith.constant 1 : i32
          %dma_wait3A_449 = arith.constant 1 : i32
          %dma_wait3A_450 = arith.constant 0 : i32
          %dma_wait3A_451 = arith.constant 0 : i32
          %dma_wait3A_452 = tpu.memref_slice %arg7[%dma_wait3A_448, %dma_wait3A_450, %dma_wait3A_451] : memref<4x200x64xf32, #tpu.memory_space<vmem>> -> memref<1x200x64xf32, #tpu.memory_space<vmem>>
          %dma_wait3A_453 = tpu.memref_squeeze %dma_wait3A_452 : memref<1x200x64xf32, #tpu.memory_space<vmem>> -> memref<200x64xf32, #tpu.memory_space<vmem>>
          %dma_wait3A_454 = arith.constant 0 : i32
          %dma_wait3A_455 = tpu.memref_slice %arg5[%add3A_447, %dma_wait3A_454] : memref<204800x128xf32, #tpu.memory_space<hbm>> -> memref<200x64xf32, #tpu.memory_space<hbm>>
          %dma_wait3A_456 = tpu.memref_slice %arg10[%dma_wait3A_449] : memref<4x!tpu.dma_semaphore, #tpu.memory_space<semaphore_mem>> -> memref<1x!tpu.dma_semaphore, #tpu.memory_space<semaphore_mem>>
          %dma_wait3A_457 = tpu.memref_squeeze %dma_wait3A_456 : memref<1x!tpu.dma_semaphore, #tpu.memory_space<semaphore_mem>> -> memref<!tpu.dma_semaphore, #tpu.memory_space<semaphore_mem>>
          %dma_wait3A_458 = arith.constant 0 : i32
          %dma_wait3A_459 = tpu.memref_slice %arg5[%add3A_447, %dma_wait3A_458] : memref<204800x128xf32, #tpu.memory_space<hbm>> -> memref<200x64xf32, #tpu.memory_space<hbm>>
          %dma_wait3A_460 = arith.constant 0 : i32
          %dma_wait3A_461 = arith.constant 0 : i32
          %dma_wait3A_462 = tpu.memref_slice %arg7[%dma_wait3A_448, %dma_wait3A_460, %dma_wait3A_461] : memref<4x200x64xf32, #tpu.memory_space<vmem>> -> memref<1x200x64xf32, #tpu.memory_space<vmem>>
          %dma_wait3A_463 = tpu.memref_squeeze %dma_wait3A_462 : memref<1x200x64xf32, #tpu.memory_space<vmem>> -> memref<200x64xf32, #tpu.memory_space<vmem>>
          tpu.wait_dma2 semaphore(%dma_wait3A_457 : memref<!tpu.dma_semaphore, #tpu.memory_space<semaphore_mem>>) src(%dma_wait3A_463 : memref<200x64xf32, #tpu.memory_space<vmem>>) dst(%dma_wait3A_459 : memref<200x64xf32, #tpu.memory_space<hbm>>)
        } else {
        }
        %mul3A_415 = arith.constant 200 : i32
        %mul3A_416 = arith.muli %sub3A_341, %mul3A_415 : i32
        %add3A_417 = arith.constant 128 : i32
        %add3A_418 = arith.addi %mul3A_416, %add3A_417 : i32
        %dma_start3A_419 = arith.constant 1 : i32
        %dma_start3A_420 = arith.constant 1 : i32
        %dma_start3A_421 = arith.constant 0 : i32
        %dma_start3A_422 = arith.constant 0 : i32
        %dma_start3A_423 = tpu.memref_slice %arg7[%dma_start3A_419, %dma_start3A_421, %dma_start3A_422] : memref<4x200x64xf32, #tpu.memory_space<vmem>> -> memref<1x128x64xf32, #tpu.memory_space<vmem>>
        %dma_start3A_424 = tpu.memref_squeeze %dma_start3A_423 : memref<1x128x64xf32, #tpu.memory_space<vmem>> -> memref<128x64xf32, #tpu.memory_space<vmem>>
        %dma_start3A_425 = tpu.memref_slice %arg6[%mul3A_416] : memref<6400xi32, #tpu.memory_space<vmem>> -> memref<128xi32, #tpu.memory_space<vmem>>
        %dma_start3A_426 = arith.constant 0 : i32
        %dma_start3A_427 = arith.constant 0 : i32
        %dma_start3A_428 = tpu.memref_slice %arg3[%dma_start3A_426, %dma_start3A_427] : memref<100000x64xf32, #tpu.memory_space<hbm>> -> memref<100000x64xf32, #tpu.memory_space<hbm>>
        %dma_start3A_429 = tpu.memref_slice %arg9[%dma_start3A_420] : memref<4x!tpu.dma_semaphore, #tpu.memory_space<semaphore_mem>> -> memref<1x!tpu.dma_semaphore, #tpu.memory_space<semaphore_mem>>
        %dma_start3A_430 = tpu.memref_squeeze %dma_start3A_429 : memref<1x!tpu.dma_semaphore, #tpu.memory_space<semaphore_mem>> -> memref<!tpu.dma_semaphore, #tpu.memory_space<semaphore_mem>>
        tpu.enqueue_indirect_dma source(%dma_start3A_428 : memref<100000x64xf32, #tpu.memory_space<hbm>>) target(%dma_start3A_424 : memref<128x64xf32, #tpu.memory_space<vmem>>) offsets(%dma_start3A_425 : memref<128xi32, #tpu.memory_space<vmem>>) semaphore(%dma_start3A_430 : memref<!tpu.dma_semaphore, #tpu.memory_space<semaphore_mem>>)
        %dma_start3A_431 = arith.constant 1 : i32
        %dma_start3A_432 = arith.constant 1 : i32
        %dma_start3A_433 = arith.constant 128 : i32
        %dma_start3A_434 = arith.constant 0 : i32
        %dma_start3A_435 = tpu.memref_slice %arg7[%dma_start3A_431, %dma_start3A_433, %dma_start3A_434] : memref<4x200x64xf32, #tpu.memory_space<vmem>> -> memref<1x72x64xf32, #tpu.memory_space<vmem>>
        %dma_start3A_436 = tpu.memref_squeeze %dma_start3A_435 : memref<1x72x64xf32, #tpu.memory_space<vmem>> -> memref<72x64xf32, #tpu.memory_space<vmem>>
        %dma_start3A_437 = tpu.memref_slice %arg6[%add3A_418] : memref<6400xi32, #tpu.memory_space<vmem>> -> memref<72xi32, #tpu.memory_space<vmem>>
        %dma_start3A_438 = arith.constant 0 : i32
        %dma_start3A_439 = arith.constant 0 : i32
        %dma_start3A_440 = tpu.memref_slice %arg3[%dma_start3A_438, %dma_start3A_439] : memref<100000x64xf32, #tpu.memory_space<hbm>> -> memref<100000x64xf32, #tpu.memory_space<hbm>>
        %dma_start3A_441 = tpu.memref_slice %arg9[%dma_start3A_432] : memref<4x!tpu.dma_semaphore, #tpu.memory_space<semaphore_mem>> -> memref<1x!tpu.dma_semaphore, #tpu.memory_space<semaphore_mem>>
        %dma_start3A_442 = tpu.memref_squeeze %dma_start3A_441 : memref<1x!tpu.dma_semaphore, #tpu.memory_space<semaphore_mem>> -> memref<!tpu.dma_semaphore, #tpu.memory_space<semaphore_mem>>
        tpu.enqueue_indirect_dma source(%dma_start3A_440 : memref<100000x64xf32, #tpu.memory_space<hbm>>) target(%dma_start3A_436 : memref<72x64xf32, #tpu.memory_space<vmem>>) offsets(%dma_start3A_437 : memref<72xi32, #tpu.memory_space<vmem>>) semaphore(%dma_start3A_442 : memref<!tpu.dma_semaphore, #tpu.memory_space<semaphore_mem>>)
      } else {
      }
      %add3A_347 = arith.constant 3 : i32
      %add3A_348 = arith.addi %mul3A_158, %add3A_347 : i32
      %mul3A_349 = arith.constant 200 : i32
      %mul3A_350 = arith.muli %add3A_348, %mul3A_349 : i32
      %add3A_351 = arith.constant 128 : i32
      %add3A_352 = arith.addi %mul3A_350, %add3A_351 : i32
      %dma_wait3A_353 = arith.constant 3 : i32
      %dma_wait3A_354 = arith.constant 3 : i32
      %dma_wait3A_355 = arith.constant 0 : i32
      %dma_wait3A_356 = arith.constant 0 : i32
      %dma_wait3A_357 = tpu.memref_slice %arg7[%dma_wait3A_353, %dma_wait3A_355, %dma_wait3A_356] : memref<4x200x64xf32, #tpu.memory_space<vmem>> -> memref<1x128x64xf32, #tpu.memory_space<vmem>>
      %dma_wait3A_358 = tpu.memref_squeeze %dma_wait3A_357 : memref<1x128x64xf32, #tpu.memory_space<vmem>> -> memref<128x64xf32, #tpu.memory_space<vmem>>
      %dma_wait3A_359 = tpu.memref_slice %arg6[%mul3A_350] : memref<6400xi32, #tpu.memory_space<vmem>> -> memref<128xi32, #tpu.memory_space<vmem>>
      %dma_wait3A_360 = arith.constant 0 : i32
      %dma_wait3A_361 = arith.constant 0 : i32
      %dma_wait3A_362 = tpu.memref_slice %arg3[%dma_wait3A_360, %dma_wait3A_361] : memref<100000x64xf32, #tpu.memory_space<hbm>> -> memref<100000x64xf32, #tpu.memory_space<hbm>>
      %dma_wait3A_363 = tpu.memref_slice %arg9[%dma_wait3A_354] : memref<4x!tpu.dma_semaphore, #tpu.memory_space<semaphore_mem>> -> memref<1x!tpu.dma_semaphore, #tpu.memory_space<semaphore_mem>>
      %dma_wait3A_364 = tpu.memref_squeeze %dma_wait3A_363 : memref<1x!tpu.dma_semaphore, #tpu.memory_space<semaphore_mem>> -> memref<!tpu.dma_semaphore, #tpu.memory_space<semaphore_mem>>
      tpu.wait_indirect_dma semaphore(%dma_wait3A_364 : memref<!tpu.dma_semaphore, #tpu.memory_space<semaphore_mem>>) src(%dma_wait3A_362 : memref<100000x64xf32, #tpu.memory_space<hbm>>) dst(%dma_wait3A_358 : memref<128x64xf32, #tpu.memory_space<vmem>>)
      %dma_wait3A_365 = arith.constant 3 : i32
      %dma_wait3A_366 = arith.constant 3 : i32
      %dma_wait3A_367 = arith.constant 128 : i32
      %dma_wait3A_368 = arith.constant 0 : i32
      %dma_wait3A_369 = tpu.memref_slice %arg7[%dma_wait3A_365, %dma_wait3A_367, %dma_wait3A_368] : memref<4x200x64xf32, #tpu.memory_space<vmem>> -> memref<1x72x64xf32, #tpu.memory_space<vmem>>
      %dma_wait3A_370 = tpu.memref_squeeze %dma_wait3A_369 : memref<1x72x64xf32, #tpu.memory_space<vmem>> -> memref<72x64xf32, #tpu.memory_space<vmem>>
      %dma_wait3A_371 = tpu.memref_slice %arg6[%add3A_352] : memref<6400xi32, #tpu.memory_space<vmem>> -> memref<72xi32, #tpu.memory_space<vmem>>
      %dma_wait3A_372 = arith.constant 0 : i32
      %dma_wait3A_373 = arith.constant 0 : i32
      %dma_wait3A_374 = tpu.memref_slice %arg3[%dma_wait3A_372, %dma_wait3A_373] : memref<100000x64xf32, #tpu.memory_space<hbm>> -> memref<100000x64xf32, #tpu.memory_space<hbm>>
      %dma_wait3A_375 = tpu.memref_slice %arg9[%dma_wait3A_366] : memref<4x!tpu.dma_semaphore, #tpu.memory_space<semaphore_mem>> -> memref<1x!tpu.dma_semaphore, #tpu.memory_space<semaphore_mem>>
      %dma_wait3A_376 = tpu.memref_squeeze %dma_wait3A_375 : memref<1x!tpu.dma_semaphore, #tpu.memory_space<semaphore_mem>> -> memref<!tpu.dma_semaphore, #tpu.memory_space<semaphore_mem>>
      tpu.wait_indirect_dma semaphore(%dma_wait3A_376 : memref<!tpu.dma_semaphore, #tpu.memory_space<semaphore_mem>>) src(%dma_wait3A_374 : memref<100000x64xf32, #tpu.memory_space<hbm>>) dst(%dma_wait3A_370 : memref<72x64xf32, #tpu.memory_space<vmem>>)
      %scan3A_377 = arith.constant 0 : i32
      %scan3A_378 = arith.constant 0 : i32
      %scan3A_379 = arith.constant 50 : i32
      %scan3A_380 = arith.addi %scan3A_378, %scan3A_379 : i32
      %scan3A_381 = arith.constant 1 : i32
      scf.for %scan3A_411 = %scan3A_378 to %scan3A_380 step %scan3A_381  : i32 {
        %mul3A_412 = arith.constant 4 : i32
        %mul3A_413 = arith.muli %scan3A_411, %mul3A_412 : i32
        %add3A_414 = arith.constant 0 : i32
        %add3A_415 = arith.addi %mul3A_413, %add3A_414 : i32
        %add3A_416 = arith.constant 0 : i32
        %add3A_417 = arith.addi %mul3A_413, %add3A_416 : i32
        %mul3A_418 = arith.constant 64 : i32
        %mul3A_419 = arith.muli %add3A_417, %mul3A_418 : i32
        %add3A_420 = arith.constant 0 : i32
        %add3A_421 = arith.addi %mul3A_419, %add3A_420 : i32
        %get3A = arith.index_cast %add3A_421 : i32 to index
        %get3A_422 = tpu.vector_load %arg8[%get3A] {strides = array<i32>} : memref<12800xf32, #tpu.memory_space<vmem>>, vector<16xf32>,
        %get3A_423 = vector.shape_cast %get3A_422 : vector<16xf32> to vector<16xf32>
        %swap3A = arith.constant 3 : i32
        %swap3A_424 = arith.index_cast %swap3A : i32 to index
        %swap3A_425 = arith.index_cast %add3A_415 : i32 to index
        %swap3A_426 = arith.constant 0 : index
        %swap3A_427 = tpu.vector_load %arg7[%swap3A_424, %swap3A_425, %swap3A_426] {strides = array<i32>} : memref<4x200x64xf32, #tpu.memory_space<vmem>>, vector<1x1x16xf32>,
        %swap3A_428 = vector.shape_cast %swap3A_427 : vector<1x1x16xf32> to vector<16xf32>
        %swap3A_429 = vector.shape_cast %get3A_423 : vector<16xf32> to vector<1x1x16xf32>
        tpu.vector_store %arg7[%swap3A_424, %swap3A_425, %swap3A_426], %swap3A_429 {add = true, strides = array<i32>} : memref<4x200x64xf32, #tpu.memory_space<vmem>>, vector<1x1x16xf32>,
        %add3A_430 = arith.constant 0 : i32
        %add3A_431 = arith.addi %mul3A_413, %add3A_430 : i32
        %add3A_432 = arith.constant 0 : i32
        %add3A_433 = arith.addi %mul3A_413, %add3A_432 : i32
        %mul3A_434 = arith.constant 64 : i32
        %mul3A_435 = arith.muli %add3A_433, %mul3A_434 : i32
        %add3A_436 = arith.constant 16 : i32
        %add3A_437 = arith.addi %mul3A_435, %add3A_436 : i32
        %get3A_438 = arith.index_cast %add3A_437 : i32 to index
        %get3A_439 = tpu.vector_load %arg8[%get3A_438] {strides = array<i32>} : memref<12800xf32, #tpu.memory_space<vmem>>, vector<16xf32>,
        %get3A_440 = vector.shape_cast %get3A_439 : vector<16xf32> to vector<16xf32>
        %swap3A_441 = arith.constant 3 : i32
        %swap3A_442 = arith.index_cast %swap3A_441 : i32 to index
        %swap3A_443 = arith.index_cast %add3A_431 : i32 to index
        %swap3A_444 = arith.constant 16 : index
        %swap3A_445 = tpu.vector_load %arg7[%swap3A_442, %swap3A_443, %swap3A_444] {strides = array<i32>} : memref<4x200x64xf32, #tpu.memory_space<vmem>>, vector<1x1x16xf32>,
        %swap3A_446 = vector.shape_cast %swap3A_445 : vector<1x1x16xf32> to vector<16xf32>
        %swap3A_447 = vector.shape_cast %get3A_440 : vector<16xf32> to vector<1x1x16xf32>
        tpu.vector_store %arg7[%swap3A_442, %swap3A_443, %swap3A_444], %swap3A_447 {add = true, strides = array<i32>} : memref<4x200x64xf32, #tpu.memory_space<vmem>>, vector<1x1x16xf32>,
        %add3A_448 = arith.constant 0 : i32
        %add3A_449 = arith.addi %mul3A_413, %add3A_448 : i32
        %add3A_450 = arith.constant 0 : i32
        %add3A_451 = arith.addi %mul3A_413, %add3A_450 : i32
        %mul3A_452 = arith.constant 64 : i32
        %mul3A_453 = arith.muli %add3A_451, %mul3A_452 : i32
        %add3A_454 = arith.constant 32 : i32
        %add3A_455 = arith.addi %mul3A_453, %add3A_454 : i32
        %get3A_456 = arith.index_cast %add3A_455 : i32 to index
        %get3A_457 = tpu.vector_load %arg8[%get3A_456] {strides = array<i32>} : memref<12800xf32, #tpu.memory_space<vmem>>, vector<16xf32>,
        %get3A_458 = vector.shape_cast %get3A_457 : vector<16xf32> to vector<16xf32>
        %swap3A_459 = arith.constant 3 : i32
        %swap3A_460 = arith.index_cast %swap3A_459 : i32 to index
        %swap3A_461 = arith.index_cast %add3A_449 : i32 to index
        %swap3A_462 = arith.constant 32 : index
        %swap3A_463 = tpu.vector_load %arg7[%swap3A_460, %swap3A_461, %swap3A_462] {strides = array<i32>} : memref<4x200x64xf32, #tpu.memory_space<vmem>>, vector<1x1x16xf32>,
        %swap3A_464 = vector.shape_cast %swap3A_463 : vector<1x1x16xf32> to vector<16xf32>
        %swap3A_465 = vector.shape_cast %get3A_458 : vector<16xf32> to vector<1x1x16xf32>
        tpu.vector_store %arg7[%swap3A_460, %swap3A_461, %swap3A_462], %swap3A_465 {add = true, strides = array<i32>} : memref<4x200x64xf32, #tpu.memory_space<vmem>>, vector<1x1x16xf32>,
        %add3A_466 = arith.constant 0 : i32
        %add3A_467 = arith.addi %mul3A_413, %add3A_466 : i32
        %add3A_468 = arith.constant 0 : i32
        %add3A_469 = arith.addi %mul3A_413, %add3A_468 : i32
        %mul3A_470 = arith.constant 64 : i32
        %mul3A_471 = arith.muli %add3A_469, %mul3A_470 : i32
        %add3A_472 = arith.constant 48 : i32
        %add3A_473 = arith.addi %mul3A_471, %add3A_472 : i32
        %get3A_474 = arith.index_cast %add3A_473 : i32 to index
        %get3A_475 = tpu.vector_load %arg8[%get3A_474] {strides = array<i32>} : memref<12800xf32, #tpu.memory_space<vmem>>, vector<16xf32>,
        %get3A_476 = vector.shape_cast %get3A_475 : vector<16xf32> to vector<16xf32>
        %swap3A_477 = arith.constant 3 : i32
        %swap3A_478 = arith.index_cast %swap3A_477 : i32 to index
        %swap3A_479 = arith.index_cast %add3A_467 : i32 to index
        %swap3A_480 = arith.constant 48 : index
        %swap3A_481 = tpu.vector_load %arg7[%swap3A_478, %swap3A_479, %swap3A_480] {strides = array<i32>} : memref<4x200x64xf32, #tpu.memory_space<vmem>>, vector<1x1x16xf32>,
        %swap3A_482 = vector.shape_cast %swap3A_481 : vector<1x1x16xf32> to vector<16xf32>
        %swap3A_483 = vector.shape_cast %get3A_476 : vector<16xf32> to vector<1x1x16xf32>
        tpu.vector_store %arg7[%swap3A_478, %swap3A_479, %swap3A_480], %swap3A_483 {add = true, strides = array<i32>} : memref<4x200x64xf32, #tpu.memory_space<vmem>>, vector<1x1x16xf32>,
        %add3A_484 = arith.constant 1 : i32
        %add3A_485 = arith.addi %mul3A_413, %add3A_484 : i32
        %add3A_486 = arith.constant 1 : i32
        %add3A_487 = arith.addi %mul3A_413, %add3A_486 : i32
        %mul3A_488 = arith.constant 64 : i32
        %mul3A_489 = arith.muli %add3A_487, %mul3A_488 : i32
        %add3A_490 = arith.constant 0 : i32
        %add3A_491 = arith.addi %mul3A_489, %add3A_490 : i32
        %get3A_492 = arith.index_cast %add3A_491 : i32 to index
        %get3A_493 = tpu.vector_load %arg8[%get3A_492] {strides = array<i32>} : memref<12800xf32, #tpu.memory_space<vmem>>, vector<16xf32>,
        %get3A_494 = vector.shape_cast %get3A_493 : vector<16xf32> to vector<16xf32>
        %swap3A_495 = arith.constant 3 : i32
        %swap3A_496 = arith.index_cast %swap3A_495 : i32 to index
        %swap3A_497 = arith.index_cast %add3A_485 : i32 to index
        %swap3A_498 = arith.constant 0 : index
        %swap3A_499 = tpu.vector_load %arg7[%swap3A_496, %swap3A_497, %swap3A_498] {strides = array<i32>} : memref<4x200x64xf32, #tpu.memory_space<vmem>>, vector<1x1x16xf32>,
        %swap3A_500 = vector.shape_cast %swap3A_499 : vector<1x1x16xf32> to vector<16xf32>
        %swap3A_501 = vector.shape_cast %get3A_494 : vector<16xf32> to vector<1x1x16xf32>
        tpu.vector_store %arg7[%swap3A_496, %swap3A_497, %swap3A_498], %swap3A_501 {add = true, strides = array<i32>} : memref<4x200x64xf32, #tpu.memory_space<vmem>>, vector<1x1x16xf32>,
        %add3A_502 = arith.constant 1 : i32
        %add3A_503 = arith.addi %mul3A_413, %add3A_502 : i32
        %add3A_504 = arith.constant 1 : i32
        %add3A_505 = arith.addi %mul3A_413, %add3A_504 : i32
        %mul3A_506 = arith.constant 64 : i32
        %mul3A_507 = arith.muli %add3A_505, %mul3A_506 : i32
        %add3A_508 = arith.constant 16 : i32
        %add3A_509 = arith.addi %mul3A_507, %add3A_508 : i32
        %get3A_510 = arith.index_cast %add3A_509 : i32 to index
        %get3A_511 = tpu.vector_load %arg8[%get3A_510] {strides = array<i32>} : memref<12800xf32, #tpu.memory_space<vmem>>, vector<16xf32>,
        %get3A_512 = vector.shape_cast %get3A_511 : vector<16xf32> to vector<16xf32>
        %swap3A_513 = arith.constant 3 : i32
        %swap3A_514 = arith.index_cast %swap3A_513 : i32 to index
        %swap3A_515 = arith.index_cast %add3A_503 : i32 to index
        %swap3A_516 = arith.constant 16 : index
        %swap3A_517 = tpu.vector_load %arg7[%swap3A_514, %swap3A_515, %swap3A_516] {strides = array<i32>} : memref<4x200x64xf32, #tpu.memory_space<vmem>>, vector<1x1x16xf32>,
        %swap3A_518 = vector.shape_cast %swap3A_517 : vector<1x1x16xf32> to vector<16xf32>
        %swap3A_519 = vector.shape_cast %get3A_512 : vector<16xf32> to vector<1x1x16xf32>
        tpu.vector_store %arg7[%swap3A_514, %swap3A_515, %swap3A_516], %swap3A_519 {add = true, strides = array<i32>} : memref<4x200x64xf32, #tpu.memory_space<vmem>>, vector<1x1x16xf32>,
        %add3A_520 = arith.constant 1 : i32
        %add3A_521 = arith.addi %mul3A_413, %add3A_520 : i32
        %add3A_522 = arith.constant 1 : i32
        %add3A_523 = arith.addi %mul3A_413, %add3A_522 : i32
        %mul3A_524 = arith.constant 64 : i32
        %mul3A_525 = arith.muli %add3A_523, %mul3A_524 : i32
        %add3A_526 = arith.constant 32 : i32
        %add3A_527 = arith.addi %mul3A_525, %add3A_526 : i32
        %get3A_528 = arith.index_cast %add3A_527 : i32 to index
        %get3A_529 = tpu.vector_load %arg8[%get3A_528] {strides = array<i32>} : memref<12800xf32, #tpu.memory_space<vmem>>, vector<16xf32>,
        %get3A_530 = vector.shape_cast %get3A_529 : vector<16xf32> to vector<16xf32>
        %swap3A_531 = arith.constant 3 : i32
        %swap3A_532 = arith.index_cast %swap3A_531 : i32 to index
        %swap3A_533 = arith.index_cast %add3A_521 : i32 to index
        %swap3A_534 = arith.constant 32 : index
        %swap3A_535 = tpu.vector_load %arg7[%swap3A_532, %swap3A_533, %swap3A_534] {strides = array<i32>} : memref<4x200x64xf32, #tpu.memory_space<vmem>>, vector<1x1x16xf32>,
        %swap3A_536 = vector.shape_cast %swap3A_535 : vector<1x1x16xf32> to vector<16xf32>
        %swap3A_537 = vector.shape_cast %get3A_530 : vector<16xf32> to vector<1x1x16xf32>
        tpu.vector_store %arg7[%swap3A_532, %swap3A_533, %swap3A_534], %swap3A_537 {add = true, strides = array<i32>} : memref<4x200x64xf32, #tpu.memory_space<vmem>>, vector<1x1x16xf32>,
        %add3A_538 = arith.constant 1 : i32
        %add3A_539 = arith.addi %mul3A_413, %add3A_538 : i32
        %add3A_540 = arith.constant 1 : i32
        %add3A_541 = arith.addi %mul3A_413, %add3A_540 : i32
        %mul3A_542 = arith.constant 64 : i32
        %mul3A_543 = arith.muli %add3A_541, %mul3A_542 : i32
        %add3A_544 = arith.constant 48 : i32
        %add3A_545 = arith.addi %mul3A_543, %add3A_544 : i32
        %get3A_546 = arith.index_cast %add3A_545 : i32 to index
        %get3A_547 = tpu.vector_load %arg8[%get3A_546] {strides = array<i32>} : memref<12800xf32, #tpu.memory_space<vmem>>, vector<16xf32>,
        %get3A_548 = vector.shape_cast %get3A_547 : vector<16xf32> to vector<16xf32>
        %swap3A_549 = arith.constant 3 : i32
        %swap3A_550 = arith.index_cast %swap3A_549 : i32 to index
        %swap3A_551 = arith.index_cast %add3A_539 : i32 to index
        %swap3A_552 = arith.constant 48 : index
        %swap3A_553 = tpu.vector_load %arg7[%swap3A_550, %swap3A_551, %swap3A_552] {strides = array<i32>} : memref<4x200x64xf32, #tpu.memory_space<vmem>>, vector<1x1x16xf32>,
        %swap3A_554 = vector.shape_cast %swap3A_553 : vector<1x1x16xf32> to vector<16xf32>
        %swap3A_555 = vector.shape_cast %get3A_548 : vector<16xf32> to vector<1x1x16xf32>
        tpu.vector_store %arg7[%swap3A_550, %swap3A_551, %swap3A_552], %swap3A_555 {add = true, strides = array<i32>} : memref<4x200x64xf32, #tpu.memory_space<vmem>>, vector<1x1x16xf32>,
        %add3A_556 = arith.constant 2 : i32
        %add3A_557 = arith.addi %mul3A_413, %add3A_556 : i32
        %add3A_558 = arith.constant 2 : i32
        %add3A_559 = arith.addi %mul3A_413, %add3A_558 : i32
        %mul3A_560 = arith.constant 64 : i32
        %mul3A_561 = arith.muli %add3A_559, %mul3A_560 : i32
        %add3A_562 = arith.constant 0 : i32
        %add3A_563 = arith.addi %mul3A_561, %add3A_562 : i32
        %get3A_564 = arith.index_cast %add3A_563 : i32 to index
        %get3A_565 = tpu.vector_load %arg8[%get3A_564] {strides = array<i32>} : memref<12800xf32, #tpu.memory_space<vmem>>, vector<16xf32>,
        %get3A_566 = vector.shape_cast %get3A_565 : vector<16xf32> to vector<16xf32>
        %swap3A_567 = arith.constant 3 : i32
        %swap3A_568 = arith.index_cast %swap3A_567 : i32 to index
        %swap3A_569 = arith.index_cast %add3A_557 : i32 to index
        %swap3A_570 = arith.constant 0 : index
        %swap3A_571 = tpu.vector_load %arg7[%swap3A_568, %swap3A_569, %swap3A_570] {strides = array<i32>} : memref<4x200x64xf32, #tpu.memory_space<vmem>>, vector<1x1x16xf32>,
        %swap3A_572 = vector.shape_cast %swap3A_571 : vector<1x1x16xf32> to vector<16xf32>
        %swap3A_573 = vector.shape_cast %get3A_566 : vector<16xf32> to vector<1x1x16xf32>
        tpu.vector_store %arg7[%swap3A_568, %swap3A_569, %swap3A_570], %swap3A_573 {add = true, strides = array<i32>} : memref<4x200x64xf32, #tpu.memory_space<vmem>>, vector<1x1x16xf32>,
        %add3A_574 = arith.constant 2 : i32
        %add3A_575 = arith.addi %mul3A_413, %add3A_574 : i32
        %add3A_576 = arith.constant 2 : i32
        %add3A_577 = arith.addi %mul3A_413, %add3A_576 : i32
        %mul3A_578 = arith.constant 64 : i32
        %mul3A_579 = arith.muli %add3A_577, %mul3A_578 : i32
        %add3A_580 = arith.constant 16 : i32
        %add3A_581 = arith.addi %mul3A_579, %add3A_580 : i32
        %get3A_582 = arith.index_cast %add3A_581 : i32 to index
        %get3A_583 = tpu.vector_load %arg8[%get3A_582] {strides = array<i32>} : memref<12800xf32, #tpu.memory_space<vmem>>, vector<16xf32>,
        %get3A_584 = vector.shape_cast %get3A_583 : vector<16xf32> to vector<16xf32>
        %swap3A_585 = arith.constant 3 : i32
        %swap3A_586 = arith.index_cast %swap3A_585 : i32 to index
        %swap3A_587 = arith.index_cast %add3A_575 : i32 to index
        %swap3A_588 = arith.constant 16 : index
        %swap3A_589 = tpu.vector_load %arg7[%swap3A_586, %swap3A_587, %swap3A_588] {strides = array<i32>} : memref<4x200x64xf32, #tpu.memory_space<vmem>>, vector<1x1x16xf32>,
        %swap3A_590 = vector.shape_cast %swap3A_589 : vector<1x1x16xf32> to vector<16xf32>
        %swap3A_591 = vector.shape_cast %get3A_584 : vector<16xf32> to vector<1x1x16xf32>
        tpu.vector_store %arg7[%swap3A_586, %swap3A_587, %swap3A_588], %swap3A_591 {add = true, strides = array<i32>} : memref<4x200x64xf32, #tpu.memory_space<vmem>>, vector<1x1x16xf32>,
        %add3A_592 = arith.constant 2 : i32
        %add3A_593 = arith.addi %mul3A_413, %add3A_592 : i32
        %add3A_594 = arith.constant 2 : i32
        %add3A_595 = arith.addi %mul3A_413, %add3A_594 : i32
        %mul3A_596 = arith.constant 64 : i32
        %mul3A_597 = arith.muli %add3A_595, %mul3A_596 : i32
        %add3A_598 = arith.constant 32 : i32
        %add3A_599 = arith.addi %mul3A_597, %add3A_598 : i32
        %get3A_600 = arith.index_cast %add3A_599 : i32 to index
        %get3A_601 = tpu.vector_load %arg8[%get3A_600] {strides = array<i32>} : memref<12800xf32, #tpu.memory_space<vmem>>, vector<16xf32>,
        %get3A_602 = vector.shape_cast %get3A_601 : vector<16xf32> to vector<16xf32>
        %swap3A_603 = arith.constant 3 : i32
        %swap3A_604 = arith.index_cast %swap3A_603 : i32 to index
        %swap3A_605 = arith.index_cast %add3A_593 : i32 to index
        %swap3A_606 = arith.constant 32 : index
        %swap3A_607 = tpu.vector_load %arg7[%swap3A_604, %swap3A_605, %swap3A_606] {strides = array<i32>} : memref<4x200x64xf32, #tpu.memory_space<vmem>>, vector<1x1x16xf32>,
        %swap3A_608 = vector.shape_cast %swap3A_607 : vector<1x1x16xf32> to vector<16xf32>
        %swap3A_609 = vector.shape_cast %get3A_602 : vector<16xf32> to vector<1x1x16xf32>
        tpu.vector_store %arg7[%swap3A_604, %swap3A_605, %swap3A_606], %swap3A_609 {add = true, strides = array<i32>} : memref<4x200x64xf32, #tpu.memory_space<vmem>>, vector<1x1x16xf32>,
        %add3A_610 = arith.constant 2 : i32
        %add3A_611 = arith.addi %mul3A_413, %add3A_610 : i32
        %add3A_612 = arith.constant 2 : i32
        %add3A_613 = arith.addi %mul3A_413, %add3A_612 : i32
        %mul3A_614 = arith.constant 64 : i32
        %mul3A_615 = arith.muli %add3A_613, %mul3A_614 : i32
        %add3A_616 = arith.constant 48 : i32
        %add3A_617 = arith.addi %mul3A_615, %add3A_616 : i32
        %get3A_618 = arith.index_cast %add3A_617 : i32 to index
        %get3A_619 = tpu.vector_load %arg8[%get3A_618] {strides = array<i32>} : memref<12800xf32, #tpu.memory_space<vmem>>, vector<16xf32>,
        %get3A_620 = vector.shape_cast %get3A_619 : vector<16xf32> to vector<16xf32>
        %swap3A_621 = arith.constant 3 : i32
        %swap3A_622 = arith.index_cast %swap3A_621 : i32 to index
        %swap3A_623 = arith.index_cast %add3A_611 : i32 to index
        %swap3A_624 = arith.constant 48 : index
        %swap3A_625 = tpu.vector_load %arg7[%swap3A_622, %swap3A_623, %swap3A_624] {strides = array<i32>} : memref<4x200x64xf32, #tpu.memory_space<vmem>>, vector<1x1x16xf32>,
        %swap3A_626 = vector.shape_cast %swap3A_625 : vector<1x1x16xf32> to vector<16xf32>
        %swap3A_627 = vector.shape_cast %get3A_620 : vector<16xf32> to vector<1x1x16xf32>
        tpu.vector_store %arg7[%swap3A_622, %swap3A_623, %swap3A_624], %swap3A_627 {add = true, strides = array<i32>} : memref<4x200x64xf32, #tpu.memory_space<vmem>>, vector<1x1x16xf32>,
        %add3A_628 = arith.constant 3 : i32
        %add3A_629 = arith.addi %mul3A_413, %add3A_628 : i32
        %add3A_630 = arith.constant 3 : i32
        %add3A_631 = arith.addi %mul3A_413, %add3A_630 : i32
        %mul3A_632 = arith.constant 64 : i32
        %mul3A_633 = arith.muli %add3A_631, %mul3A_632 : i32
        %add3A_634 = arith.constant 0 : i32
        %add3A_635 = arith.addi %mul3A_633, %add3A_634 : i32
        %get3A_636 = arith.index_cast %add3A_635 : i32 to index
        %get3A_637 = tpu.vector_load %arg8[%get3A_636] {strides = array<i32>} : memref<12800xf32, #tpu.memory_space<vmem>>, vector<16xf32>,
        %get3A_638 = vector.shape_cast %get3A_637 : vector<16xf32> to vector<16xf32>
        %swap3A_639 = arith.constant 3 : i32
        %swap3A_640 = arith.index_cast %swap3A_639 : i32 to index
        %swap3A_641 = arith.index_cast %add3A_629 : i32 to index
        %swap3A_642 = arith.constant 0 : index
        %swap3A_643 = tpu.vector_load %arg7[%swap3A_640, %swap3A_641, %swap3A_642] {strides = array<i32>} : memref<4x200x64xf32, #tpu.memory_space<vmem>>, vector<1x1x16xf32>,
        %swap3A_644 = vector.shape_cast %swap3A_643 : vector<1x1x16xf32> to vector<16xf32>
        %swap3A_645 = vector.shape_cast %get3A_638 : vector<16xf32> to vector<1x1x16xf32>
        tpu.vector_store %arg7[%swap3A_640, %swap3A_641, %swap3A_642], %swap3A_645 {add = true, strides = array<i32>} : memref<4x200x64xf32, #tpu.memory_space<vmem>>, vector<1x1x16xf32>,
        %add3A_646 = arith.constant 3 : i32
        %add3A_647 = arith.addi %mul3A_413, %add3A_646 : i32
        %add3A_648 = arith.constant 3 : i32
        %add3A_649 = arith.addi %mul3A_413, %add3A_648 : i32
        %mul3A_650 = arith.constant 64 : i32
        %mul3A_651 = arith.muli %add3A_649, %mul3A_650 : i32
        %add3A_652 = arith.constant 16 : i32
        %add3A_653 = arith.addi %mul3A_651, %add3A_652 : i32
        %get3A_654 = arith.index_cast %add3A_653 : i32 to index
        %get3A_655 = tpu.vector_load %arg8[%get3A_654] {strides = array<i32>} : memref<12800xf32, #tpu.memory_space<vmem>>, vector<16xf32>,
        %get3A_656 = vector.shape_cast %get3A_655 : vector<16xf32> to vector<16xf32>
        %swap3A_657 = arith.constant 3 : i32
        %swap3A_658 = arith.index_cast %swap3A_657 : i32 to index
        %swap3A_659 = arith.index_cast %add3A_647 : i32 to index
        %swap3A_660 = arith.constant 16 : index
        %swap3A_661 = tpu.vector_load %arg7[%swap3A_658, %swap3A_659, %swap3A_660] {strides = array<i32>} : memref<4x200x64xf32, #tpu.memory_space<vmem>>, vector<1x1x16xf32>,
        %swap3A_662 = vector.shape_cast %swap3A_661 : vector<1x1x16xf32> to vector<16xf32>
        %swap3A_663 = vector.shape_cast %get3A_656 : vector<16xf32> to vector<1x1x16xf32>
        tpu.vector_store %arg7[%swap3A_658, %swap3A_659, %swap3A_660], %swap3A_663 {add = true, strides = array<i32>} : memref<4x200x64xf32, #tpu.memory_space<vmem>>, vector<1x1x16xf32>,
        %add3A_664 = arith.constant 3 : i32
        %add3A_665 = arith.addi %mul3A_413, %add3A_664 : i32
        %add3A_666 = arith.constant 3 : i32
        %add3A_667 = arith.addi %mul3A_413, %add3A_666 : i32
        %mul3A_668 = arith.constant 64 : i32
        %mul3A_669 = arith.muli %add3A_667, %mul3A_668 : i32
        %add3A_670 = arith.constant 32 : i32
        %add3A_671 = arith.addi %mul3A_669, %add3A_670 : i32
        %get3A_672 = arith.index_cast %add3A_671 : i32 to index
        %get3A_673 = tpu.vector_load %arg8[%get3A_672] {strides = array<i32>} : memref<12800xf32, #tpu.memory_space<vmem>>, vector<16xf32>,
        %get3A_674 = vector.shape_cast %get3A_673 : vector<16xf32> to vector<16xf32>
        %swap3A_675 = arith.constant 3 : i32
        %swap3A_676 = arith.index_cast %swap3A_675 : i32 to index
        %swap3A_677 = arith.index_cast %add3A_665 : i32 to index
        %swap3A_678 = arith.constant 32 : index
        %swap3A_679 = tpu.vector_load %arg7[%swap3A_676, %swap3A_677, %swap3A_678] {strides = array<i32>} : memref<4x200x64xf32, #tpu.memory_space<vmem>>, vector<1x1x16xf32>,
        %swap3A_680 = vector.shape_cast %swap3A_679 : vector<1x1x16xf32> to vector<16xf32>
        %swap3A_681 = vector.shape_cast %get3A_674 : vector<16xf32> to vector<1x1x16xf32>
        tpu.vector_store %arg7[%swap3A_676, %swap3A_677, %swap3A_678], %swap3A_681 {add = true, strides = array<i32>} : memref<4x200x64xf32, #tpu.memory_space<vmem>>, vector<1x1x16xf32>,
        %add3A_682 = arith.constant 3 : i32
        %add3A_683 = arith.addi %mul3A_413, %add3A_682 : i32
        %add3A_684 = arith.constant 3 : i32
        %add3A_685 = arith.addi %mul3A_413, %add3A_684 : i32
        %mul3A_686 = arith.constant 64 : i32
        %mul3A_687 = arith.muli %add3A_685, %mul3A_686 : i32
        %add3A_688 = arith.constant 48 : i32
        %add3A_689 = arith.addi %mul3A_687, %add3A_688 : i32
        %get3A_690 = arith.index_cast %add3A_689 : i32 to index
        %get3A_691 = tpu.vector_load %arg8[%get3A_690] {strides = array<i32>} : memref<12800xf32, #tpu.memory_space<vmem>>, vector<16xf32>,
        %get3A_692 = vector.shape_cast %get3A_691 : vector<16xf32> to vector<16xf32>
        %swap3A_693 = arith.constant 3 : i32
        %swap3A_694 = arith.index_cast %swap3A_693 : i32 to index
        %swap3A_695 = arith.index_cast %add3A_683 : i32 to index
        %swap3A_696 = arith.constant 48 : index
        %swap3A_697 = tpu.vector_load %arg7[%swap3A_694, %swap3A_695, %swap3A_696] {strides = array<i32>} : memref<4x200x64xf32, #tpu.memory_space<vmem>>, vector<1x1x16xf32>,
        %swap3A_698 = vector.shape_cast %swap3A_697 : vector<1x1x16xf32> to vector<16xf32>
        %swap3A_699 = vector.shape_cast %get3A_692 : vector<16xf32> to vector<1x1x16xf32>
        tpu.vector_store %arg7[%swap3A_694, %swap3A_695, %swap3A_696], %swap3A_699 {add = true, strides = array<i32>} : memref<4x200x64xf32, #tpu.memory_space<vmem>>, vector<1x1x16xf32>,
      }
      %scan3A_382 = arith.constant 50 : i32
      %mul3A_383 = arith.constant 200 : i32
      %mul3A_384 = arith.muli %add3A_348, %mul3A_383 : i32
      %add3A_385 = arith.addi %mul3A_2, %mul3A_384 : i32
      %dma_start3A_386 = arith.constant 3 : i32
      %dma_start3A_387 = arith.constant 3 : i32
      %dma_start3A_388 = arith.constant 0 : i32
      %dma_start3A_389 = arith.constant 0 : i32
      %dma_start3A_390 = tpu.memref_slice %arg7[%dma_start3A_386, %dma_start3A_388, %dma_start3A_389] : memref<4x200x64xf32, #tpu.memory_space<vmem>> -> memref<1x200x64xf32, #tpu.memory_space<vmem>>
      %dma_start3A_391 = tpu.memref_squeeze %dma_start3A_390 : memref<1x200x64xf32, #tpu.memory_space<vmem>> -> memref<200x64xf32, #tpu.memory_space<vmem>>
      %dma_start3A_392 = arith.constant 0 : i32
      %dma_start3A_393 = tpu.memref_slice %arg5[%add3A_385, %dma_start3A_392] : memref<204800x128xf32, #tpu.memory_space<hbm>> -> memref<200x64xf32, #tpu.memory_space<hbm>>
      %dma_start3A_394 = tpu.memref_slice %arg10[%dma_start3A_387] : memref<4x!tpu.dma_semaphore, #tpu.memory_space<semaphore_mem>> -> memref<1x!tpu.dma_semaphore, #tpu.memory_space<semaphore_mem>>
      %dma_start3A_395 = tpu.memref_squeeze %dma_start3A_394 : memref<1x!tpu.dma_semaphore, #tpu.memory_space<semaphore_mem>> -> memref<!tpu.dma_semaphore, #tpu.memory_space<semaphore_mem>>
      %dma_start3A_396 = arith.constant 0 : i32
      %dma_start3A_397 = tpu.memref_slice %arg5[%add3A_385, %dma_start3A_396] : memref<204800x128xf32, #tpu.memory_space<hbm>> -> memref<200x64xf32, #tpu.memory_space<hbm>>
      %dma_start3A_398 = arith.constant 0 : i32
      %dma_start3A_399 = arith.constant 0 : i32
      %dma_start3A_400 = tpu.memref_slice %arg7[%dma_start3A_386, %dma_start3A_398, %dma_start3A_399] : memref<4x200x64xf32, #tpu.memory_space<vmem>> -> memref<1x200x64xf32, #tpu.memory_space<vmem>>
      %dma_start3A_401 = tpu.memref_squeeze %dma_start3A_400 : memref<1x200x64xf32, #tpu.memory_space<vmem>> -> memref<200x64xf32, #tpu.memory_space<vmem>>
      tpu.enqueue_dma source(%dma_start3A_401 : memref<200x64xf32, #tpu.memory_space<vmem>>) target(%dma_start3A_397 : memref<200x64xf32, #tpu.memory_space<hbm>>) target_semaphore(%dma_start3A_395 : memref<!tpu.dma_semaphore, #tpu.memory_space<semaphore_mem>>)
      %add3A_402 = arith.constant 4 : i32
      %add3A_403 = arith.addi %add3A_348, %add3A_402 : i32
      %sub3A_404 = arith.constant 1 : i32
      %sub3A_405 = arith.subi %add3A_403, %sub3A_404 : i32
      %lt3A_406 = arith.constant 32 : i32
      %lt3A_407 = arith.cmpi slt, %sub3A_405, %lt3A_406 : i32
      %convert_element_type3A_408 = arith.extui %lt3A_407 : i1 to i32
      %cond3A_409 = arith.constant 0 : i32
      %cond3A_410 = arith.cmpi ne, %convert_element_type3A_408, %cond3A_409 : i32
      scf.if %cond3A_410 {
        %ge3A = arith.constant 1 : i32
        %ge3A_411 = arith.cmpi sge, %add3A_348, %ge3A : i32
        %convert_element_type3A_412 = arith.extui %ge3A_411 : i1 to i32
        %cond3A_413 = arith.constant 0 : i32
        %cond3A_414 = arith.cmpi ne, %convert_element_type3A_412, %cond3A_413 : i32
        scf.if %cond3A_414 {
          %sub3A_443 = arith.constant 1 : i32
          %sub3A_444 = arith.subi %add3A_348, %sub3A_443 : i32
          %mul3A_445 = arith.constant 200 : i32
          %mul3A_446 = arith.muli %sub3A_444, %mul3A_445 : i32
          %add3A_447 = arith.addi %mul3A_2, %mul3A_446 : i32
          %dma_wait3A_448 = arith.constant 2 : i32
          %dma_wait3A_449 = arith.constant 2 : i32
          %dma_wait3A_450 = arith.constant 0 : i32
          %dma_wait3A_451 = arith.constant 0 : i32
          %dma_wait3A_452 = tpu.memref_slice %arg7[%dma_wait3A_448, %dma_wait3A_450, %dma_wait3A_451] : memref<4x200x64xf32, #tpu.memory_space<vmem>> -> memref<1x200x64xf32, #tpu.memory_space<vmem>>
          %dma_wait3A_453 = tpu.memref_squeeze %dma_wait3A_452 : memref<1x200x64xf32, #tpu.memory_space<vmem>> -> memref<200x64xf32, #tpu.memory_space<vmem>>
          %dma_wait3A_454 = arith.constant 0 : i32
          %dma_wait3A_455 = tpu.memref_slice %arg5[%add3A_447, %dma_wait3A_454] : memref<204800x128xf32, #tpu.memory_space<hbm>> -> memref<200x64xf32, #tpu.memory_space<hbm>>
          %dma_wait3A_456 = tpu.memref_slice %arg10[%dma_wait3A_449] : memref<4x!tpu.dma_semaphore, #tpu.memory_space<semaphore_mem>> -> memref<1x!tpu.dma_semaphore, #tpu.memory_space<semaphore_mem>>
          %dma_wait3A_457 = tpu.memref_squeeze %dma_wait3A_456 : memref<1x!tpu.dma_semaphore, #tpu.memory_space<semaphore_mem>> -> memref<!tpu.dma_semaphore, #tpu.memory_space<semaphore_mem>>
          %dma_wait3A_458 = arith.constant 0 : i32
          %dma_wait3A_459 = tpu.memref_slice %arg5[%add3A_447, %dma_wait3A_458] : memref<204800x128xf32, #tpu.memory_space<hbm>> -> memref<200x64xf32, #tpu.memory_space<hbm>>
          %dma_wait3A_460 = arith.constant 0 : i32
          %dma_wait3A_461 = arith.constant 0 : i32
          %dma_wait3A_462 = tpu.memref_slice %arg7[%dma_wait3A_448, %dma_wait3A_460, %dma_wait3A_461] : memref<4x200x64xf32, #tpu.memory_space<vmem>> -> memref<1x200x64xf32, #tpu.memory_space<vmem>>
          %dma_wait3A_463 = tpu.memref_squeeze %dma_wait3A_462 : memref<1x200x64xf32, #tpu.memory_space<vmem>> -> memref<200x64xf32, #tpu.memory_space<vmem>>
          tpu.wait_dma2 semaphore(%dma_wait3A_457 : memref<!tpu.dma_semaphore, #tpu.memory_space<semaphore_mem>>) src(%dma_wait3A_463 : memref<200x64xf32, #tpu.memory_space<vmem>>) dst(%dma_wait3A_459 : memref<200x64xf32, #tpu.memory_space<hbm>>)
        } else {
        }
        %mul3A_415 = arith.constant 200 : i32
        %mul3A_416 = arith.muli %sub3A_405, %mul3A_415 : i32
        %add3A_417 = arith.constant 128 : i32
        %add3A_418 = arith.addi %mul3A_416, %add3A_417 : i32
        %dma_start3A_419 = arith.constant 2 : i32
        %dma_start3A_420 = arith.constant 2 : i32
        %dma_start3A_421 = arith.constant 0 : i32
        %dma_start3A_422 = arith.constant 0 : i32
        %dma_start3A_423 = tpu.memref_slice %arg7[%dma_start3A_419, %dma_start3A_421, %dma_start3A_422] : memref<4x200x64xf32, #tpu.memory_space<vmem>> -> memref<1x128x64xf32, #tpu.memory_space<vmem>>
        %dma_start3A_424 = tpu.memref_squeeze %dma_start3A_423 : memref<1x128x64xf32, #tpu.memory_space<vmem>> -> memref<128x64xf32, #tpu.memory_space<vmem>>
        %dma_start3A_425 = tpu.memref_slice %arg6[%mul3A_416] : memref<6400xi32, #tpu.memory_space<vmem>> -> memref<128xi32, #tpu.memory_space<vmem>>
        %dma_start3A_426 = arith.constant 0 : i32
        %dma_start3A_427 = arith.constant 0 : i32
        %dma_start3A_428 = tpu.memref_slice %arg3[%dma_start3A_426, %dma_start3A_427] : memref<100000x64xf32, #tpu.memory_space<hbm>> -> memref<100000x64xf32, #tpu.memory_space<hbm>>
        %dma_start3A_429 = tpu.memref_slice %arg9[%dma_start3A_420] : memref<4x!tpu.dma_semaphore, #tpu.memory_space<semaphore_mem>> -> memref<1x!tpu.dma_semaphore, #tpu.memory_space<semaphore_mem>>
        %dma_start3A_430 = tpu.memref_squeeze %dma_start3A_429 : memref<1x!tpu.dma_semaphore, #tpu.memory_space<semaphore_mem>> -> memref<!tpu.dma_semaphore, #tpu.memory_space<semaphore_mem>>
        tpu.enqueue_indirect_dma source(%dma_start3A_428 : memref<100000x64xf32, #tpu.memory_space<hbm>>) target(%dma_start3A_424 : memref<128x64xf32, #tpu.memory_space<vmem>>) offsets(%dma_start3A_425 : memref<128xi32, #tpu.memory_space<vmem>>) semaphore(%dma_start3A_430 : memref<!tpu.dma_semaphore, #tpu.memory_space<semaphore_mem>>)
        %dma_start3A_431 = arith.constant 2 : i32
        %dma_start3A_432 = arith.constant 2 : i32
        %dma_start3A_433 = arith.constant 128 : i32
        %dma_start3A_434 = arith.constant 0 : i32
        %dma_start3A_435 = tpu.memref_slice %arg7[%dma_start3A_431, %dma_start3A_433, %dma_start3A_434] : memref<4x200x64xf32, #tpu.memory_space<vmem>> -> memref<1x72x64xf32, #tpu.memory_space<vmem>>
        %dma_start3A_436 = tpu.memref_squeeze %dma_start3A_435 : memref<1x72x64xf32, #tpu.memory_space<vmem>> -> memref<72x64xf32, #tpu.memory_space<vmem>>
        %dma_start3A_437 = tpu.memref_slice %arg6[%add3A_418] : memref<6400xi32, #tpu.memory_space<vmem>> -> memref<72xi32, #tpu.memory_space<vmem>>
        %dma_start3A_438 = arith.constant 0 : i32
        %dma_start3A_439 = arith.constant 0 : i32
        %dma_start3A_440 = tpu.memref_slice %arg3[%dma_start3A_438, %dma_start3A_439] : memref<100000x64xf32, #tpu.memory_space<hbm>> -> memref<100000x64xf32, #tpu.memory_space<hbm>>
        %dma_start3A_441 = tpu.memref_slice %arg9[%dma_start3A_432] : memref<4x!tpu.dma_semaphore, #tpu.memory_space<semaphore_mem>> -> memref<1x!tpu.dma_semaphore, #tpu.memory_space<semaphore_mem>>
        %dma_start3A_442 = tpu.memref_squeeze %dma_start3A_441 : memref<1x!tpu.dma_semaphore, #tpu.memory_space<semaphore_mem>> -> memref<!tpu.dma_semaphore, #tpu.memory_space<semaphore_mem>>
        tpu.enqueue_indirect_dma source(%dma_start3A_440 : memref<100000x64xf32, #tpu.memory_space<hbm>>) target(%dma_start3A_436 : memref<72x64xf32, #tpu.memory_space<vmem>>) offsets(%dma_start3A_437 : memref<72xi32, #tpu.memory_space<vmem>>) semaphore(%dma_start3A_442 : memref<!tpu.dma_semaphore, #tpu.memory_space<semaphore_mem>>)
      } else {
      }
    }
    %scan3A_84 = arith.constant 8 : i32
    %add3A_85 = arith.constant 5600 : i32
    %add3A_86 = arith.addi %mul3A_2, %add3A_85 : i32
    %dma_wait3A = arith.constant 0 : i32
    %dma_wait3A_87 = arith.constant 0 : i32
    %dma_wait3A_88 = arith.constant 0 : i32
    %dma_wait3A_89 = arith.constant 0 : i32
    %dma_wait3A_90 = tpu.memref_slice %arg7[%dma_wait3A, %dma_wait3A_88, %dma_wait3A_89] : memref<4x200x64xf32, #tpu.memory_space<vmem>> -> memref<1x200x64xf32, #tpu.memory_space<vmem>>
    %dma_wait3A_91 = tpu.memref_squeeze %dma_wait3A_90 : memref<1x200x64xf32, #tpu.memory_space<vmem>> -> memref<200x64xf32, #tpu.memory_space<vmem>>
    %dma_wait3A_92 = arith.constant 0 : i32
    %dma_wait3A_93 = tpu.memref_slice %arg5[%add3A_86, %dma_wait3A_92] : memref<204800x128xf32, #tpu.memory_space<hbm>> -> memref<200x64xf32, #tpu.memory_space<hbm>>
    %dma_wait3A_94 = tpu.memref_slice %arg10[%dma_wait3A_87] : memref<4x!tpu.dma_semaphore, #tpu.memory_space<semaphore_mem>> -> memref<1x!tpu.dma_semaphore, #tpu.memory_space<semaphore_mem>>
    %dma_wait3A_95 = tpu.memref_squeeze %dma_wait3A_94 : memref<1x!tpu.dma_semaphore, #tpu.memory_space<semaphore_mem>> -> memref<!tpu.dma_semaphore, #tpu.memory_space<semaphore_mem>>
    %dma_wait3A_96 = arith.constant 0 : i32
    %dma_wait3A_97 = tpu.memref_slice %arg5[%add3A_86, %dma_wait3A_96] : memref<204800x128xf32, #tpu.memory_space<hbm>> -> memref<200x64xf32, #tpu.memory_space<hbm>>
    %dma_wait3A_98 = arith.constant 0 : i32
    %dma_wait3A_99 = arith.constant 0 : i32
    %dma_wait3A_100 = tpu.memref_slice %arg7[%dma_wait3A, %dma_wait3A_98, %dma_wait3A_99] : memref<4x200x64xf32, #tpu.memory_space<vmem>> -> memref<1x200x64xf32, #tpu.memory_space<vmem>>
    %dma_wait3A_101 = tpu.memref_squeeze %dma_wait3A_100 : memref<1x200x64xf32, #tpu.memory_space<vmem>> -> memref<200x64xf32, #tpu.memory_space<vmem>>
    tpu.wait_dma2 semaphore(%dma_wait3A_95 : memref<!tpu.dma_semaphore, #tpu.memory_space<semaphore_mem>>) src(%dma_wait3A_101 : memref<200x64xf32, #tpu.memory_space<vmem>>) dst(%dma_wait3A_97 : memref<200x64xf32, #tpu.memory_space<hbm>>)
    %add3A_102 = arith.constant 5800 : i32
    %add3A_103 = arith.addi %mul3A_2, %add3A_102 : i32
    %dma_wait3A_104 = arith.constant 1 : i32
    %dma_wait3A_105 = arith.constant 1 : i32
    %dma_wait3A_106 = arith.constant 0 : i32
    %dma_wait3A_107 = arith.constant 0 : i32
    %dma_wait3A_108 = tpu.memref_slice %arg7[%dma_wait3A_104, %dma_wait3A_106, %dma_wait3A_107] : memref<4x200x64xf32, #tpu.memory_space<vmem>> -> memref<1x200x64xf32, #tpu.memory_space<vmem>>
    %dma_wait3A_109 = tpu.memref_squeeze %dma_wait3A_108 : memref<1x200x64xf32, #tpu.memory_space<vmem>> -> memref<200x64xf32, #tpu.memory_space<vmem>>
    %dma_wait3A_110 = arith.constant 0 : i32
    %dma_wait3A_111 = tpu.memref_slice %arg5[%add3A_103, %dma_wait3A_110] : memref<204800x128xf32, #tpu.memory_space<hbm>> -> memref<200x64xf32, #tpu.memory_space<hbm>>
    %dma_wait3A_112 = tpu.memref_slice %arg10[%dma_wait3A_105] : memref<4x!tpu.dma_semaphore, #tpu.memory_space<semaphore_mem>> -> memref<1x!tpu.dma_semaphore, #tpu.memory_space<semaphore_mem>>
    %dma_wait3A_113 = tpu.memref_squeeze %dma_wait3A_112 : memref<1x!tpu.dma_semaphore, #tpu.memory_space<semaphore_mem>> -> memref<!tpu.dma_semaphore, #tpu.memory_space<semaphore_mem>>
    %dma_wait3A_114 = arith.constant 0 : i32
    %dma_wait3A_115 = tpu.memref_slice %arg5[%add3A_103, %dma_wait3A_114] : memref<204800x128xf32, #tpu.memory_space<hbm>> -> memref<200x64xf32, #tpu.memory_space<hbm>>
    %dma_wait3A_116 = arith.constant 0 : i32
    %dma_wait3A_117 = arith.constant 0 : i32
    %dma_wait3A_118 = tpu.memref_slice %arg7[%dma_wait3A_104, %dma_wait3A_116, %dma_wait3A_117] : memref<4x200x64xf32, #tpu.memory_space<vmem>> -> memref<1x200x64xf32, #tpu.memory_space<vmem>>
    %dma_wait3A_119 = tpu.memref_squeeze %dma_wait3A_118 : memref<1x200x64xf32, #tpu.memory_space<vmem>> -> memref<200x64xf32, #tpu.memory_space<vmem>>
    tpu.wait_dma2 semaphore(%dma_wait3A_113 : memref<!tpu.dma_semaphore, #tpu.memory_space<semaphore_mem>>) src(%dma_wait3A_119 : memref<200x64xf32, #tpu.memory_space<vmem>>) dst(%dma_wait3A_115 : memref<200x64xf32, #tpu.memory_space<hbm>>)
    %add3A_120 = arith.constant 6000 : i32
    %add3A_121 = arith.addi %mul3A_2, %add3A_120 : i32
    %dma_wait3A_122 = arith.constant 2 : i32
    %dma_wait3A_123 = arith.constant 2 : i32
    %dma_wait3A_124 = arith.constant 0 : i32
    %dma_wait3A_125 = arith.constant 0 : i32
    %dma_wait3A_126 = tpu.memref_slice %arg7[%dma_wait3A_122, %dma_wait3A_124, %dma_wait3A_125] : memref<4x200x64xf32, #tpu.memory_space<vmem>> -> memref<1x200x64xf32, #tpu.memory_space<vmem>>
    %dma_wait3A_127 = tpu.memref_squeeze %dma_wait3A_126 : memref<1x200x64xf32, #tpu.memory_space<vmem>> -> memref<200x64xf32, #tpu.memory_space<vmem>>
    %dma_wait3A_128 = arith.constant 0 : i32
    %dma_wait3A_129 = tpu.memref_slice %arg5[%add3A_121, %dma_wait3A_128] : memref<204800x128xf32, #tpu.memory_space<hbm>> -> memref<200x64xf32, #tpu.memory_space<hbm>>
    %dma_wait3A_130 = tpu.memref_slice %arg10[%dma_wait3A_123] : memref<4x!tpu.dma_semaphore, #tpu.memory_space<semaphore_mem>> -> memref<1x!tpu.dma_semaphore, #tpu.memory_space<semaphore_mem>>
    %dma_wait3A_131 = tpu.memref_squeeze %dma_wait3A_130 : memref<1x!tpu.dma_semaphore, #tpu.memory_space<semaphore_mem>> -> memref<!tpu.dma_semaphore, #tpu.memory_space<semaphore_mem>>
    %dma_wait3A_132 = arith.constant 0 : i32
    %dma_wait3A_133 = tpu.memref_slice %arg5[%add3A_121, %dma_wait3A_132] : memref<204800x128xf32, #tpu.memory_space<hbm>> -> memref<200x64xf32, #tpu.memory_space<hbm>>
    %dma_wait3A_134 = arith.constant 0 : i32
    %dma_wait3A_135 = arith.constant 0 : i32
    %dma_wait3A_136 = tpu.memref_slice %arg7[%dma_wait3A_122, %dma_wait3A_134, %dma_wait3A_135] : memref<4x200x64xf32, #tpu.memory_space<vmem>> -> memref<1x200x64xf32, #tpu.memory_space<vmem>>
    %dma_wait3A_137 = tpu.memref_squeeze %dma_wait3A_136 : memref<1x200x64xf32, #tpu.memory_space<vmem>> -> memref<200x64xf32, #tpu.memory_space<vmem>>
    tpu.wait_dma2 semaphore(%dma_wait3A_131 : memref<!tpu.dma_semaphore, #tpu.memory_space<semaphore_mem>>) src(%dma_wait3A_137 : memref<200x64xf32, #tpu.memory_space<vmem>>) dst(%dma_wait3A_133 : memref<200x64xf32, #tpu.memory_space<hbm>>)
    %add3A_138 = arith.constant 6200 : i32
    %add3A_139 = arith.addi %mul3A_2, %add3A_138 : i32
    %dma_wait3A_140 = arith.constant 3 : i32
    %dma_wait3A_141 = arith.constant 3 : i32
    %dma_wait3A_142 = arith.constant 0 : i32
    %dma_wait3A_143 = arith.constant 0 : i32
    %dma_wait3A_144 = tpu.memref_slice %arg7[%dma_wait3A_140, %dma_wait3A_142, %dma_wait3A_143] : memref<4x200x64xf32, #tpu.memory_space<vmem>> -> memref<1x200x64xf32, #tpu.memory_space<vmem>>
    %dma_wait3A_145 = tpu.memref_squeeze %dma_wait3A_144 : memref<1x200x64xf32, #tpu.memory_space<vmem>> -> memref<200x64xf32, #tpu.memory_space<vmem>>
    %dma_wait3A_146 = arith.constant 0 : i32
    %dma_wait3A_147 = tpu.memref_slice %arg5[%add3A_139, %dma_wait3A_146] : memref<204800x128xf32, #tpu.memory_space<hbm>> -> memref<200x64xf32, #tpu.memory_space<hbm>>
    %dma_wait3A_148 = tpu.memref_slice %arg10[%dma_wait3A_141] : memref<4x!tpu.dma_semaphore, #tpu.memory_space<semaphore_mem>> -> memref<1x!tpu.dma_semaphore, #tpu.memory_space<semaphore_mem>>
    %dma_wait3A_149 = tpu.memref_squeeze %dma_wait3A_148 : memref<1x!tpu.dma_semaphore, #tpu.memory_space<semaphore_mem>> -> memref<!tpu.dma_semaphore, #tpu.memory_space<semaphore_mem>>
    %dma_wait3A_150 = arith.constant 0 : i32
    %dma_wait3A_151 = tpu.memref_slice %arg5[%add3A_139, %dma_wait3A_150] : memref<204800x128xf32, #tpu.memory_space<hbm>> -> memref<200x64xf32, #tpu.memory_space<hbm>>
    %dma_wait3A_152 = arith.constant 0 : i32
    %dma_wait3A_153 = arith.constant 0 : i32
    %dma_wait3A_154 = tpu.memref_slice %arg7[%dma_wait3A_140, %dma_wait3A_152, %dma_wait3A_153] : memref<4x200x64xf32, #tpu.memory_space<vmem>> -> memref<1x200x64xf32, #tpu.memory_space<vmem>>
    %dma_wait3A_155 = tpu.memref_squeeze %dma_wait3A_154 : memref<1x200x64xf32, #tpu.memory_space<vmem>> -> memref<200x64xf32, #tpu.memory_space<vmem>>
    tpu.wait_dma2 semaphore(%dma_wait3A_149 : memref<!tpu.dma_semaphore, #tpu.memory_space<semaphore_mem>>) src(%dma_wait3A_155 : memref<200x64xf32, #tpu.memory_space<vmem>>) dst(%dma_wait3A_151 : memref<200x64xf32, #tpu.memory_space<hbm>>)
    return
  }
}

</mosaic_0001>

<sc_bundles>
// kernel: kernel.3.cloned.1.call-start
scs
__scs_entry_jumppad:
0x0: {  	(pc) =	sbr.rel $0x88, $3  }
0x1: {  	(tag) =	ssettag $0x0;
	lr =	simm.s32 $0x1  }
0x2: {  	[smem:$0x3F9E] =	sst lr;
	_ =	strace $0xD0000000  }
0x3: {  	_ = 	snop  }
0x4: {  	_ = 	snop  }
0x5: {  	_ = 	snop  }
0x6: {  	_ = 	snop  }
0x7: {  	_ = 	snop  }
__scs_overlays_trampoline_lowered:
0x8: {  	[smem:$0x3FAD] =	sst s0  }
0x9: {  	[smem:$0x3FAE] =	sst s1  }
0xa: {  	[smem:$0x3FAF] =	sst s2  }
0xb: {  	[smem:$0x3FB0] =	sst s3  }
0xc: {  	[smem:$0x3FB1] =	sst s4  }
0xd: {  	[smem:$0x3FB2] =	sst s5  }
0xe: {  	[smem:$0x3FB3] =	sst s6  }
0xf: {  	[smem:$0x3FB4] =	sst s7  }
0x10: {  	[smem:$0x3FB5] =	sst s8  }
0x11: {  	[smem:$0x3FB6] =	sst s9;
	s0 =	simm.s32 @!p0 $0x0  }
0x12: {  	s1 =	sld [smem:$0x3F9C];
	s0 =	simm.s32 @p0 $0x1  }
0x13: {  	[smem:$0x3FB7] =	sst s0;
	s0 =	simm.s32 @!p1 $0x0  }
0x14: {  	s2 =	sld [smem:$0x3F9B];
	s0 =	simm.s32 @p1 $0x1  }
0x15: {  	[smem:$0x3FB8] =	sst s0;
	s0 =	simm.s32 @!p2 $0x0  }
0x16: {  	s3 =	sld [smem:$0x3FDB];
	s0 =	simm.s32 @p2 $0x1  }
0x17: {  	s4 =	simm.s32 $0x1BF5;
	[smem:$0x3FBA] =	sst s0  }
0x18: {  	s0 =	sld [smem:$0x3F9D];
	_ =	swait.ge [sflag:s4], $0x0  }
0x19: {  	s7 =	sld [smem:$0x3F9E]  }
0x1a: {  	s8 =	sadd.s32 $0xFFFFE003, lr  }
0x1b: {  	s9 =	sadd.s32 $0xFFFFFEF7, lr;
	s5 =	simm.s32 $0xFFFFFFFF;
	p2 =	slt.u32 s8, $0xFFFFF086  }
0x1c: {  	p1 =	slt.u32 s9, $0xF7A;
	s5 =	simm.s32 @!p2 $0x0  }
0x1d: {  	s5 =	simm.s32 @p1 $0x1;
	p0 =	seq.s32 s7, s2  }
0x1e: {  	s7 =	smul.u32 @!p0 $0xF7A, s2;
	p2 =	seq.s32 @!p0 s5, $0x0  }
0x1f: {  	s9 =	smul.u32 $0xF7A, s1;
	s8 =	simm.s32 @!p0 $0x1BF5;
	p2 =	por !p2, p0  }
0x20: {  	[sflag:s8] =	ssyncset.s32 @!p0 $0xFFFFF086;
	s6 =	sadd.s32 @!p0 s3, s7;
	s7 =	simm.s32 @!p0 $0x108  }
0x21: {  	s3 =	sadd.s32 s3, s9;
	s6 =	sadd.s32 @!p0 $0x88, s6;
	s7 =	simm.s32 @p2 $0x1082  }
0x22: {  	[simem:s7], [sflag:s8] =	dma.local @!p0 [hbm:s6], $0xF7A  }
0x23: {  	s9 =	sor.u32 $0xD0000000, s2;
	s6 =	simm.s32 $0x108;
	_ =	swait.ge @!p0 [sflag:s8], $0x0  }
0x24: {  	s3 =	sadd.s32 $0x88, s3;
	s6 =	simm.s32 @!p1 $0x1082;
	[sflag:s4] =	ssyncset.s32 $0xFFFFF086  }
0x25: {  	[simem:s6], [sflag:s4] =	dma.local [hbm:s3], $0xF7A  }
0x26: {  	[smem:$0x3F9E] =	sst s1;
	(tag) =	ssettag s2;
	_ =	strace s9  }
0x27: {  	s1 =	sld [smem:$0x3FAE]  }
0x28: {  	s2 =	sld [smem:$0x3FAF]  }
0x29: {  	s4 =	sld [smem:$0x3FB1]  }
0x2a: {  	p0 =	seq.s32 s5, $0x0;
	s5 =	sld [smem:$0x3FB2]  }
0x2b: {  	s6 =	sld [smem:$0x3FB3]  }
0x2c: {  	s7 =	sld [smem:$0x3FB4]  }
0x2d: {  	s3 =	simm.s32 $0x108;
	s8 =	sld [smem:$0x3FB5]  }
0x2e: {  	s3 =	simm.s32 @!p0 $0x1082;
	s9 =	sld [smem:$0x3FB6]  }
0x2f: {  	lr =	sadd.s32 s0, s3;
	s0 =	sld [smem:$0x3FAD]  }
0x30: {  	s3 =	sld [smem:$0x3FB0]  }
0x31: {  	[smem:$0x3FB9] =	sst s10  }
0x32: {  	s10 =	sld [smem:$0x3FB7];
	_ =	sdelay $0x3  }
0x33: {  	p0 =	seq.s32 s10, $0x1;
	s10 =	sld [smem:$0x3FB9];
	_ =	sdelay $0x3  }
0x34: {  	[smem:$0x3FB9] =	sst s10  }
0x35: {  	s10 =	sld [smem:$0x3FB8];
	_ =	sdelay $0x3  }
0x36: {  	p1 =	seq.s32 s10, $0x1;
	s10 =	sld [smem:$0x3FB9];
	_ =	sdelay $0x3  }
0x37: {  	[smem:$0x3FB9] =	sst s10  }
0x38: {  	s10 =	sld [smem:$0x3FBA]  }
0x39: {  	_ = 	snop;
	(pc) =	sbr.ind lr, $3  }
0x3a: {  	_ = 	snop  }
0x3b: {  	_ = 	snop  }
0x3c: {  	p2 =	seq.s32 s10, $0x1;
	s10 =	sld [smem:$0x3FB9]  }
0x3d: {  	_ =	shalt  }
0x3e: {  	_ =	shalt  }
0x3f: {  	_ =	shalt  }
0x40: {  	_ =	shalt  }
0x41: {  	_ =	shalt  }
0x42: {  	_ =	shalt  }
0x43: {  	_ =	shalt  }
0x44: {  	_ =	shalt  }
0x45: {  	_ =	shalt  }
0x46: {  	_ =	shalt  }
0x47: {  	_ =	shalt  }
0x48: {  	_ =	shalt  }
0x49: {  	_ =	shalt  }
0x4a: {  	_ =	shalt  }
0x4b: {  	_ =	shalt  }
0x4c: {  	_ =	shalt  }
0x4d: {  	_ =	shalt  }
0x4e: {  	_ =	shalt  }
0x4f: {  	_ =	shalt  }
0x50: {  	_ =	shalt  }
0x51: {  	_ =	shalt  }
0x52: {  	_ =	shalt  }
0x53: {  	_ =	shalt  }
0x54: {  	_ =	shalt  }
0x55: {  	_ =	shalt  }
0x56: {  	_ =	shalt  }
0x57: {  	_ =	shalt  }
0x58: {  	_ =	shalt  }
0x59: {  	_ =	shalt  }
0x5a: {  	_ =	shalt  }
0x5b: {  	_ =	shalt  }
0x5c: {  	_ =	shalt  }
0x5d: {  	_ =	shalt  }
0x5e: {  	_ =	shalt  }
0x5f: {  	_ =	shalt  }
0x60: {  	_ =	shalt  }
0x61: {  	_ =	shalt  }
0x62: {  	_ =	shalt  }
0x63: {  	_ =	shalt  }
0x64: {  	_ =	shalt  }
0x65: {  	_ =	shalt  }
0x66: {  	_ =	shalt  }
0x67: {  	_ =	shalt  }
0x68: {  	_ =	shalt  }
0x69: {  	_ =	shalt  }
0x6a: {  	_ =	shalt  }
0x6b: {  	_ =	shalt  }
0x6c: {  	_ =	shalt  }
0x6d: {  	_ =	shalt  }
0x6e: {  	_ =	shalt  }
0x6f: {  	_ =	shalt  }
0x70: {  	_ =	shalt  }
0x71: {  	_ =	shalt  }
0x72: {  	_ =	shalt  }
0x73: {  	_ =	shalt  }
0x74: {  	_ =	shalt  }
0x75: {  	_ =	shalt  }
0x76: {  	_ =	shalt  }
0x77: {  	_ =	shalt  }
0x78: {  	_ =	shalt  }
0x79: {  	_ =	shalt  }
0x7a: {  	_ =	shalt  }
0x7b: {  	_ =	shalt  }
0x7c: {  	_ =	shalt  }
0x7d: {  	_ =	shalt  }
0x7e: {  	_ =	shalt  }
0x7f: {  	_ =	shalt  }
0x80: {  	_ =	shalt  }
0x81: {  	_ =	shalt  }
0x82: {  	_ =	shalt  }
0x83: {  	_ =	shalt  }
0x84: {  	_ =	shalt  }
0x85: {  	_ =	shalt  }
0x86: {  	_ =	shalt  }
0x87: {  	_ =	shalt  }
.Lfunc_end0:
.L_simem_size_0:
called_computation.1_lowered:
.L_overlay_start_0:
0x88: {  	s2 =	sld [smem:$0x3FD9]  }
0x89: {  	s3 =	sld [smem:$0x3FFE];
	_ =	sdelay $0x1  }
0x8a: {  	s1 =	srdreg.scid  }
0x8b: {  	s0 =	sand.u32 $0x1, s1  }
0x8c: {  	s16 =	sshll.u32 s0, $0xA;
	s2 =	sadd.s32 s3, s2  }
0x8d: {  	s2 =	sadd.s32 s2, s16  }
0x8e: {  	[smem:$0x3FC5] =	sst s2  }
0x8f: {  	_ = 	snop  }
0x90: {  	(tm) =	ssettm $0x1  }
0x91: {  	s17 =	sld [smem:$0x3FFB];
	_ =	sdelay $0x3  }
0x92: {  	_ =	strace s17  }
0x93: {  	s2 =	sld [smem:$0x3FFC];
	_ =	sdelay $0x3  }
0x94: {  	_ =	strace s2  }
0x95: {  	s2 =	sld [smem:$0x3FFD];
	_ =	sdelay $0x3  }
0x96: {  	_ =	strace s2  }
0x97: {  	_ =	strace $0x8FFFFFFF  }
0x98: {  	s18 =	sld [smem:$0x3FDB];
	_ =	sdelay $0x1  }
0x99: {  	s19 =	simm.s32 $_scs_section_size  }
0x9a: {  	s4 =	simm.s32 $_size__tile_overlayer_lowered;
	s5 =	simm.s32 $_tile_overlayer_lowered  }
0x9b: {  	s22 =	simm.s32 $0x1BFF;
	s21 =	sshll.u32 s5, $0x1;
	s2 =	sadd.s32 s19, s18  }
0x9c: {  	s6 =	simm.s32 $0x0;
	s20 =	sshll.u32 s4, $0x1;
	s4 =	sadd.s32 s21, s2  }
0x9d: {  	[timem:s6], [sflag:s22] =	dma.local [hbm:s4], s20  }
0x9e: {  	_ =	swait.ge [sflag:s22], s20  }
0x9f: {  	s3 =	ssub.s32 $0x0, s20;
	[sflag:s22] =	ssyncset.done $0x0  }
0xa0: {  	[sflag:s22] =	ssyncadd.s32 s3;
	_ =	sdelay $0x1  }
0xa1: {  	s23 =	simm.s32 $0x1B8B  }
0xa2: {  	_ =	swait.ge [sflag:s23], $0x1  }
0xa3: {  	[sflag:s23] =	ssyncset.done $0x0  }
0xa4: {  	s25 =	simm.s32 $0x1B8E;
	s24 =	sld [smem:$0x3FFE];
	[sflag:s23] =	ssyncadd.s32 $0xFFFFFFFF  }
0xa5: {  	s26 =	simm.s32 $execute0_lowered;
	[smem:$0x3FD2] =	sst s25  }
0xa6: {  	s4 =	sshll.u32 s26, $0x1;
	_ =	strace $0x80000046;
	[dreg:$0x1] =	wrdreg $0xFFFFFFFF  }
0xa7: {  	s28 =	simm.s32 $_size_execute0_lowered;
	s2 =	sadd.s32 s2, s4;
	[dreg:$0x0] =	wrdreg $0x0  }
0xa8: {  	s4 =	sshll.u32 s28, $0x1;
	[dreg:$0x2] =	wrdreg s2  }
0xa9: {  	[dreg:$0x3] =	wrdreg s4  }
0xaa: {  	[dreg:$0x4] =	wrdreg $0xC0  }
0xab: {  	_ =	task [dreg:s6], $0x5FFFF  }
0xac: {  	[dreg:$0x1] =	wrdreg $0xFFFFFFFF  }
0xad: {  	[dreg:$0x0] =	wrdreg $0x60  }
0xae: {  	[dreg:$0x2] =	wrdreg s24  }
0xaf: {  	[dreg:$0x3] =	wrdreg $0x9  }
0xb0: {  	_ =	task.clear_ibuf [dreg:s6], $0x4FFFF;
	_ =	strace $0x90000046  }
0xb1: {  	s29 =	simm.s32 $0x9;
	_ =	strace $0x80000048  }
0xb2: {  	_ =	swait.ge [sflag:s29], $0x1  }
0xb3: {  	[sflag:s29] =	ssyncadd.s32 $0xFFFFFFFF  }
0xb4: {  	_ =	strace $0x90000048  }
0xb5: {  	_ =	sfence  }
0xb6: {  	s30 =	sld [smem:$0x0];
	_ =	sdelay $0x2  }
0xb7: {  	s31 =	sshll.u32 s1, $0xD;
	s1 =	sshrl.u32 s1, $0x2  }
0xb8: {  	s3 =	sand.u32 $0x4000, s31;
	s1 =	sadd.s32 s1, s30  }
0xb9: {  	s0 =	sor.u32 s3, s0;
	s1 =	sshll.u32 s1, $0x11  }
0xba: {  	s0 =	sor.u32 s1, s0  }
0xbb: {  	s0 =	sadd.s32 $0x8F2B, s0  }
0xbc: {  	[sflag:s0] =	ssyncadd.remote.s32 $0x1  }
0xbd: {  	_ =	sfence.sel $0xFFFF  }
0xbe: {  	[dreg:$0x0] =	wrdreg $0xFFFFFFFF;
	(pc) =	sbr.abs _section_cstart, $3  }
0xbf: {  	[dreg:$0x1] =	wrdreg $0xFFFFFFFF  }
0xc0: {  	_ =	task.clear_ibuf [dreg:s6], $0x2FFFF;
	_ =	strace $0x9FFFFFFF  }
0xc1: {  	(tm) =	ssettm $0x7FFFFFFF  }
tec
execute0_lowered:
.L_overlay_start_1:
0x0: {  	(tag) =	ssettag $0x1  }
0x1: {  	s0 =	srdreg.scid  }
0x2: {  	s1 =	stileid.u32;
	s5 =	rddreg [dreg:$0x0]  }
0x3: {  	s2 =	simm.s32 $0x0;
	s11 =	simm.s32 $0x9;
	s13 =	simm.s32 $0x80  }
0x4: {  	s14 =	simm.s32 $0x1900;
	s15 =	simm.s32 $0x48;
	s18 =	simm.s32 $0x4B00  }
0x5: {  	s22 =	simm.s32 $0x7D00;
	s24 =	simm.s32 $0x9D00;
	s25 =	simm.s32 $0x1  }
0x6: {  	s26 =	simm.s32 $0x40;
	s28 =	simm.s32 $0xAF00;
	s29 =	simm.s32 $0xCF00  }
0x7: {  	s30 =	simm.s32 $0x2;
	s31 =	simm.s32 $0x3;
	s12 =	simm.s32 $0x6  }
0x8: {  	s16 =	simm.s32 $0x7;
	s17 =	simm.s32 $0x8;
	s19 =	simm.s32 $0x0  }
0x9: {  	s0 =	sand.u32 $0x1, s0;
	s1 =	sshll.u32 s1, $0x1;
	[smem:$0x7FF] =	sst s2  }
0xa: {  	s4 =	sadd.s32 $0x7400, s5;
	s6 =	sadd.s32 $0x800, s5;
	s1 =	sor.u32 s0, s1  }
0xb: {  	_ =	strace $0x80000047;
	s0 =	ssub.s32 $0x2, s0;
	s3 =	smul.u32 $0x1900, s1  }
.Ltmp0:
0xc: {  	[dreg:$0x2] =	wrdreg s6;
	s7 =	sshrl.u32 s0, $0x1;
	(pc) =	sbr.rel .LBB2_1-.Ltmp0, $4  }
0xd: {  	s6 =	sadd.s32 $0xCAA00, s5;
	s0 =	ssub.s32 s0, s7;
	s1 =	sshrl.u32 s3, $0x3  }
0xe: {  	s8 =	sor.u32 $0xC8, s3;
	s0 =	smax.u32 s0, $0x1;
	s1 =	sadd.s32 s1, s5  }
0xf: {  	s9 =	sadd.s32 $0x190, s3;
	[dreg:$0x4] =	wrdreg s0;
	s1 =	sadd.s32 $0x1000, s1  }
0x10: {  	s0 =	simm.s32 $0x5;
	[dreg:$0x3] =	wrdreg s1;
	s1 =	simm.s32 $0x4  }
.LBB2_12:
0x11: {  	_ =	swait.ge [sflag:s0], $0x3200  }
0x12: {  	[sflag:s0] =	ssyncset.done $0x0  }
0x13: {  	[sflag:s0] =	ssyncadd.s32 $0xFFFFCE00  }
0x14: {  	_ =	swait.ge [sflag:s12], $0x3200  }
0x15: {  	[sflag:s12] =	ssyncset.done $0x0  }
0x16: {  	[sflag:s12] =	ssyncadd.s32 $0xFFFFCE00  }
0x17: {  	_ =	swait.ge [sflag:s16], $0x3200  }
0x18: {  	[sflag:s16] =	ssyncset.done $0x0  }
0x19: {  	[sflag:s16] =	ssyncadd.s32 $0xFFFFCE00  }
0x1a: {  	_ =	swait.ge [sflag:s17], $0x3200  }
0x1b: {  	s19 =	sadd.s32 $0x1, s19;
	s5 =	rddreg [dreg:$0x4]  }
0x1c: {  	p0 =	sne.s32 s19, s5  }
.Ltmp1:
0x1d: {  	_ = 	snop;
	(pc) =	sbr.rel @!p0 .LBB2_13-.Ltmp1, $3  }
0x1e: {  	_ =	sdelay $0x1  }
0x1f: {  	[sflag:s17] =	ssyncset.done $0x0  }
0x20: {  	[sflag:s17] =	ssyncadd.s32 $0xFFFFCE00  }
.LBB2_1:
0x21: {  	s5 =	rddreg [dreg:$0x3]  }
0x22: {  	[tilespmem:s2], [sflag:$0x9] =	stream.linear.gather [hbm4b:s5+s2], $0x1900, $0x38;
	[tilespmem:$0x11300] =	vst v63  }
0x23: {  	_ =	swait.ge [sflag:s11], $0x1900  }
0x24: {  	[sflag:s11] =	ssyncset.done $0x0  }
0x25: {  	s7 =	simm.s32 $0xE100;
	s21 =	rddreg [dreg:$0x2];
	[sflag:s11] =	ssyncadd.s32 $0xFFFFE700  }
0x26: {  	[tilespmem:s7], [sflag:$0x9] =	stream.linear.gather [hbm4b:s21+s2], $0x3200, $0x38;
	[tilespmem:$0x11300] =	vst v63  }
0x27: {  	_ =	swait.ge [sflag:s11], $0x3200  }
0x28: {  	[sflag:s11] =	ssyncset.done $0x0  }
0x29: {  	[sflag:s11] =	ssyncadd.s32 $0xFFFFCE00  }
0x2a: {  	[tilespmem:s14], [sflag:$0x1] =	stream.indirect.gather [hbm4b:s4+s13], $0x40, s2, s13, $0xb8;
	[tilespmem:$0x11300] =	vst v63  }
0x2b: {  	s23 =	simm.s32 $0x3900  }
0x2c: {  	[tilespmem:s23], [sflag:$0x1] =	stream.indirect.gather [hbm4b:s4+s15], $0x40, s13, s15, $0xb8;
	[tilespmem:$0x11300] =	vst v63  }
0x2d: {  	s7 =	simm.s32 $0xC8  }
0x2e: {  	[tilespmem:s18], [sflag:$0x2] =	stream.indirect.gather [hbm4b:s4+s13], $0x40, s7, s13, $0xb8;
	[tilespmem:$0x11300] =	vst v63  }
0x2f: {  	s10 =	simm.s32 $0x148;
	s20 =	simm.s32 $0x6B00  }
0x30: {  	[tilespmem:s20], [sflag:$0x2] =	stream.indirect.gather [hbm4b:s4+s15], $0x40, s10, s15, $0xb8;
	[tilespmem:$0x11300] =	vst v63  }
0x31: {  	s21 =	simm.s32 $0x190  }
0x32: {  	[tilespmem:s22], [sflag:$0x3] =	stream.indirect.gather [hbm4b:s4+s13], $0x40, s21, s13, $0xb8;
	[tilespmem:$0x11300] =	vst v63  }
0x33: {  	s23 =	simm.s32 $0x210;
	s20 =	simm.s32 $0x0  }
0x34: {  	[tilespmem:s24], [sflag:$0x3] =	stream.indirect.gather [hbm4b:s4+s15], $0x40, s23, s15, $0xb8;
	[tilespmem:$0x11300] =	vst v63  }
.LBB2_2:
0x35: {  	_ =	swait.ge [sflag:s25], $0x2000  }
0x36: {  	[sflag:s25] =	ssyncset.done $0x0  }
0x37: {  	[sflag:s25] =	ssyncadd.s32 $0xFFFFE000  }
0x38: {  	_ =	swait.ge [sflag:s25], $0x1200  }
0x39: {  	[sflag:s25] =	ssyncset.done $0x0  }
0x3a: {  	s23 =	simm.s32 $0x0;
	s5 =	simm.s32 $0x400;
	[sflag:s25] =	ssyncadd.s32 $0xFFFFEE00  }
.LBB2_3:
0x3b: {  	p0 =	sne.s32 s5, $0xC400;
	v0 =	vld [tilespmem:s23+$0xE1F0]  }
0x3c: {  	v1 =	vld [tilespmem:s23+$0xE100]  }
0x3d: {  	v2 =	vld [tilespmem:s23+$0xE110]  }
0x3e: {  	v3 =	vld [tilespmem:s23+$0xE120]  }
0x3f: {  	v4 =	vld [tilespmem:s23+$0xE130]  }
0x40: {  	[tilespmem:s23+$0x19F0] =	vst.add.f32.msk $0xffff, v0  }
0x41: {  	v0 =	vld [tilespmem:s23+$0xE140]  }
0x42: {  	v5 =	vld [tilespmem:s23+$0xE150]  }
0x43: {  	v6 =	vld [tilespmem:s23+$0xE160]  }
0x44: {  	v7 =	vld [tilespmem:s23+$0xE170]  }
0x45: {  	v8 =	vld [tilespmem:s23+$0xE180]  }
0x46: {  	v9 =	vld [tilespmem:s23+$0xE190]  }
0x47: {  	v10 =	vld [tilespmem:s23+$0xE1A0]  }
0x48: {  	v11 =	vld [tilespmem:s23+$0xE1B0]  }
0x49: {  	v12 =	vld [tilespmem:s23+$0xE1C0]  }
0x4a: {  	v13 =	vld [tilespmem:s23+$0xE1D0]  }
0x4b: {  	v14 =	vld [tilespmem:s23+$0xE1E0]  }
0x4c: {  	[tilespmem:s23+$0x1900] =	vst.add.f32.msk $0xffff, v1  }
0x4d: {  	[tilespmem:s23+$0x1910] =	vst.add.f32.msk $0xffff, v2  }
0x4e: {  	[tilespmem:s23+$0x1920] =	vst.add.f32.msk $0xffff, v3  }
0x4f: {  	[tilespmem:s23+$0x1930] =	vst.add.f32.msk $0xffff, v4  }
0x50: {  	[tilespmem:s23+$0x1940] =	vst.add.f32.msk $0xffff, v0  }
0x51: {  	[tilespmem:s23+$0x1950] =	vst.add.f32.msk $0xffff, v5  }
0x52: {  	[tilespmem:s23+$0x1960] =	vst.add.f32.msk $0xffff, v6  }
0x53: {  	[tilespmem:s23+$0x1970] =	vst.add.f32.msk $0xffff, v7  }
0x54: {  	[tilespmem:s23+$0x1980] =	vst.add.f32.msk $0xffff, v8  }
0x55: {  	[tilespmem:s23+$0x1990] =	vst.add.f32.msk $0xffff, v9  }
.Ltmp2:
0x56: {  	[tilespmem:s23+$0x19A0] =	vst.add.f32.msk $0xffff, v10;
	(pc) =	sbr.rel @p0 .LBB2_3-.Ltmp2, $4  }
0x57: {  	[tilespmem:s23+$0x19B0] =	vst.add.f32.msk $0xffff, v11  }
0x58: {  	[tilespmem:s23+$0x19C0] =	vst.add.f32.msk $0xffff, v12  }
0x59: {  	[tilespmem:s23+$0x19D0] =	vst.add.f32.msk $0xffff, v13  }
0x5a: {  	[tilespmem:s23+$0x19E0] =	vst.add.f32.msk $0xffff, v14;
	s23 =	sshra.s32 s5, $0x2;
	s5 =	sadd.s32 $0x400, s5  }
0x5b: {  	v0 =	vld [tilespmem:s23+$0xE1F0]  }
0x5c: {  	v1 =	vld [tilespmem:s23+$0xE100]  }
0x5d: {  	v2 =	vld [tilespmem:s23+$0xE110]  }
0x5e: {  	v3 =	vld [tilespmem:s23+$0xE120]  }
0x5f: {  	v4 =	vld [tilespmem:s23+$0xE130]  }
0x60: {  	v63 =	vld [tilespmem:s23+$0xE140]  }
0x61: {  	v5 =	vld [tilespmem:s23+$0xE150]  }
0x62: {  	v6 =	vld [tilespmem:s23+$0xE160]  }
0x63: {  	v7 =	vld [tilespmem:s23+$0xE170]  }
0x64: {  	v8 =	vld [tilespmem:s23+$0xE180]  }
0x65: {  	v9 =	vld [tilespmem:s23+$0xE190]  }
0x66: {  	v10 =	vld [tilespmem:s23+$0xE1A0]  }
0x67: {  	v11 =	vld [tilespmem:s23+$0xE1B0]  }
0x68: {  	v12 =	vld [tilespmem:s23+$0xE1C0]  }
0x69: {  	v13 =	vld [tilespmem:s23+$0xE1D0]  }
0x6a: {  	v14 =	vld [tilespmem:s23+$0xE1E0]  }
0x6b: {  	[tilespmem:s23+$0x19F0] =	vst.add.f32.msk $0xffff, v0  }
0x6c: {  	[tilespmem:s23+$0x1900] =	vst.add.f32.msk $0xffff, v1  }
0x6d: {  	[tilespmem:s23+$0x1910] =	vst.add.f32.msk $0xffff, v2  }
0x6e: {  	[tilespmem:s23+$0x1920] =	vst.add.f32.msk $0xffff, v3  }
0x6f: {  	[tilespmem:s23+$0x1930] =	vst.add.f32.msk $0xffff, v4  }
0x70: {  	[tilespmem:s23+$0x1940] =	vst.add.f32.msk $0xffff, v63  }
0x71: {  	[tilespmem:s23+$0x1950] =	vst.add.f32.msk $0xffff, v5  }
0x72: {  	[tilespmem:s23+$0x1960] =	vst.add.f32.msk $0xffff, v6  }
0x73: {  	[tilespmem:s23+$0x1970] =	vst.add.f32.msk $0xffff, v7  }
0x74: {  	[tilespmem:s23+$0x1980] =	vst.add.f32.msk $0xffff, v8  }
0x75: {  	[tilespmem:s23+$0x1990] =	vst.add.f32.msk $0xffff, v9  }
0x76: {  	s21 =	smul.u32 $0x320, s20;
	[tilespmem:s23+$0x19A0] =	vst.add.f32.msk $0xffff, v10  }
0x77: {  	[tilespmem:s23+$0x19B0] =	vst.add.f32.msk $0xffff, v11  }
0x78: {  	s5 =	sadd.s32 s3, s21;
	[tilespmem:s23+$0x19C0] =	vst.add.f32.msk $0xffff, v12  }
0x79: {  	s5 =	sshll.u32 s5, $0x4;
	[tilespmem:s23+$0x19D0] =	vst.add.f32.msk $0xffff, v13  }
0x7a: {  	p0 =	seq.s32 s20, $0x0;
	s5 =	sadd.s32 s6, s5;
	[tilespmem:s23+$0x19E0] =	vst.add.f32.msk $0xffff, v14  }
0x7b: {  	[hbm4b:s5+s26] =	stream.strided.scatter [tilespmem:s14], [sflag:$0x5], $0x3200, s13, s26, $0x38;
	[tilespmem:$0x11300] =	vst v63  }
0x7c: {  	s5 =	simm.s32 @!p0 $0x8  }
0x7d: {  	_ =	swait.ge @!p0 [sflag:s5], $0x3200  }
0x7e: {  	[sflag:s5] =	ssyncset.done @!p0 $0x0  }
0x7f: {  	s23 =	sadd.s32 $0x258, s21;
	[sflag:s5] =	ssyncadd.s32 @!p0 $0xFFFFCE00  }
0x80: {  	[tilespmem:s28], [sflag:$0x4] =	stream.indirect.gather [hbm4b:s4+s13], $0x40, s23, s13, $0xb8;
	[tilespmem:$0x11300] =	vst v63  }
0x81: {  	s10 =	sadd.s32 $0x2D8, s21  }
0x82: {  	[tilespmem:s29], [sflag:$0x4] =	stream.indirect.gather [hbm4b:s4+s15], $0x40, s10, s15, $0xb8;
	[tilespmem:$0x11300] =	vst v63  }
0x83: {  	_ =	swait.ge [sflag:s30], $0x2000  }
0x84: {  	[sflag:s30] =	ssyncset.done $0x0  }
0x85: {  	[sflag:s30] =	ssyncadd.s32 $0xFFFFE000  }
0x86: {  	_ =	swait.ge [sflag:s30], $0x1200  }
0x87: {  	[sflag:s30] =	ssyncset.done $0x0  }
0x88: {  	s7 =	simm.s32 $0x400;
	s5 =	simm.s32 $0x0;
	[sflag:s30] =	ssyncadd.s32 $0xFFFFEE00  }
.LBB2_5:
0x89: {  	p0 =	sne.s32 s7, $0xC400;
	v0 =	vld [tilespmem:s5+$0xE1F0]  }
0x8a: {  	v1 =	vld [tilespmem:s5+$0xE100]  }
0x8b: {  	v2 =	vld [tilespmem:s5+$0xE110]  }
0x8c: {  	v3 =	vld [tilespmem:s5+$0xE120]  }
0x8d: {  	v4 =	vld [tilespmem:s5+$0xE130]  }
0x8e: {  	[tilespmem:s5+$0x4BF0] =	vst.add.f32.msk $0xffff, v0  }
0x8f: {  	v0 =	vld [tilespmem:s5+$0xE140]  }
0x90: {  	v5 =	vld [tilespmem:s5+$0xE150]  }
0x91: {  	v6 =	vld [tilespmem:s5+$0xE160]  }
0x92: {  	v7 =	vld [tilespmem:s5+$0xE170]  }
0x93: {  	v8 =	vld [tilespmem:s5+$0xE180]  }
0x94: {  	v9 =	vld [tilespmem:s5+$0xE190]  }
0x95: {  	v10 =	vld [tilespmem:s5+$0xE1A0]  }
0x96: {  	v11 =	vld [tilespmem:s5+$0xE1B0]  }
0x97: {  	v12 =	vld [tilespmem:s5+$0xE1C0]  }
0x98: {  	v13 =	vld [tilespmem:s5+$0xE1D0]  }
0x99: {  	v14 =	vld [tilespmem:s5+$0xE1E0]  }
0x9a: {  	[tilespmem:s5+$0x4B00] =	vst.add.f32.msk $0xffff, v1  }
0x9b: {  	[tilespmem:s5+$0x4B10] =	vst.add.f32.msk $0xffff, v2  }
0x9c: {  	[tilespmem:s5+$0x4B20] =	vst.add.f32.msk $0xffff, v3  }
0x9d: {  	[tilespmem:s5+$0x4B30] =	vst.add.f32.msk $0xffff, v4  }
0x9e: {  	[tilespmem:s5+$0x4B40] =	vst.add.f32.msk $0xffff, v0  }
0x9f: {  	[tilespmem:s5+$0x4B50] =	vst.add.f32.msk $0xffff, v5  }
0xa0: {  	[tilespmem:s5+$0x4B60] =	vst.add.f32.msk $0xffff, v6  }
0xa1: {  	[tilespmem:s5+$0x4B70] =	vst.add.f32.msk $0xffff, v7  }
0xa2: {  	[tilespmem:s5+$0x4B80] =	vst.add.f32.msk $0xffff, v8  }
0xa3: {  	[tilespmem:s5+$0x4B90] =	vst.add.f32.msk $0xffff, v9  }
.Ltmp3:
0xa4: {  	[tilespmem:s5+$0x4BA0] =	vst.add.f32.msk $0xffff, v10;
	(pc) =	sbr.rel @p0 .LBB2_5-.Ltmp3, $4  }
0xa5: {  	[tilespmem:s5+$0x4BB0] =	vst.add.f32.msk $0xffff, v11  }
0xa6: {  	[tilespmem:s5+$0x4BC0] =	vst.add.f32.msk $0xffff, v12  }
0xa7: {  	[tilespmem:s5+$0x4BD0] =	vst.add.f32.msk $0xffff, v13  }
0xa8: {  	[tilespmem:s5+$0x4BE0] =	vst.add.f32.msk $0xffff, v14;
	s5 =	sshra.s32 s7, $0x2;
	s7 =	sadd.s32 $0x400, s7  }
0xa9: {  	v0 =	vld [tilespmem:s5+$0xE1F0]  }
0xaa: {  	v1 =	vld [tilespmem:s5+$0xE100]  }
0xab: {  	v2 =	vld [tilespmem:s5+$0xE110]  }
0xac: {  	v3 =	vld [tilespmem:s5+$0xE120]  }
0xad: {  	v4 =	vld [tilespmem:s5+$0xE130]  }
0xae: {  	v63 =	vld [tilespmem:s5+$0xE140]  }
0xaf: {  	v5 =	vld [tilespmem:s5+$0xE150]  }
0xb0: {  	v6 =	vld [tilespmem:s5+$0xE160]  }
0xb1: {  	v7 =	vld [tilespmem:s5+$0xE170]  }
0xb2: {  	v8 =	vld [tilespmem:s5+$0xE180]  }
0xb3: {  	v9 =	vld [tilespmem:s5+$0xE190]  }
0xb4: {  	v10 =	vld [tilespmem:s5+$0xE1A0]  }
0xb5: {  	v11 =	vld [tilespmem:s5+$0xE1B0]  }
0xb6: {  	v12 =	vld [tilespmem:s5+$0xE1C0]  }
0xb7: {  	v13 =	vld [tilespmem:s5+$0xE1D0]  }
0xb8: {  	v14 =	vld [tilespmem:s5+$0xE1E0]  }
0xb9: {  	[tilespmem:s5+$0x4BF0] =	vst.add.f32.msk $0xffff, v0  }
0xba: {  	[tilespmem:s5+$0x4B00] =	vst.add.f32.msk $0xffff, v1  }
0xbb: {  	[tilespmem:s5+$0x4B10] =	vst.add.f32.msk $0xffff, v2  }
0xbc: {  	[tilespmem:s5+$0x4B20] =	vst.add.f32.msk $0xffff, v3  }
0xbd: {  	[tilespmem:s5+$0x4B30] =	vst.add.f32.msk $0xffff, v4  }
0xbe: {  	[tilespmem:s5+$0x4B40] =	vst.add.f32.msk $0xffff, v63  }
0xbf: {  	[tilespmem:s5+$0x4B50] =	vst.add.f32.msk $0xffff, v5  }
0xc0: {  	[tilespmem:s5+$0x4B60] =	vst.add.f32.msk $0xffff, v6  }
0xc1: {  	[tilespmem:s5+$0x4B70] =	vst.add.f32.msk $0xffff, v7  }
0xc2: {  	[tilespmem:s5+$0x4B80] =	vst.add.f32.msk $0xffff, v8  }
0xc3: {  	[tilespmem:s5+$0x4B90] =	vst.add.f32.msk $0xffff, v9  }
0xc4: {  	[tilespmem:s5+$0x4BA0] =	vst.add.f32.msk $0xffff, v10  }
0xc5: {  	s7 =	sadd.s32 s21, s8;
	[tilespmem:s5+$0x4BB0] =	vst.add.f32.msk $0xffff, v11  }
0xc6: {  	s7 =	sshll.u32 s7, $0x4;
	[tilespmem:s5+$0x4BC0] =	vst.add.f32.msk $0xffff, v12  }
0xc7: {  	p0 =	seq.s32 s20, $0x7;
	s7 =	sand.u32 $0x1FFFFE80, s7;
	[tilespmem:s5+$0x4BD0] =	vst.add.f32.msk $0xffff, v13  }
0xc8: {  	s10 =	sadd.s32 s6, s7;
	[tilespmem:s5+$0x4BE0] =	vst.add.f32.msk $0xffff, v14;
	s5 =	simm.s32 @!p0 $0x5  }
0xc9: {  	[hbm4b:s10+s26] =	stream.strided.scatter [tilespmem:s18], [sflag:$0x6], $0x3200, s13, s26, $0x38;
	[tilespmem:$0x11300] =	vst v63  }
0xca: {  	_ =	swait.ge @!p0 [sflag:s5], $0x3200  }
0xcb: {  	s7 =	simm.s32 @!p0 $0x80;
	[sflag:s5] =	ssyncset.done @!p0 $0x0  }
0xcc: {  	s10 =	simm.s32 @!p0 $0x1900;
	[sflag:s5] =	ssyncadd.s32 @!p0 $0xFFFFCE00;
	s5 =	sadd.s32 @!p0 $0x320, s21  }
0xcd: {  	[tilespmem:s10], [sflag:$0x1] =	stream.indirect.gather @!p0 [hbm4b:s4+s7], $0x40, s5, s7, $0xb8;
	[tilespmem:$0x11300] =	vst v63  }
0xce: {  	s5 =	sadd.s32 @!p0 $0x3A0, s21;
	s7 =	simm.s32 @!p0 $0x48;
	s10 =	simm.s32 @!p0 $0x3900  }
0xcf: {  	[tilespmem:s10], [sflag:$0x1] =	stream.indirect.gather @!p0 [hbm4b:s4+s7], $0x40, s5, s7, $0xb8;
	[tilespmem:$0x11300] =	vst v63  }
0xd0: {  	_ =	swait.ge [sflag:s31], $0x2000  }
0xd1: {  	[sflag:s31] =	ssyncset.done $0x0  }
0xd2: {  	[sflag:s31] =	ssyncadd.s32 $0xFFFFE000  }
0xd3: {  	_ =	swait.ge [sflag:s31], $0x1200  }
0xd4: {  	[sflag:s31] =	ssyncset.done $0x0  }
0xd5: {  	s5 =	simm.s32 $0x0;
	s7 =	simm.s32 $0x400;
	[sflag:s31] =	ssyncadd.s32 $0xFFFFEE00  }
.LBB2_7:
0xd6: {  	p1 =	sne.s32 s7, $0xC400;
	v0 =	vld [tilespmem:s5+$0xE1F0]  }
0xd7: {  	v1 =	vld [tilespmem:s5+$0xE100]  }
0xd8: {  	v2 =	vld [tilespmem:s5+$0xE110]  }
0xd9: {  	v3 =	vld [tilespmem:s5+$0xE120]  }
0xda: {  	v4 =	vld [tilespmem:s5+$0xE130]  }
0xdb: {  	[tilespmem:s5+$0x7DF0] =	vst.add.f32.msk $0xffff, v0  }
0xdc: {  	v0 =	vld [tilespmem:s5+$0xE140]  }
0xdd: {  	v5 =	vld [tilespmem:s5+$0xE150]  }
0xde: {  	v6 =	vld [tilespmem:s5+$0xE160]  }
0xdf: {  	v7 =	vld [tilespmem:s5+$0xE170]  }
0xe0: {  	v8 =	vld [tilespmem:s5+$0xE180]  }
0xe1: {  	v9 =	vld [tilespmem:s5+$0xE190]  }
0xe2: {  	v10 =	vld [tilespmem:s5+$0xE1A0]  }
0xe3: {  	v11 =	vld [tilespmem:s5+$0xE1B0]  }
0xe4: {  	v12 =	vld [tilespmem:s5+$0xE1C0]  }
0xe5: {  	v13 =	vld [tilespmem:s5+$0xE1D0]  }
0xe6: {  	v14 =	vld [tilespmem:s5+$0xE1E0]  }
0xe7: {  	[tilespmem:s5+$0x7D00] =	vst.add.f32.msk $0xffff, v1  }
0xe8: {  	[tilespmem:s5+$0x7D10] =	vst.add.f32.msk $0xffff, v2  }
0xe9: {  	[tilespmem:s5+$0x7D20] =	vst.add.f32.msk $0xffff, v3  }
0xea: {  	[tilespmem:s5+$0x7D30] =	vst.add.f32.msk $0xffff, v4  }
0xeb: {  	[tilespmem:s5+$0x7D40] =	vst.add.f32.msk $0xffff, v0  }
0xec: {  	[tilespmem:s5+$0x7D50] =	vst.add.f32.msk $0xffff, v5  }
0xed: {  	[tilespmem:s5+$0x7D60] =	vst.add.f32.msk $0xffff, v6  }
0xee: {  	[tilespmem:s5+$0x7D70] =	vst.add.f32.msk $0xffff, v7  }
0xef: {  	[tilespmem:s5+$0x7D80] =	vst.add.f32.msk $0xffff, v8  }
0xf0: {  	[tilespmem:s5+$0x7D90] =	vst.add.f32.msk $0xffff, v9  }
.Ltmp4:
0xf1: {  	[tilespmem:s5+$0x7DA0] =	vst.add.f32.msk $0xffff, v10;
	(pc) =	sbr.rel @p1 .LBB2_7-.Ltmp4, $4  }
0xf2: {  	[tilespmem:s5+$0x7DB0] =	vst.add.f32.msk $0xffff, v11  }
0xf3: {  	[tilespmem:s5+$0x7DC0] =	vst.add.f32.msk $0xffff, v12  }
0xf4: {  	[tilespmem:s5+$0x7DD0] =	vst.add.f32.msk $0xffff, v13  }
0xf5: {  	[tilespmem:s5+$0x7DE0] =	vst.add.f32.msk $0xffff, v14;
	s5 =	sshra.s32 s7, $0x2;
	s7 =	sadd.s32 $0x400, s7  }
0xf6: {  	v0 =	vld [tilespmem:s5+$0xE1F0]  }
0xf7: {  	v1 =	vld [tilespmem:s5+$0xE100]  }
0xf8: {  	v2 =	vld [tilespmem:s5+$0xE110]  }
0xf9: {  	v3 =	vld [tilespmem:s5+$0xE120]  }
0xfa: {  	v4 =	vld [tilespmem:s5+$0xE130]  }
0xfb: {  	v63 =	vld [tilespmem:s5+$0xE140]  }
0xfc: {  	v5 =	vld [tilespmem:s5+$0xE150]  }
0xfd: {  	v6 =	vld [tilespmem:s5+$0xE160]  }
0xfe: {  	v7 =	vld [tilespmem:s5+$0xE170]  }
0xff: {  	v8 =	vld [tilespmem:s5+$0xE180]  }
0x100: {  	v9 =	vld [tilespmem:s5+$0xE190]  }
0x101: {  	v10 =	vld [tilespmem:s5+$0xE1A0]  }
0x102: {  	v11 =	vld [tilespmem:s5+$0xE1B0]  }
0x103: {  	v12 =	vld [tilespmem:s5+$0xE1C0]  }
0x104: {  	v13 =	vld [tilespmem:s5+$0xE1D0]  }
0x105: {  	v14 =	vld [tilespmem:s5+$0xE1E0]  }
0x106: {  	[tilespmem:s5+$0x7DF0] =	vst.add.f32.msk $0xffff, v0  }
0x107: {  	[tilespmem:s5+$0x7D00] =	vst.add.f32.msk $0xffff, v1  }
0x108: {  	[tilespmem:s5+$0x7D10] =	vst.add.f32.msk $0xffff, v2  }
0x109: {  	[tilespmem:s5+$0x7D20] =	vst.add.f32.msk $0xffff, v3  }
0x10a: {  	[tilespmem:s5+$0x7D30] =	vst.add.f32.msk $0xffff, v4  }
0x10b: {  	[tilespmem:s5+$0x7D40] =	vst.add.f32.msk $0xffff, v63  }
0x10c: {  	[tilespmem:s5+$0x7D50] =	vst.add.f32.msk $0xffff, v5  }
0x10d: {  	[tilespmem:s5+$0x7D60] =	vst.add.f32.msk $0xffff, v6  }
0x10e: {  	[tilespmem:s5+$0x7D70] =	vst.add.f32.msk $0xffff, v7  }
0x10f: {  	[tilespmem:s5+$0x7D80] =	vst.add.f32.msk $0xffff, v8  }
0x110: {  	[tilespmem:s5+$0x7D90] =	vst.add.f32.msk $0xffff, v9  }
0x111: {  	[tilespmem:s5+$0x7DA0] =	vst.add.f32.msk $0xffff, v10  }
0x112: {  	s7 =	sadd.s32 s21, s9;
	[tilespmem:s5+$0x7DB0] =	vst.add.f32.msk $0xffff, v11  }
0x113: {  	s7 =	sshll.u32 s7, $0x4;
	[tilespmem:s5+$0x7DC0] =	vst.add.f32.msk $0xffff, v12  }
0x114: {  	s7 =	sand.u32 $0x1FFFFF00, s7;
	[tilespmem:s5+$0x7DD0] =	vst.add.f32.msk $0xffff, v13  }
0x115: {  	s10 =	sadd.s32 s6, s7;
	[tilespmem:s5+$0x7DE0] =	vst.add.f32.msk $0xffff, v14;
	s5 =	simm.s32 @!p0 $0x6  }
0x116: {  	[hbm4b:s10+s26] =	stream.strided.scatter [tilespmem:s22], [sflag:$0x7], $0x3200, s13, s26, $0x38;
	[tilespmem:$0x11300] =	vst v63  }
0x117: {  	_ =	swait.ge @!p0 [sflag:s5], $0x3200  }
0x118: {  	s7 =	simm.s32 @!p0 $0x80;
	[sflag:s5] =	ssyncset.done @!p0 $0x0  }
0x119: {  	s10 =	simm.s32 @!p0 $0x4B00;
	[sflag:s5] =	ssyncadd.s32 @!p0 $0xFFFFCE00;
	s5 =	sadd.s32 @!p0 $0x3E8, s21  }
0x11a: {  	[tilespmem:s10], [sflag:$0x2] =	stream.indirect.gather @!p0 [hbm4b:s4+s7], $0x40, s5, s7, $0xb8;
	[tilespmem:$0x11300] =	vst v63  }
0x11b: {  	s5 =	sadd.s32 @!p0 $0x468, s21;
	s7 =	simm.s32 @!p0 $0x48;
	s10 =	simm.s32 @!p0 $0x6B00  }
0x11c: {  	[tilespmem:s10], [sflag:$0x2] =	stream.indirect.gather @!p0 [hbm4b:s4+s7], $0x40, s5, s7, $0xb8;
	[tilespmem:$0x11300] =	vst v63  }
0x11d: {  	_ =	swait.ge [sflag:s1], $0x2000  }
0x11e: {  	[sflag:s1] =	ssyncset.done $0x0  }
0x11f: {  	[sflag:s1] =	ssyncadd.s32 $0xFFFFE000  }
0x120: {  	_ =	swait.ge [sflag:s1], $0x1200  }
0x121: {  	[sflag:s1] =	ssyncset.done $0x0  }
0x122: {  	s5 =	simm.s32 $0x0;
	s7 =	simm.s32 $0x400;
	[sflag:s1] =	ssyncadd.s32 $0xFFFFEE00  }
.LBB2_9:
0x123: {  	p1 =	sne.s32 s7, $0xC400;
	v0 =	vld [tilespmem:s5+$0xE1F0]  }
0x124: {  	v1 =	vld [tilespmem:s5+$0xE100]  }
0x125: {  	v2 =	vld [tilespmem:s5+$0xE110]  }
0x126: {  	v3 =	vld [tilespmem:s5+$0xE120]  }
0x127: {  	v4 =	vld [tilespmem:s5+$0xE130]  }
0x128: {  	[tilespmem:s5+$0xAFF0] =	vst.add.f32.msk $0xffff, v0  }
0x129: {  	v0 =	vld [tilespmem:s5+$0xE140]  }
0x12a: {  	v5 =	vld [tilespmem:s5+$0xE150]  }
0x12b: {  	v6 =	vld [tilespmem:s5+$0xE160]  }
0x12c: {  	v7 =	vld [tilespmem:s5+$0xE170]  }
0x12d: {  	v8 =	vld [tilespmem:s5+$0xE180]  }
0x12e: {  	v9 =	vld [tilespmem:s5+$0xE190]  }
0x12f: {  	v10 =	vld [tilespmem:s5+$0xE1A0]  }
0x130: {  	v11 =	vld [tilespmem:s5+$0xE1B0]  }
0x131: {  	v12 =	vld [tilespmem:s5+$0xE1C0]  }
0x132: {  	v13 =	vld [tilespmem:s5+$0xE1D0]  }
0x133: {  	v14 =	vld [tilespmem:s5+$0xE1E0]  }
0x134: {  	[tilespmem:s5+$0xAF00] =	vst.add.f32.msk $0xffff, v1  }
0x135: {  	[tilespmem:s5+$0xAF10] =	vst.add.f32.msk $0xffff, v2  }
0x136: {  	[tilespmem:s5+$0xAF20] =	vst.add.f32.msk $0xffff, v3  }
0x137: {  	[tilespmem:s5+$0xAF30] =	vst.add.f32.msk $0xffff, v4  }
0x138: {  	[tilespmem:s5+$0xAF40] =	vst.add.f32.msk $0xffff, v0  }
0x139: {  	[tilespmem:s5+$0xAF50] =	vst.add.f32.msk $0xffff, v5  }
0x13a: {  	[tilespmem:s5+$0xAF60] =	vst.add.f32.msk $0xffff, v6  }
0x13b: {  	[tilespmem:s5+$0xAF70] =	vst.add.f32.msk $0xffff, v7  }
0x13c: {  	[tilespmem:s5+$0xAF80] =	vst.add.f32.msk $0xffff, v8  }
0x13d: {  	[tilespmem:s5+$0xAF90] =	vst.add.f32.msk $0xffff, v9  }
.Ltmp5:
0x13e: {  	[tilespmem:s5+$0xAFA0] =	vst.add.f32.msk $0xffff, v10;
	(pc) =	sbr.rel @p1 .LBB2_9-.Ltmp5, $4  }
0x13f: {  	[tilespmem:s5+$0xAFB0] =	vst.add.f32.msk $0xffff, v11  }
0x140: {  	[tilespmem:s5+$0xAFC0] =	vst.add.f32.msk $0xffff, v12  }
0x141: {  	[tilespmem:s5+$0xAFD0] =	vst.add.f32.msk $0xffff, v13  }
0x142: {  	[tilespmem:s5+$0xAFE0] =	vst.add.f32.msk $0xffff, v14;
	s5 =	sshra.s32 s7, $0x2;
	s7 =	sadd.s32 $0x400, s7  }
0x143: {  	v0 =	vld [tilespmem:s5+$0xE1F0]  }
0x144: {  	v1 =	vld [tilespmem:s5+$0xE100]  }
0x145: {  	v2 =	vld [tilespmem:s5+$0xE110]  }
0x146: {  	v3 =	vld [tilespmem:s5+$0xE120]  }
0x147: {  	v4 =	vld [tilespmem:s5+$0xE130]  }
0x148: {  	v63 =	vld [tilespmem:s5+$0xE140]  }
0x149: {  	v5 =	vld [tilespmem:s5+$0xE150]  }
0x14a: {  	v6 =	vld [tilespmem:s5+$0xE160]  }
0x14b: {  	v7 =	vld [tilespmem:s5+$0xE170]  }
0x14c: {  	v8 =	vld [tilespmem:s5+$0xE180]  }
0x14d: {  	v9 =	vld [tilespmem:s5+$0xE190]  }
0x14e: {  	v10 =	vld [tilespmem:s5+$0xE1A0]  }
0x14f: {  	v11 =	vld [tilespmem:s5+$0xE1B0]  }
0x150: {  	v12 =	vld [tilespmem:s5+$0xE1C0]  }
0x151: {  	v13 =	vld [tilespmem:s5+$0xE1D0]  }
0x152: {  	v14 =	vld [tilespmem:s5+$0xE1E0]  }
0x153: {  	[tilespmem:s5+$0xAFF0] =	vst.add.f32.msk $0xffff, v0  }
0x154: {  	[tilespmem:s5+$0xAF00] =	vst.add.f32.msk $0xffff, v1  }
0x155: {  	[tilespmem:s5+$0xAF10] =	vst.add.f32.msk $0xffff, v2  }
0x156: {  	[tilespmem:s5+$0xAF20] =	vst.add.f32.msk $0xffff, v3  }
0x157: {  	[tilespmem:s5+$0xAF30] =	vst.add.f32.msk $0xffff, v4  }
0x158: {  	[tilespmem:s5+$0xAF40] =	vst.add.f32.msk $0xffff, v63  }
0x159: {  	[tilespmem:s5+$0xAF50] =	vst.add.f32.msk $0xffff, v5  }
0x15a: {  	[tilespmem:s5+$0xAF60] =	vst.add.f32.msk $0xffff, v6  }
0x15b: {  	[tilespmem:s5+$0xAF70] =	vst.add.f32.msk $0xffff, v7  }
0x15c: {  	[tilespmem:s5+$0xAF80] =	vst.add.f32.msk $0xffff, v8  }
0x15d: {  	[tilespmem:s5+$0xAF90] =	vst.add.f32.msk $0xffff, v9  }
0x15e: {  	[tilespmem:s5+$0xAFA0] =	vst.add.f32.msk $0xffff, v10  }
.Ltmp6:
0x15f: {  	s7 =	sadd.s32 s3, s23;
	[tilespmem:s5+$0xAFB0] =	vst.add.f32.msk $0xffff, v11;
	(pc) =	sbr.rel @p0 .LBB2_12-.Ltmp6, $4  }
0x160: {  	s7 =	sshll.u32 s7, $0x4;
	[tilespmem:s5+$0xAFC0] =	vst.add.f32.msk $0xffff, v12  }
0x161: {  	s7 =	sand.u32 $0x1FFFFF80, s7;
	[tilespmem:s5+$0xAFD0] =	vst.add.f32.msk $0xffff, v13  }
0x162: {  	s23 =	sadd.s32 s6, s7;
	[tilespmem:s5+$0xAFE0] =	vst.add.f32.msk $0xffff, v14  }
0x163: {  	[hbm4b:s23+s26] =	stream.strided.scatter [tilespmem:s28], [sflag:$0x8], $0x3200, s13, s26, $0x38;
	[tilespmem:$0x11300] =	vst v63  }
0x164: {  	_ =	swait.ge [sflag:s16], $0x3200  }
.Ltmp7:
0x165: {  	[sflag:s16] =	ssyncset.done $0x0;
	(pc) =	sbr.rel .LBB2_2-.Ltmp7, $4  }
0x166: {  	s5 =	sadd.s32 $0x4B0, s21;
	[sflag:s16] =	ssyncadd.s32 $0xFFFFCE00  }
0x167: {  	[tilespmem:s22], [sflag:$0x3] =	stream.indirect.gather [hbm4b:s4+s13], $0x40, s5, s13, $0xb8;
	[tilespmem:$0x11300] =	vst v63  }
0x168: {  	s23 =	sadd.s32 $0x530, s21;
	s20 =	sadd.s32 $0x1, s20  }
0x169: {  	[tilespmem:s24], [sflag:$0x3] =	stream.indirect.gather [hbm4b:s4+s15], $0x40, s23, s15, $0xb8;
	[tilespmem:$0x11300] =	vst v63  }
.LBB2_13:
0x16a: {  	_ =	sfence.sel $0x180000  }
0x16b: {  	[bflag:$0x0] =	sbarrier.arrive $0xFFFF  }
0x16c: {  	_ =	strace $0x90000047  }
0x16d: {  	s0 =	stileid.u32;
	[bflag:$0x2] =	sbarrier.arrive $0xFFFF  }
0x16e: {  	p0 =	sne.s32 s0, $0x0;
	s0 =	rddreg [dreg:$0x1]  }
0x16f: {  	s0 =	sadd.s32 @!p0 $0x100000, s0  }
0x170: {  	[sflag:s0] =	ssyncadd.tile.s32 @!p0 $0x1;
	_ =	shalt  }
.Lfunc_end2:
_tile_overlayer_lowered:
.L_overlay_start_2:
0x171: {  	(tag) =	ssettag $0x2  }
0x172: {  	s0 =	rddreg [dreg:$0x0];
	s2 =	stileid.u32  }
0x173: {  	s1 =	rddreg [dreg:$0x1];
	p0 =	sne.s32 s2, $0x0  }
0x174: {  	s3 =	rddreg [dreg:$0x2];
	[bflag:$0x3] =	sbarrier.arrive $0xFFFF;
	s2 =	simm.s32 @!p0 $0x1C09  }
0x175: {  	[timem:s3], [sflag:s2] =	dma.local @!p0 [hbm:s0], s1  }
0x176: {  	s0 =	simm.s32 @!p0 $0x9  }
0x177: {  	_ =	swait.ge @!p0 [sflag:s0], s1  }
0x178: {  	s1 =	ssub.s32 @!p0 $0x0, s1;
	[sflag:s0] =	ssyncset.done @!p0 $0x0  }
0x179: {  	[sflag:s0] =	ssyncadd.s32 @!p0 s1  }
0x17a: {  	[bflag:$0x3] =	sbarrier.arrive $0xFFFF  }
0x17b: {  	_ =	shalt  }

// kernel: sparse-core-data-format-call.cloned.1.call-start
scs
called_computation_lowered:
.L_overlay_start_0:
0x0: {  	s2 =	sld [smem:$0x3FD9]  }
0x1: {  	s3 =	sld [smem:$0x3FFE];
	_ =	sdelay $0x1  }
0x2: {  	s1 =	srdreg.scid  }
0x3: {  	s0 =	sand.u32 $0x1, s1  }
0x4: {  	s18 =	sshll.u32 s0, $0xA;
	s2 =	sadd.s32 s3, s2  }
0x5: {  	s2 =	sadd.s32 s2, s18  }
0x6: {  	[smem:$0x3FC5] =	sst s2  }
0x7: {  	_ = 	snop  }
0x8: {  	s2 =	sld [smem:$0x3FD0];
	(tm) =	ssettm $0x1  }
0x9: {  	s19 =	sld [smem:$0x3FFB];
	_ =	sdelay $0x3  }
0xa: {  	_ =	strace s19  }
0xb: {  	s3 =	sld [smem:$0x3FFC];
	_ =	sdelay $0x3  }
0xc: {  	_ =	strace s3  }
0xd: {  	s3 =	sld [smem:$0x3FFD];
	_ =	sdelay $0x3  }
0xe: {  	_ =	strace s3  }
0xf: {  	_ =	strace $0x8FFFFFFF  }
0x10: {  	s20 =	sld [smem:$0x3FDB];
	_ =	sdelay $0x1  }
0x11: {  	s4 =	simm.s32 $_scs_section_size  }
0x12: {  	s5 =	simm.s32 $_size__tile_overlayer_lowered;
	s6 =	simm.s32 $_tile_overlayer_lowered  }
0x13: {  	s23 =	simm.s32 $0x1BFF;
	s22 =	sshll.u32 s6, $0x1;
	s3 =	sadd.s32 s4, s20  }
0x14: {  	s7 =	simm.s32 $0x0;
	s21 =	sshll.u32 s5, $0x1;
	s5 =	sadd.s32 s22, s3  }
0x15: {  	[timem:s7], [sflag:s23] =	dma.local [hbm:s5], s21  }
0x16: {  	_ =	swait.ge [sflag:s23], s21  }
0x17: {  	s4 =	ssub.s32 $0x0, s21;
	[sflag:s23] =	ssyncset.done $0x0  }
0x18: {  	[sflag:s23] =	ssyncadd.s32 s4;
	_ =	sdelay $0x1  }
0x19: {  	s24 =	simm.s32 $0x1B8B  }
0x1a: {  	_ =	swait.ge [sflag:s24], $0x1  }
0x1b: {  	[sflag:s24] =	ssyncset.done $0x0  }
0x1c: {  	s26 =	simm.s32 $0x1B8E;
	s25 =	sld [smem:$0x3FFE];
	[sflag:s24] =	ssyncadd.s32 $0xFFFFFFFF  }
0x1d: {  	s27 =	simm.s32 $execute0_lowered;
	[smem:$0x3FD2] =	sst s26  }
0x1e: {  	s5 =	sshll.u32 s27, $0x1;
	_ =	strace $0x80000049;
	[dreg:$0x1] =	wrdreg $0xFFFFFFFF  }
0x1f: {  	s28 =	simm.s32 $_size_execute0_lowered;
	s3 =	sadd.s32 s3, s5;
	[dreg:$0x0] =	wrdreg $0x0  }
0x20: {  	s5 =	sshll.u32 s28, $0x1;
	[dreg:$0x2] =	wrdreg s3  }
0x21: {  	[dreg:$0x3] =	wrdreg s5  }
0x22: {  	[dreg:$0x4] =	wrdreg $0xC0  }
0x23: {  	_ =	task [dreg:s7], $0x5FFFF  }
0x24: {  	[dreg:$0x1] =	wrdreg $0xFFFFFFFF  }
0x25: {  	[dreg:$0x0] =	wrdreg $0x60  }
0x26: {  	[dreg:$0x2] =	wrdreg s25  }
0x27: {  	[dreg:$0x3] =	wrdreg s2  }
0x28: {  	[dreg:$0x4] =	wrdreg $0x9  }
0x29: {  	_ =	task.clear_ibuf [dreg:s7], $0x5FFFF;
	_ =	strace $0x90000049  }
0x2a: {  	s29 =	simm.s32 $0x9;
	_ =	strace $0x8000004B  }
0x2b: {  	_ =	swait.ge [sflag:s29], $0x1  }
0x2c: {  	[sflag:s29] =	ssyncadd.s32 $0xFFFFFFFF  }
0x2d: {  	_ =	strace $0x9000004B  }
0x2e: {  	_ =	sfence  }
0x2f: {  	s30 =	sld [smem:$0x0];
	_ =	sdelay $0x2  }
0x30: {  	s31 =	sshll.u32 s1, $0xD;
	s1 =	sshrl.u32 s1, $0x2  }
0x31: {  	s3 =	sand.u32 $0x4000, s31;
	s1 =	sadd.s32 s1, s30  }
0x32: {  	s0 =	sor.u32 s3, s0;
	s1 =	sshll.u32 s1, $0x11  }
0x33: {  	s0 =	sor.u32 s1, s0  }
0x34: {  	s0 =	sadd.s32 $0x8F2B, s0  }
0x35: {  	[sflag:s0] =	ssyncadd.remote.s32 $0x1  }
0x36: {  	_ =	sfence.sel $0xFFFF  }
0x37: {  	[dreg:$0x0] =	wrdreg $0xFFFFFFFF;
	(pc) =	sbr.abs _section_cstart, $3  }
0x38: {  	[dreg:$0x1] =	wrdreg $0xFFFFFFFF  }
0x39: {  	_ =	task.clear_ibuf [dreg:s7], $0x2FFFF;
	_ =	strace $0x9FFFFFFF  }
0x3a: {  	(tm) =	ssettm $0x7FFFFFFF  }
0x3b: {  	_ =	shalt  }
tec
execute0_lowered:
.L_overlay_start_1:
0x0: {  	(tag) =	ssettag $0x1  }
0x1: {  	s0 =	stileid.u32;
	s6 =	rddreg [dreg:$0x0]  }
0x2: {  	s2 =	rddreg [dreg:$0x1];
	s5 =	srdreg.scid  }
0x3: {  	s31 =	simm.s32 $0x2;
	s13 =	simm.s32 $0x0;
	s1 =	sshll.u32 s0, $0x7  }
0x4: {  	s14 =	simm.s32 $0x0;
	s12 =	simm.s32 $0x0;
	s3 =	sand.u32 $0x380, s1  }
0x5: {  	s5 =	sshll.u32 s5, $0x4;
	s6 =	sadd.s32 $0xCAA00, s6;
	s4 =	ssub.s32 $0x400, s3  }
0x6: {  	s1 =	rddreg [dreg:$0x2];
	_ =	strace $0x8000004A;
	s7 =	sand.u32 $0x380, s4  }
0x7: {  	s5 =	sand.u32 $0x10, s5;
	p0 =	sne.s32 s7, $0x0;
	s7 =	simm.s32 $0x1  }
.Ltmp0:
0x8: {  	s8 =	sshrl.u32 s4, $0xA;
	s7 =	simm.s32 @!p0 $0x0;
	(pc) =	sbr.rel .LBB1_1-.Ltmp0, $4  }
0x9: {  	s9 =	sor.u32 s0, s5;
	s4 =	simm.s32 $0x1;
	s30 =	sadd.s32 s7, s8  }
0xa: {  	s11 =	smov.u32 s3;
	[sflag:s4] =	ssyncpa.u1 $0x0;
	s5 =	smul.u32 $0x32, s30  }
0xb: {  	[sflag:s31] =	ssyncpa.u1 $0x0;
	p0 =	por $0x0, $0x0;
	s7 =	sshrl.u32 s9, $0x3  }
0xc: {  	s9 =	simm.s32 $0x2000;
	s10 =	smov.u32 s7;
	s8 =	sor.u32 $0x1, s5  }
.LBB1_4:
0xd: {  	s17 =	sand.u32 $0x1F80, s14;
	s13 =	sshll.u32 s13, $0xD  }
0xe: {  	[tilespmem:s16+$0x810 ss:$0x81] =	vst.msk $0xffff, v2;
	s18 =	sshrl.u32 s14, $0x3;
	s31 =	sand.u32 $0x7, s14;
	s17 =	sadd.s32 s2, s17  }
0xf: {  	[tilespmem:s16+$0x1020 ss:$0x81] =	vst.msk $0xffff, v0;
	s18 =	sand.u32 $0xF, s18;
	s14 =	sshll.u32 s31, $0x12;
	s13 =	sadd.s32 s13, s17  }
0x10: {  	[tilespmem:s16+$0x0 ss:$0x81] =	vst.msk $0xffff, v1;
	s14 =	sor.u32 $0x400, s14;
	s13 =	sadd.s32 s18, s13  }
0x11: {  	[hbm4b:s13+s14] =	stream.strided.scatter [tilespmem:s15], [sflag:$0x2], $0x2000, s9, s14, $0x20;
	[tilespmem:$0x8080] =	vst v63  }
.LBB1_5:
0x12: {  	s15 =	sadd.s32 $0x4, s10  }
0x13: {  	s13 =	sadd.s32 $0x400, s11;
	s17 =	smov.u32 s11;
	p2 =	sgt.s32 s15, $0xC7  }
0x14: {  	s17 =	smov.u32 @p2 s13  }
0x15: {  	s15 =	smov.u32 @p2 s7;
	p2 =	sgt.s32 s17, $0x3FF  }
0x16: {  	s17 =	smov.u32 @p2 s3;
	p2 =	sne.s32 s12, s8  }
.Ltmp1:
0x17: {  	p1 =	slt.u32 s12, $0x2;
	(pc) =	sbr.rel @!p2 .LBB1_6-.Ltmp1, $4  }
0x18: {  	s16 =	simm.s32 @!p1 $0x2  }
0x19: {  	s14 =	smov.u32 s11;
	p0 =	por !p0, !p0;
	_ =	swait.ge @!p1 [sflag:s16], $0x2000  }
0x1a: {  	s13 =	smov.u32 s10;
	[sflag:s16] =	ssyncset.done @!p1 $0x0;
	s10 =	smov.u32 s15  }
0x1b: {  	s12 =	sadd.s32 $0x1, s12;
	[sflag:s16] =	ssyncadd.s32 @!p1 $0xFFFFE000;
	s11 =	smov.u32 s17  }
.LBB1_1:
0x1c: {  	p1 =	sge.u32 s12, s5  }
0x1d: {  	s15 =	sand.u32 @!p1 $0x1FFFFFF, s10  }
0x1e: {  	s16 =	smulhi.u32 @!p1 $0x147AE15, s15;
	_ =	sdelay $0x1  }
0x1f: {  	s16 =	smul.u32 @!p1 $0xC8, s16  }
0x20: {  	s17 =	sxor.u32 @!p1 $0xFFFFFFFF, s12;
	s18 =	smul.u32 @!p1 $0xC80, s11  }
0x21: {  	s31 =	sadd.s32 $0xFFFFFFFF, s12;
	s17 =	sshll.u32 @!p1 s17, $0xD;
	s15 =	ssub.s32 @!p1 s15, s16  }
0x22: {  	s16 =	sand.u32 @!p1 $0x2000, s17;
	s17 =	sadd.s32 @!p1 s6, s18;
	s15 =	sshll.u32 @!p1 s15, $0x4  }
0x23: {  	s18 =	simm.s32 @!p1 $0x6400;
	s15 =	sadd.s32 @!p1 s15, s17;
	s17 =	simm.s32 @!p1 $0x40  }
0x24: {  	[tilespmem:s16], [sflag:$0x1] =	stream.strided.gather @!p1 [hbm4b:s15+s17], $0x2000, s18, s17, $0x38;
	[tilespmem:$0x8080] =	vst v63  }
0x25: {  	p1 =	sge.u32 s31, s5  }
.Ltmp2:
0x26: {  	_ = 	snop;
	(pc) =	sbr.rel @p1 .LBB1_5-.Ltmp2, $1  }
0x27: {  	_ =	sdelay $0x3  }
0x28: {  	s15 =	simm.s32 $0x1  }
0x29: {  	_ =	swait.ge [sflag:s4], $0x2000;
	s15 =	simm.s32 @!p0 $0x0  }
0x2a: {  	[sflag:s4] =	ssyncset.done $0x0;
	s16 =	sshll.u32 s15, $0xD  }
0x2b: {  	[sflag:s4] =	ssyncadd.s32 $0xFFFFE000;
	s19 =	sor.u32 $0x20, s16  }
0x2c: {  	s15 =	smul.u32 $0x8100, s15;
	v3 =	vld [tilespmem:s19+$0x10]  }
0x2d: {  	s30 =	sand.u32 $0x1, s12;
	v2 =	vld [tilespmem:s19+$0xFFFFFFF0]  }
0x2e: {  	s16 =	smul.u32 $0x8100, s30;
	s15 =	sshrl.u32 s15, $0x2;
	v0 =	vld [tilespmem:s19+$0x0]  }
0x2f: {  	v1 =	vld [tilespmem:s19+$0xFFFFFFE0];
	s17 =	sor.u32 $0x4000, s15  }
0x30: {  	s31 =	sshrl.u32 s16, $0x2;
	s16 =	sadd.s32 $0x0, s17  }
0x31: {  	s18 =	simm.s32 $0x4;
	s19 =	sadd.s32 $0x40, s19;
	s15 =	sor.u32 $0x4000, s31;
	[tilespmem:s16+$0x1830 ss:$0x81] =	vst.msk $0xffff, v3  }
.LBB1_3:
0x32: {  	v3 =	vld [tilespmem:s19+$0x10];
	p1 =	sne.s32 s18, $0x1FC;
	[tilespmem:s16+$0x810 ss:$0x81] =	vst.msk $0xffff, v2;
	s20 =	smov.u32 s18;
	s18 =	sadd.s32 $0x4, s18  }
.Ltmp3:
0x33: {  	v2 =	vld [tilespmem:s19+$0xFFFFFFF0];
	[tilespmem:s16+$0x1020 ss:$0x81] =	vst.msk $0xffff, v0;
	(pc) =	sbr.rel @p1 .LBB1_3-.Ltmp3, $4  }
0x34: {  	v0 =	vld [tilespmem:s19+$0x0];
	[tilespmem:s16+$0x0 ss:$0x81] =	vst.msk $0xffff, v1  }
0x35: {  	s16 =	sshra.s32 s20, $0x2;
	v1 =	vld [tilespmem:s19+$0xFFFFFFE0]  }
0x36: {  	s16 =	sadd.s32 s16, s17  }
0x37: {  	s19 =	sadd.s32 $0x40, s19;
	[tilespmem:s16+$0x1830 ss:$0x81] =	vst.msk $0xffff, v3  }
.Ltmp4:
0x38: {  	_ = 	snop;
	(pc) =	sbr.rel .LBB1_4-.Ltmp4, $1  }
0x39: {  	_ =	sdelay $0x3  }
.LBB1_6:
0x3a: {  	_ =	sfence.sel $0x180000  }
0x3b: {  	s2 =	simm.s32 $0x1;
	[bflag:$0x0] =	sbarrier.arrive $0xFFFF  }
0x3c: {  	s31 =	simm.s32 $0x2;
	[sflag:s2] =	ssyncpa.u1 $0x1  }
0x3d: {  	[sflag:s31] =	ssyncpa.u1 $0x1  }
0x3e: {  	p0 =	sne.s32 s0, $0x0;
	_ =	strace $0x9000004A  }
0x3f: {  	s0 =	sadd.s32 @!p0 $0x100000, s1;
	[bflag:$0x2] =	sbarrier.arrive $0xFFFF  }
0x40: {  	[sflag:s0] =	ssyncadd.tile.s32 @!p0 $0x1;
	_ =	shalt  }
.Lfunc_end1:
_tile_overlayer_lowered:
.L_overlay_start_2:
0x41: {  	(tag) =	ssettag $0x2  }
0x42: {  	s0 =	rddreg [dreg:$0x0];
	s2 =	stileid.u32  }
0x43: {  	s1 =	rddreg [dreg:$0x1];
	p0 =	sne.s32 s2, $0x0  }
0x44: {  	s3 =	rddreg [dreg:$0x2];
	[bflag:$0x3] =	sbarrier.arrive $0xFFFF;
	s2 =	simm.s32 @!p0 $0x1C01  }
0x45: {  	[timem:s3], [sflag:s2] =	dma.local @!p0 [hbm:s0], s1  }
0x46: {  	s0 =	simm.s32 @!p0 $0x1  }
0x47: {  	_ =	swait.ge @!p0 [sflag:s0], s1  }
0x48: {  	s1 =	ssub.s32 @!p0 $0x0, s1;
	[sflag:s0] =	ssyncset.done @!p0 $0x0  }
0x49: {  	[sflag:s0] =	ssyncadd.s32 @!p0 s1  }
0x4a: {  	[bflag:$0x3] =	sbarrier.arrive $0xFFFF  }
0x4b: {  	_ =	shalt  }

</sc_bundles>
